<compile_context>
chip_gen: v7x
topology: tpu7x:2x2x1
jax: 0.10.2.dev20260603
libtpu: 0.0.44.dev20260713+nightly
codegen_flags: <defaults>
</compile_context>

<pallas_src>
import functools

import jax
import jax.numpy as jnp
from jax.experimental import pallas as pl
from jax.experimental.pallas import tpu as pltpu
from jax.experimental.pallas import tpu_sc as plsc

_N = 20000
_B = 2
_CIN = 128
_K = 500
_GRID = 180
_NUM_HEADS = 2
_STRIDE = 8
_VOXEL = (0.075, 0.075, 0.2)
_PC_RANGE = (-54.0, -54.0, -5.0, 54.0, 54.0, 3.0)
_LIMIT = (-61.2, -61.2, -10.0, 61.2, 61.2, 10.0)
_SCORE_THRESH = 0.1

_NPAD = 20480
_ROWS1 = 2048
_KSLOT = 512
_SEL = _NUM_HEADS * _B * _KSLOT
_ROWS2 = _KSLOT


def _k1_body(f_ref, a1_ref, b1_ref, mu_ref, var_ref, ga_ref, be_ref,
             w2_ref, b2_ref, out_ref):
    f = f_ref[...]
    h = jnp.dot(f, a1_ref[...], preferred_element_type=jnp.float32)
    h = h + b1_ref[...]
    h = (h - mu_ref[...]) / jnp.sqrt(var_ref[...] + 1e-5) * ga_ref[...] + be_ref[...]
    h = jnp.maximum(h, 0.0)
    o = jnp.dot(h, w2_ref[...], preferred_element_type=jnp.float32)
    out_ref[...] = o + b2_ref[...]


def _k2_body(g_ref, a1_ref, b1_ref, mu_ref, var_ref, ga_ref, be_ref,
             w2_ref, b2_ref, vx_ref, vy_ref, ts_ref, cls_ref,
             comps_ref, labs_ref):
    hid = pl.program_id(0) % _NUM_HEADS
    g = g_ref[...]
    h = jnp.dot(g, a1_ref[0], preferred_element_type=jnp.float32)
    h = h + b1_ref[0]
    h = (h - mu_ref[0]) / jnp.sqrt(var_ref[0] + 1e-5) * ga_ref[0] + be_ref[0]
    h = jnp.maximum(h, 0.0)
    o = jnp.dot(h, w2_ref[0], preferred_element_type=jnp.float32) + b2_ref[0]
    vx = vx_ref[...]
    vy = vy_ref[...]
    ts = ts_ref[...]
    cls = cls_ref[...]
    ctrx = o[:, 0:1]
    ctry = o[:, 1:2]
    zs = o[:, 2:3]
    dims = jnp.exp(o[:, 3:6])
    rc = o[:, 6:7]
    rs = o[:, 7:8]
    xs = (vx + ctrx) * _STRIDE * _VOXEL[0] + _PC_RANGE[0]
    ys = (vy + ctry) * _STRIDE * _VOXEL[1] + _PC_RANGE[1]
    ang = jnp.arctan2(rs, rc)
    valid = ((ts > _SCORE_THRESH)
             & (xs >= _LIMIT[0]) & (xs <= _LIMIT[3])
             & (ys >= _LIMIT[1]) & (ys <= _LIMIT[4])
             & (zs >= _LIMIT[2]) & (zs <= _LIMIT[5]))
    z = jnp.zeros_like(xs)
    comps_ref[:, 0:1] = jnp.where(valid, xs, z)
    comps_ref[:, 1:2] = jnp.where(valid, ys, z)
    comps_ref[:, 2:3] = jnp.where(valid, zs, z)
    comps_ref[:, 3:4] = jnp.where(valid, dims[:, 0:1], z)
    comps_ref[:, 4:5] = jnp.where(valid, dims[:, 1:2], z)
    comps_ref[:, 5:6] = jnp.where(valid, dims[:, 2:3], z)
    comps_ref[:, 6:7] = jnp.where(valid, ang, z)
    comps_ref[:, 7:8] = jnp.where(valid, ts, z)
    lab = cls + (1 + 3 * hid)
    labs_ref[...] = jnp.where(valid, lab, 0)


_NCOMBO = _NUM_HEADS * _B
_FLAT = _N * 3
_FPAD = 61440
_CHUNK = _FPAD // 8
_CAP = 1024


def _k1b_body(bits_ref, thr_ref):
    xs = [bits_ref[c] for c in range(_NCOMBO)]

    def step(j, ts):
        bit = 1 << (29 - j)
        out = []
        for c in range(_NCOMBO):
            tc = ts[c] | bit
            cnt = jnp.sum((xs[c] >= tc).astype(jnp.int32))
            out.append(jnp.where(cnt >= _K, tc, ts[c]))
        return tuple(out)

    ts = jax.lax.fori_loop(0, 16, step, (jnp.int32(0),) * _NCOMBO)
    for c in range(_NCOMBO):
        thr_ref[c] = jnp.full((1, 128), ts[c], jnp.int32)


def _sc_compact(bits4, thr16):
    f32, i32 = jnp.float32, jnp.int32
    mesh = plsc.VectorSubcoreMesh(core_axis_name="c", subcore_axis_name="s")

    nrows = _CAP // 16
    orows = nrows + 16

    @functools.partial(
        pl.kernel,
        out_type=[jax.ShapeDtypeStruct((_NCOMBO, orows, 16), f32),
                  jax.ShapeDtypeStruct((_NCOMBO, orows, 16), i32)],
        mesh=mesh,
        compiler_params=pltpu.CompilerParams(needs_layout_passes=False,
                                             use_tc_tiling_on_sc=False),
        scratch_types=[
            pltpu.VMEM((_CHUNK,), i32),
            pltpu.VMEM((4, 16, 16), f32),
            pltpu.VMEM((4, 16, 16), i32),
            pltpu.VMEM((16, 16), f32),
            pltpu.VMEM((16, 16), i32),
            pltpu.VMEM((16,), i32),
            pltpu.VMEM((16,), i32),
            pltpu.VMEM((16, 16), i32),
            pltpu.VMEM_SHARED((32, 16), i32),
        ],
    )
    def run(bits_hbm, thr_hbm, out_v, out_i,
            chunk, lvf, lvi, zvf, zvi, tvm, cnt_v, cnt8, sh_cnt):
        c = jax.lax.axis_index("c")
        s = jax.lax.axis_index("s")
        g = s // 8
        t = s % 8
        combo = c * 2 + g
        base = t * _CHUNK
        iota = jax.lax.iota(i32, 16)

        pltpu.sync_copy(bits_hbm.at[combo, pl.ds(base, _CHUNK)], chunk)
        pltpu.sync_copy(thr_hbm.at[combo], tvm)
        thr = tvm[...][0]

        def zbody(r, carry):
            for j in range(4):
                lvf[j, r] = jnp.zeros((16,), f32)
                lvi[j, r] = jnp.zeros((16,), i32)
            zvf[r] = jnp.zeros((16,), f32)
            zvi[r] = jnp.zeros((16,), i32)
            return carry
        jax.lax.fori_loop(0, 16, zbody, 0)

        def cbody(i, wv):
            v = chunk[pl.ds(i * 16, 16)]
            m = v >= thr
            mi = m.astype(i32)
            ranks = plsc.cumsum(mi) - mi
            pos = jnp.minimum(wv + ranks, _CAP - 1)
            plsc.store_scatter(lvf, [pos >> 8, (pos >> 4) & 15, pos & 15],
                               plsc.bitcast(v, f32), mask=m)
            plsc.store_scatter(lvi, [pos >> 8, (pos >> 4) & 15, pos & 15],
                               base + i * 16 + iota, mask=m)
            return wv + plsc.all_reduce_population_count(m)

        wv = jax.lax.fori_loop(0, _CHUNK // 16, cbody, jnp.zeros((16,), i32))
        rv = (wv + 15) >> 4
        rows = jnp.max(rv)
        cnt_v[...] = rv
        pltpu.sync_copy(cnt_v, sh_cnt.at[g * 16 + t])
        plsc.subcore_barrier()

        pltpu.sync_copy(sh_cnt.at[pl.ds(g * 16, 16)], cnt8)
        row_off = jnp.int32(0)
        total = jnp.int32(0)
        for r in range(8):
            cr = cnt8[r][0]
            row_off = row_off + jnp.where(t > r, cr, 0)
            total = total + cr

        for j in range(4):
            local_r = j * 16 + iota
            ridx = jnp.where(local_r < rows,
                             jnp.minimum(row_off + local_r, nrows - 1),
                             nrows + iota)
            pltpu.sync_copy(lvf.at[j], out_v.at[combo].at[ridx])
            pltpu.sync_copy(lvi.at[j], out_i.at[combo].at[ridx])

        @pl.when(t == 7)
        def _():
            for j in range(4):
                zidx = jnp.minimum(total + j * 16 + iota, orows - 1)
                pltpu.sync_copy(zvf, out_v.at[combo].at[zidx])
                pltpu.sync_copy(zvi, out_i.at[combo].at[zidx])

    out_v, out_i = run(bits4, thr16)
    return (out_v[:, :nrows].reshape(_NCOMBO, _CAP),
            out_i[:, :nrows].reshape(_NCOMBO, _CAP))


def _stack_branch(params, branch_names):
    a1s, b1s, mus, vars_, gas, bes, w2s, b2s = [], [], [], [], [], [], [], []
    for h in range(_NUM_HEADS):
        hp = params['head%d' % h]
        a1 = jnp.concatenate([hp[br]['W1'] for br in branch_names], axis=1)
        b1 = jnp.concatenate([hp[br]['b1'] for br in branch_names], axis=0)
        mu = jnp.concatenate([hp[br]['mean'] for br in branch_names], axis=0)
        var = jnp.concatenate([hp[br]['var'] for br in branch_names], axis=0)
        ga = jnp.concatenate([hp[br]['gamma'] for br in branch_names], axis=0)
        be = jnp.concatenate([hp[br]['beta'] for br in branch_names], axis=0)
        cos = [hp[br]['W2'].shape[1] for br in branch_names]
        cot = sum(cos)
        blocks = []
        for i, br in enumerate(branch_names):
            w2 = hp[br]['W2']
            left = sum(cos[:i])
            blocks.append(jnp.pad(w2, ((0, 0), (left, cot - left - w2.shape[1]))))
        w2 = jnp.concatenate(blocks, axis=0)
        b2 = jnp.concatenate([hp[br]['b2'] for br in branch_names], axis=0)
        a1s.append(a1); b1s.append(b1); mus.append(mu); vars_.append(var)
        gas.append(ga); bes.append(be); w2s.append(w2); b2s.append(b2)
    return a1s, b1s, mus, vars_, gas, bes, w2s, b2s


def kernel(features, voxel_indices, params):
    f32 = jnp.float32
    feats = jnp.pad(features, ((0, _NPAD - _N), (0, 0)))

    a1s, b1s, mus, vars_, gas, bes, w2s, b2s = _stack_branch(params, ['hm'])
    a1 = jnp.concatenate(a1s, axis=1)
    b1 = jnp.concatenate(b1s)[None, :]
    mu = jnp.concatenate(mus)[None, :]
    var = jnp.concatenate(vars_)[None, :]
    ga = jnp.concatenate(gas)[None, :]
    be = jnp.concatenate(bes)[None, :]
    w2 = jax.scipy.linalg.block_diag(*w2s)
    w2 = jnp.pad(w2, ((0, 0), (0, 2)))
    b2 = jnp.pad(jnp.concatenate(b2s), (0, 2))[None, :]

    hidden1 = _NUM_HEADS * _CIN
    grid1 = _NPAD // _ROWS1
    logits = pl.pallas_call(
        _k1_body,
        grid=(grid1,),
        in_specs=[
            pl.BlockSpec((_ROWS1, _CIN), lambda i: (i, 0)),
            pl.BlockSpec((_CIN, hidden1), lambda i: (0, 0)),
            pl.BlockSpec((1, hidden1), lambda i: (0, 0)),
            pl.BlockSpec((1, hidden1), lambda i: (0, 0)),
            pl.BlockSpec((1, hidden1), lambda i: (0, 0)),
            pl.BlockSpec((1, hidden1), lambda i: (0, 0)),
            pl.BlockSpec((1, hidden1), lambda i: (0, 0)),
            pl.BlockSpec((hidden1, 8), lambda i: (0, 0)),
            pl.BlockSpec((1, 8), lambda i: (0, 0)),
        ],
        out_specs=pl.BlockSpec((_ROWS1, 8), lambda i: (i, 0)),
        out_shape=jax.ShapeDtypeStruct((_NPAD, 8), f32),
    )(feats, a1, b1, mu, var, ga, be, w2, b2)

    batch_index = voxel_indices[:, 0]
    hm = jax.nn.sigmoid(logits[:_N, :])
    flats = []
    for b in range(_B):
        mask = (batch_index == b)
        maskf = mask[:, None].astype(f32)
        for h in range(_NUM_HEADS):
            hm_h = hm[:, 3 * h:3 * h + 3]
            flat = (hm_h * maskf).reshape(-1)
            flats.append(jnp.pad(flat, (0, _FPAD - _FLAT), constant_values=-1.0))
    scores4 = jnp.stack(flats)
    bits4 = jax.lax.bitcast_convert_type(scores4, jnp.int32)

    thr = pl.pallas_call(
        _k1b_body,
        grid=(1,),
        in_specs=[pl.BlockSpec((_NCOMBO, _FPAD // 128, 128), lambda i: (0, 0, 0))],
        out_specs=pl.BlockSpec((_NCOMBO, 1, 128), lambda i: (0, 0, 0)),
        out_shape=jax.ShapeDtypeStruct((_NCOMBO, 1, 128), jnp.int32),
    )(bits4.reshape(_NCOMBO, _FPAD // 128, 128))
    thr = thr[:, 0, :]

    cvals, cidx = _sc_compact(bits4, thr[:, :16])
    tvals, tpos = jax.lax.top_k(cvals, _K)
    ti = jnp.take_along_axis(cidx, tpos, axis=1)
    vid = jnp.pad(ti // 3, ((0, 0), (0, _KSLOT - _K)))
    cls = jnp.pad(ti % 3, ((0, 0), (0, _KSLOT - _K)))
    ts = jnp.pad(tvals, ((0, 0), (0, _KSLOT - _K)))

    vid_flat = vid.reshape(-1)
    g = features[vid_flat]
    vxg = voxel_indices[:, 2].astype(f32)[vid_flat][:, None]
    vyg = voxel_indices[:, 1].astype(f32)[vid_flat][:, None]

    a1s, b1s, mus, vars_, gas, bes, w2s, b2s = _stack_branch(
        params, ['center', 'center_z', 'dim', 'rot'])
    a1 = jnp.stack(a1s)
    b1 = jnp.stack(b1s)[:, None, :]
    mu = jnp.stack(mus)[:, None, :]
    var = jnp.stack(vars_)[:, None, :]
    ga = jnp.stack(gas)[:, None, :]
    be = jnp.stack(bes)[:, None, :]
    w2 = jnp.stack(w2s)
    b2 = jnp.stack(b2s)[:, None, :]

    hidden2 = 4 * _CIN
    comps, labs = pl.pallas_call(
        _k2_body,
        grid=(_NCOMBO,),
        in_specs=[
            pl.BlockSpec((_ROWS2, _CIN), lambda i: (i, 0)),
            pl.BlockSpec((1, _CIN, hidden2), lambda i: (i % _NUM_HEADS, 0, 0)),
            pl.BlockSpec((1, 1, hidden2), lambda i: (i % _NUM_HEADS, 0, 0)),
            pl.BlockSpec((1, 1, hidden2), lambda i: (i % _NUM_HEADS, 0, 0)),
            pl.BlockSpec((1, 1, hidden2), lambda i: (i % _NUM_HEADS, 0, 0)),
            pl.BlockSpec((1, 1, hidden2), lambda i: (i % _NUM_HEADS, 0, 0)),
            pl.BlockSpec((1, 1, hidden2), lambda i: (i % _NUM_HEADS, 0, 0)),
            pl.BlockSpec((1, hidden2, 8), lambda i: (i % _NUM_HEADS, 0, 0)),
            pl.BlockSpec((1, 1, 8), lambda i: (i % _NUM_HEADS, 0, 0)),
            pl.BlockSpec((_ROWS2, 1), lambda i: (i, 0)),
            pl.BlockSpec((_ROWS2, 1), lambda i: (i, 0)),
            pl.BlockSpec((_ROWS2, 1), lambda i: (i, 0)),
            pl.BlockSpec((_ROWS2, 1), lambda i: (i, 0)),
        ],
        out_specs=[
            pl.BlockSpec((_ROWS2, 8), lambda i: (i, 0)),
            pl.BlockSpec((_ROWS2, 1), lambda i: (i, 0)),
        ],
        out_shape=[
            jax.ShapeDtypeStruct((_SEL, 8), f32),
            jax.ShapeDtypeStruct((_SEL, 1), jnp.int32),
        ],
    )(g, a1, b1, mu, var, ga, be, w2, b2,
      vxg, vyg, ts.reshape(-1)[:, None], cls.reshape(-1)[:, None])

    comps4 = comps.reshape(_B, _NUM_HEADS, _KSLOT, 8)[:, :, :_K, :]
    labs4 = labs.reshape(_B, _NUM_HEADS, _KSLOT)[:, :, :_K]
    pred_boxes = comps4[..., :7].reshape(_B, _NUM_HEADS * _K, 7)
    pred_scores = comps4[..., 7].reshape(_B, _NUM_HEADS * _K)
    pred_labels = labs4.reshape(_B, _NUM_HEADS * _K)
    return (pred_boxes, pred_scores, pred_labels)

# --- scband reference (transcript-rebuilt; emitter-appended) ---
"""Pipeline reference for scband-voxel-ne-xt-head-70480413327748 (READ-ONLY COPY).

The authoritative reference and input builder live on the scoring server;
editing this copy changes nothing except your own understanding.
"""

import jax, jax.numpy as jnp
import numpy as np

N = 20000
B = 2
CIN = 128
K = 500
STRIDE = 8
GRID = 180
PC_RANGE = (-54.0, -54.0, -5.0, 54.0, 54.0, 3.0)
VOXEL = (0.075, 0.075, 0.2)
LIMIT = (-61.2, -61.2, -10.0, 61.2, 61.2, 10.0)
SCORE_THRESH = 0.1
HEAD_CLASSES = [[0, 1, 2], [3, 4, 5]]
BRANCH_OUT = {'hm': 3, 'center': 2, 'center_z': 1, 'dim': 3, 'rot': 2}
NUM_HEADS = 2


def setup_inputs(seed: int = 0) -> dict:
    key = jax.random.key(seed)
    keys = iter(jax.random.split(key, 64))
    features = jax.random.normal(next(keys), (N, CIN), dtype=jnp.float32)
    b = jax.random.randint(next(keys), (N,), 0, B)
    y = jax.random.randint(next(keys), (N,), 0, GRID)
    x = jax.random.randint(next(keys), (N,), 0, GRID)
    voxel_indices = jnp.stack([b, y, x], axis=1).astype(jnp.int32)
    params = {}
    for h in range(NUM_HEADS):
        hp = {}
        for br, co in BRANCH_OUT.items():
            W1 = jax.random.normal(next(keys), (CIN, CIN), dtype=jnp.float32) * 0.05
            b1 = jnp.zeros((CIN,), dtype=jnp.float32)
            gamma = jnp.ones((CIN,), dtype=jnp.float32)
            beta = jnp.zeros((CIN,), dtype=jnp.float32)
            mean = jnp.zeros((CIN,), dtype=jnp.float32)
            var = jnp.ones((CIN,), dtype=jnp.float32)
            W2 = jax.random.normal(next(keys), (CIN, co), dtype=jnp.float32) * 0.05
            b2 = jnp.full((co,), -2.19, dtype=jnp.float32) if br == 'hm' else jnp.zeros((co,), dtype=jnp.float32)
            hp[br] = {'W1': W1, 'b1': b1, 'gamma': gamma, 'beta': beta, 'mean': mean, 'var': var, 'W2': W2, 'b2': b2}
        params['head%d' % h] = hp
    return {'features': features, 'voxel_indices': voxel_indices, 'params': params}


def _branch(feat, p):
    # SubMConv2d(k=1) on active voxels == pointwise linear, then BN(eval) + ReLU, then 1x1 out conv
    h = feat @ p['W1'] + p['b1']
    h = (h - p['mean']) / jnp.sqrt(p['var'] + 1e-5) * p['gamma'] + p['beta']
    h = jax.nn.relu(h)
    return h @ p['W2'] + p['b2']


def reference(features, voxel_indices, params):
    batch_index = voxel_indices[:, 0]
    vx = voxel_indices[:, 2].astype(jnp.float32)
    vy = voxel_indices[:, 1].astype(jnp.float32)
    # per-head predictions over all active voxels
    preds = []
    for h in range(NUM_HEADS):
        hp = params['head%d' % h]
        hm = jax.nn.sigmoid(_branch(features, hp['hm']))
        ctr = _branch(features, hp['center'])
        cz = _branch(features, hp['center_z'])
        dim = jnp.exp(_branch(features, hp['dim']))
        rot = _branch(features, hp['rot'])
        preds.append({'hm': hm, 'ctr': ctr, 'cz': cz, 'dim': dim, 'rc': rot[:, 0], 'rs': rot[:, 1]})
    C = 3
    boxes_b, scores_b, labels_b = [], [], []
    for bidx in range(B):
        mask = (batch_index == bidx)
        bb, ss, ll = [], [], []
        for h in range(NUM_HEADS):
            pd = preds[h]
            flat = (pd['hm'] * mask[:, None].astype(jnp.float32)).reshape(-1)
            top_s, top_i = jax.lax.top_k(flat, K)
            vid = top_i // C
            cls = top_i % C
            xs = (vx[vid] + pd['ctr'][vid, 0]) * STRIDE * VOXEL[0] + PC_RANGE[0]
            ys = (vy[vid] + pd['ctr'][vid, 1]) * STRIDE * VOXEL[1] + PC_RANGE[1]
            zs = pd['cz'][vid, 0]
            d = pd['dim'][vid]
            ang = jnp.arctan2(pd['rs'][vid], pd['rc'][vid])
            box = jnp.stack([xs, ys, zs, d[:, 0], d[:, 1], d[:, 2], ang], axis=-1)
            valid = (top_s > SCORE_THRESH) & (xs >= LIMIT[0]) & (xs <= LIMIT[3]) & (ys >= LIMIT[1]) & (ys <= LIMIT[4]) & (zs >= LIMIT[2]) & (zs <= LIMIT[5])
            sc = jnp.where(valid, top_s, 0.0)
            box = jnp.where(valid[:, None], box, 0.0)
            lab = jnp.asarray(HEAD_CLASSES[h], dtype=jnp.int32)[cls] + 1
            lab = jnp.where(valid, lab, 0)
            bb.append(box)
            ss.append(sc)
            ll.append(lab)
        boxes_b.append(jnp.concatenate(bb, axis=0))
        scores_b.append(jnp.concatenate(ss, axis=0))
        labels_b.append(jnp.concatenate(ll, axis=0))
    pred_boxes = jnp.stack(boxes_b, axis=0)
    pred_scores = jnp.stack(scores_b, axis=0)
    pred_labels = jnp.stack(labels_b, axis=0)
    return (pred_boxes, pred_scores, pred_labels)

if __name__ == "__main__":
    import jax
    _d = setup_inputs()
    print(jax.jit(kernel)(*tuple(_d.values())))

</pallas_src>

<mosaic_0001>
#map = affine_map<(d0, d1) -> (0, 0)>
#map1 = affine_map<(d0, d1) -> (0, 0, 0)>
module attributes {stable_mosaic.version = 14 : i64} {
  func.func @run(%arg0: i32, %arg1: i32, %arg2: memref<4x61440xi32, #tpu.memory_space<hbm>>, %arg3: memref<4x16xi32, #tpu.memory_space<hbm>>, %arg4: memref<4x80x16xf32, #tpu.memory_space<hbm>>, %arg5: memref<4x80x16xi32, #tpu.memory_space<hbm>>, %arg6: memref<7680xi32, #tpu.memory_space<vmem>>, %arg7: memref<4x16x16xf32, #tpu.memory_space<vmem>>, %arg8: memref<4x16x16xi32, #tpu.memory_space<vmem>>, %arg9: memref<16x16xf32, #tpu.memory_space<vmem>>, %arg10: memref<16x16xi32, #tpu.memory_space<vmem>>, %arg11: memref<16xi32, #tpu.memory_space<vmem>>, %arg12: memref<16xi32, #tpu.memory_space<vmem>>, %arg13: memref<16x16xi32, #tpu.memory_space<vmem>>, %arg14: memref<32x16xi32, #tpu.memory_space<vmem_shared>>) attributes {dimension_semantics = [#tpu.dimension_semantics<core_parallel>, #tpu.dimension_semantics<subcore_parallel>], iteration_bounds = array<i64: 2, 16>, scalar_prefetch = 0 : i64, scratch_operands = 9 : i64, tpu.core_type = #tpu.core_type<sc_vector_subcore>, window_params = [{transform_indices = #map}, {transform_indices = #map}, {transform_indices = #map1}, {transform_indices = #map1}]} {
    %jit3A = arith.constant 8 : i32
    %div3A = arith.divsi %arg1, %jit3A : i32
    %sign3A = arith.constant 0 : i32
    %sign3A_0 = arith.cmpi sgt, %arg1, %sign3A : i32
    %sign3A_1 = arith.extui %sign3A_0 : i1 to i32
    %sign3A_2 = arith.constant 0 : i32
    %sign3A_3 = arith.cmpi slt, %arg1, %sign3A_2 : i32
    %sign3A_4 = arith.extui %sign3A_3 : i1 to i32
    %sign3A_5 = arith.subi %sign3A_1, %sign3A_4 : i32
    %sign3A_6 = arith.constant 0 : i32
    %sign3A_7 = arith.cmpi sgt, %jit3A, %sign3A_6 : i32
    %sign3A_8 = arith.extui %sign3A_7 : i1 to i32
    %sign3A_9 = arith.constant 0 : i32
    %sign3A_10 = arith.cmpi slt, %jit3A, %sign3A_9 : i32
    %sign3A_11 = arith.extui %sign3A_10 : i1 to i32
    %sign3A_12 = arith.subi %sign3A_8, %sign3A_11 : i32
    %ne3A = arith.cmpi ne, %sign3A_5, %sign3A_12 : i32
    %rem3A = arith.remsi %arg1, %jit3A : i32
    %ne3A_13 = arith.constant 0 : i32
    %ne3A_14 = arith.cmpi ne, %rem3A, %ne3A_13 : i32
    %and3A = arith.andi %ne3A, %ne3A_14 : i1
    %sub3A = arith.constant 1 : i32
    %sub3A_15 = arith.subi %div3A, %sub3A : i32
    %select_n3A = arith.select %and3A, %sub3A_15, %div3A : i32
    %jit3A_16 = arith.constant 8 : i32
    %eq3A = arith.constant 0 : i32
    %eq3A_17 = arith.cmpi eq, %jit3A_16, %eq3A : i32
    %jit3A_18 = arith.constant 1 : i32
    %select_n3A_19 = arith.select %eq3A_17, %jit3A_18, %jit3A_16 : i32
    %rem3A_20 = arith.remsi %arg1, %select_n3A_19 : i32
    %ne3A_21 = arith.constant 0 : i32
    %ne3A_22 = arith.cmpi ne, %rem3A_20, %ne3A_21 : i32
    %lt3A = arith.constant 0 : i32
    %lt3A_23 = arith.cmpi slt, %rem3A_20, %lt3A : i32
    %lt3A_24 = arith.constant 0 : i32
    %lt3A_25 = arith.cmpi slt, %select_n3A_19, %lt3A_24 : i32
    %ne3A_26 = arith.xori %lt3A_23, %lt3A_25 : i1
    %and3A_27 = arith.andi %ne3A_26, %ne3A_22 : i1
    %add3A = arith.addi %rem3A_20, %select_n3A_19 : i32
    %select_n3A_28 = arith.select %and3A_27, %add3A, %rem3A_20 : i32
    %mul3A = arith.constant 2 : i32
    %mul3A_29 = arith.muli %arg0, %mul3A : i32
    %add3A_30 = arith.addi %mul3A_29, %select_n3A : i32
    %mul3A_31 = arith.constant 7680 : i32
    %mul3A_32 = arith.muli %select_n3A_28, %mul3A_31 : i32
    %iota3A = tpu.iota {dimensions = array<i32: 0>} : vector<16xi32>
    "tpu.region"() ({
      %run_scoped3A_226 = tpu.sem_alloc : memref<!tpu.dma_semaphore, #tpu.memory_space<semaphore_mem>>
      %dma_start3A = tpu.memref_slice %arg2[%add3A_30, %mul3A_32] : memref<4x61440xi32, #tpu.memory_space<hbm>> -> memref<1x7680xi32, #tpu.memory_space<hbm>>
      %dma_start3A_227 = tpu.memref_squeeze %dma_start3A : memref<1x7680xi32, #tpu.memory_space<hbm>> -> memref<7680xi32, #tpu.memory_space<hbm>>
      %dma_start3A_228 = tpu.memref_slice %arg2[%add3A_30, %mul3A_32] : memref<4x61440xi32, #tpu.memory_space<hbm>> -> memref<1x7680xi32, #tpu.memory_space<hbm>>
      %dma_start3A_229 = tpu.memref_squeeze %dma_start3A_228 : memref<1x7680xi32, #tpu.memory_space<hbm>> -> memref<7680xi32, #tpu.memory_space<hbm>>
      tpu.enqueue_dma source(%dma_start3A_229 : memref<7680xi32, #tpu.memory_space<hbm>>) target(%arg6 : memref<7680xi32, #tpu.memory_space<vmem>>) target_semaphore(%run_scoped3A_226 : memref<!tpu.dma_semaphore, #tpu.memory_space<semaphore_mem>>)
      %dma_wait3A = tpu.memref_slice %arg2[%add3A_30, %mul3A_32] : memref<4x61440xi32, #tpu.memory_space<hbm>> -> memref<1x7680xi32, #tpu.memory_space<hbm>>
      %dma_wait3A_230 = tpu.memref_squeeze %dma_wait3A : memref<1x7680xi32, #tpu.memory_space<hbm>> -> memref<7680xi32, #tpu.memory_space<hbm>>
      %dma_wait3A_231 = tpu.memref_slice %arg2[%add3A_30, %mul3A_32] : memref<4x61440xi32, #tpu.memory_space<hbm>> -> memref<1x7680xi32, #tpu.memory_space<hbm>>
      %dma_wait3A_232 = tpu.memref_squeeze %dma_wait3A_231 : memref<1x7680xi32, #tpu.memory_space<hbm>> -> memref<7680xi32, #tpu.memory_space<hbm>>
      tpu.wait_dma2 semaphore(%run_scoped3A_226 : memref<!tpu.dma_semaphore, #tpu.memory_space<semaphore_mem>>) src(%dma_wait3A_232 : memref<7680xi32, #tpu.memory_space<hbm>>) dst(%arg6 : memref<7680xi32, #tpu.memory_space<vmem>>)
      tpu.yield
    }) : () -> ()
    "tpu.region"() ({
      %run_scoped3A_226 = tpu.sem_alloc : memref<!tpu.dma_semaphore, #tpu.memory_space<semaphore_mem>>
      %dma_start3A = arith.constant 0 : i32
      %dma_start3A_227 = tpu.memref_slice %arg3[%add3A_30, %dma_start3A] : memref<4x16xi32, #tpu.memory_space<hbm>> -> memref<1x16xi32, #tpu.memory_space<hbm>>
      %dma_start3A_228 = tpu.memref_squeeze %dma_start3A_227 : memref<1x16xi32, #tpu.memory_space<hbm>> -> memref<16xi32, #tpu.memory_space<hbm>>
      %dma_start3A_229 = arith.constant 0 : i32
      %dma_start3A_230 = tpu.memref_slice %arg3[%add3A_30, %dma_start3A_229] : memref<4x16xi32, #tpu.memory_space<hbm>> -> memref<1x16xi32, #tpu.memory_space<hbm>>
      %dma_start3A_231 = tpu.memref_squeeze %dma_start3A_230 : memref<1x16xi32, #tpu.memory_space<hbm>> -> memref<16xi32, #tpu.memory_space<hbm>>
      tpu.enqueue_dma source(%dma_start3A_231 : memref<16xi32, #tpu.memory_space<hbm>>) target(%arg11 : memref<16xi32, #tpu.memory_space<vmem>>) target_semaphore(%run_scoped3A_226 : memref<!tpu.dma_semaphore, #tpu.memory_space<semaphore_mem>>)
      %dma_wait3A = arith.constant 0 : i32
      %dma_wait3A_232 = tpu.memref_slice %arg3[%add3A_30, %dma_wait3A] : memref<4x16xi32, #tpu.memory_space<hbm>> -> memref<1x16xi32, #tpu.memory_space<hbm>>
      %dma_wait3A_233 = tpu.memref_squeeze %dma_wait3A_232 : memref<1x16xi32, #tpu.memory_space<hbm>> -> memref<16xi32, #tpu.memory_space<hbm>>
      %dma_wait3A_234 = arith.constant 0 : i32
      %dma_wait3A_235 = tpu.memref_slice %arg3[%add3A_30, %dma_wait3A_234] : memref<4x16xi32, #tpu.memory_space<hbm>> -> memref<1x16xi32, #tpu.memory_space<hbm>>
      %dma_wait3A_236 = tpu.memref_squeeze %dma_wait3A_235 : memref<1x16xi32, #tpu.memory_space<hbm>> -> memref<16xi32, #tpu.memory_space<hbm>>
      tpu.wait_dma2 semaphore(%run_scoped3A_226 : memref<!tpu.dma_semaphore, #tpu.memory_space<semaphore_mem>>) src(%dma_wait3A_236 : memref<16xi32, #tpu.memory_space<hbm>>) dst(%arg11 : memref<16xi32, #tpu.memory_space<vmem>>)
      tpu.yield
    }) : () -> ()
    %get3A = arith.constant 0 : index
    %get3A_33 = tpu.vector_load %arg11[%get3A] {strides = array<i32>} : memref<16xi32, #tpu.memory_space<vmem>>, vector<16xi32>,
    %slice3A = vector.extract_strided_slice %get3A_33 {offsets = [0], sizes = [1], strides = [1]} : vector<16xi32> to vector<1xi32>
    %squeeze3A = vector.extract %slice3A[0] : i32 from vector<1xi32>
    %scan3A = arith.constant 0 : i32
    %scan3A_34 = arith.constant 0 : i32
    %scan3A_35 = arith.constant 16 : i32
    %scan3A_36 = arith.addi %scan3A_34, %scan3A_35 : i32
    %scan3A_37 = arith.constant 1 : i32
    scf.for %scan3A_226 = %scan3A_34 to %scan3A_36 step %scan3A_37  : i32 {
      %broadcast_in_dim3A_227 = arith.constant 0.000000e+00 : f32
      %broadcast_in_dim3A_228 = vector.broadcast %broadcast_in_dim3A_227 : f32 to vector<16xf32>
      %swap3A_229 = arith.constant 0 : i32
      %swap3A_230 = arith.index_cast %swap3A_229 : i32 to index
      %swap3A_231 = arith.index_cast %scan3A_226 : i32 to index
      %swap3A_232 = arith.constant 0 : index
      %swap3A_233 = tpu.vector_load %arg7[%swap3A_230, %swap3A_231, %swap3A_232] {strides = array<i32>} : memref<4x16x16xf32, #tpu.memory_space<vmem>>, vector<16xf32>,
      tpu.vector_store %arg7[%swap3A_230, %swap3A_231, %swap3A_232], %broadcast_in_dim3A_228 {strides = array<i32>} : memref<4x16x16xf32, #tpu.memory_space<vmem>>, vector<16xf32>,
      %broadcast_in_dim3A_234 = arith.constant 0 : i32
      %broadcast_in_dim3A_235 = vector.broadcast %broadcast_in_dim3A_234 : i32 to vector<16xi32>
      %swap3A_236 = arith.constant 0 : i32
      %swap3A_237 = arith.index_cast %swap3A_236 : i32 to index
      %swap3A_238 = arith.index_cast %scan3A_226 : i32 to index
      %swap3A_239 = arith.constant 0 : index
      %swap3A_240 = tpu.vector_load %arg8[%swap3A_237, %swap3A_238, %swap3A_239] {strides = array<i32>} : memref<4x16x16xi32, #tpu.memory_space<vmem>>, vector<16xi32>,
      tpu.vector_store %arg8[%swap3A_237, %swap3A_238, %swap3A_239], %broadcast_in_dim3A_235 {strides = array<i32>} : memref<4x16x16xi32, #tpu.memory_space<vmem>>, vector<16xi32>,
      %broadcast_in_dim3A_241 = arith.constant 0.000000e+00 : f32
      %broadcast_in_dim3A_242 = vector.broadcast %broadcast_in_dim3A_241 : f32 to vector<16xf32>
      %swap3A_243 = arith.constant 1 : i32
      %swap3A_244 = arith.index_cast %swap3A_243 : i32 to index
      %swap3A_245 = arith.index_cast %scan3A_226 : i32 to index
      %swap3A_246 = arith.constant 0 : index
      %swap3A_247 = tpu.vector_load %arg7[%swap3A_244, %swap3A_245, %swap3A_246] {strides = array<i32>} : memref<4x16x16xf32, #tpu.memory_space<vmem>>, vector<16xf32>,
      tpu.vector_store %arg7[%swap3A_244, %swap3A_245, %swap3A_246], %broadcast_in_dim3A_242 {strides = array<i32>} : memref<4x16x16xf32, #tpu.memory_space<vmem>>, vector<16xf32>,
      %broadcast_in_dim3A_248 = arith.constant 0 : i32
      %broadcast_in_dim3A_249 = vector.broadcast %broadcast_in_dim3A_248 : i32 to vector<16xi32>
      %swap3A_250 = arith.constant 1 : i32
      %swap3A_251 = arith.index_cast %swap3A_250 : i32 to index
      %swap3A_252 = arith.index_cast %scan3A_226 : i32 to index
      %swap3A_253 = arith.constant 0 : index
      %swap3A_254 = tpu.vector_load %arg8[%swap3A_251, %swap3A_252, %swap3A_253] {strides = array<i32>} : memref<4x16x16xi32, #tpu.memory_space<vmem>>, vector<16xi32>,
      tpu.vector_store %arg8[%swap3A_251, %swap3A_252, %swap3A_253], %broadcast_in_dim3A_249 {strides = array<i32>} : memref<4x16x16xi32, #tpu.memory_space<vmem>>, vector<16xi32>,
      %broadcast_in_dim3A_255 = arith.constant 0.000000e+00 : f32
      %broadcast_in_dim3A_256 = vector.broadcast %broadcast_in_dim3A_255 : f32 to vector<16xf32>
      %swap3A_257 = arith.constant 2 : i32
      %swap3A_258 = arith.index_cast %swap3A_257 : i32 to index
      %swap3A_259 = arith.index_cast %scan3A_226 : i32 to index
      %swap3A_260 = arith.constant 0 : index
      %swap3A_261 = tpu.vector_load %arg7[%swap3A_258, %swap3A_259, %swap3A_260] {strides = array<i32>} : memref<4x16x16xf32, #tpu.memory_space<vmem>>, vector<16xf32>,
      tpu.vector_store %arg7[%swap3A_258, %swap3A_259, %swap3A_260], %broadcast_in_dim3A_256 {strides = array<i32>} : memref<4x16x16xf32, #tpu.memory_space<vmem>>, vector<16xf32>,
      %broadcast_in_dim3A_262 = arith.constant 0 : i32
      %broadcast_in_dim3A_263 = vector.broadcast %broadcast_in_dim3A_262 : i32 to vector<16xi32>
      %swap3A_264 = arith.constant 2 : i32
      %swap3A_265 = arith.index_cast %swap3A_264 : i32 to index
      %swap3A_266 = arith.index_cast %scan3A_226 : i32 to index
      %swap3A_267 = arith.constant 0 : index
      %swap3A_268 = tpu.vector_load %arg8[%swap3A_265, %swap3A_266, %swap3A_267] {strides = array<i32>} : memref<4x16x16xi32, #tpu.memory_space<vmem>>, vector<16xi32>,
      tpu.vector_store %arg8[%swap3A_265, %swap3A_266, %swap3A_267], %broadcast_in_dim3A_263 {strides = array<i32>} : memref<4x16x16xi32, #tpu.memory_space<vmem>>, vector<16xi32>,
      %broadcast_in_dim3A_269 = arith.constant 0.000000e+00 : f32
      %broadcast_in_dim3A_270 = vector.broadcast %broadcast_in_dim3A_269 : f32 to vector<16xf32>
      %swap3A_271 = arith.constant 3 : i32
      %swap3A_272 = arith.index_cast %swap3A_271 : i32 to index
      %swap3A_273 = arith.index_cast %scan3A_226 : i32 to index
      %swap3A_274 = arith.constant 0 : index
      %swap3A_275 = tpu.vector_load %arg7[%swap3A_272, %swap3A_273, %swap3A_274] {strides = array<i32>} : memref<4x16x16xf32, #tpu.memory_space<vmem>>, vector<16xf32>,
      tpu.vector_store %arg7[%swap3A_272, %swap3A_273, %swap3A_274], %broadcast_in_dim3A_270 {strides = array<i32>} : memref<4x16x16xf32, #tpu.memory_space<vmem>>, vector<16xf32>,
      %broadcast_in_dim3A_276 = arith.constant 0 : i32
      %broadcast_in_dim3A_277 = vector.broadcast %broadcast_in_dim3A_276 : i32 to vector<16xi32>
      %swap3A_278 = arith.constant 3 : i32
      %swap3A_279 = arith.index_cast %swap3A_278 : i32 to index
      %swap3A_280 = arith.index_cast %scan3A_226 : i32 to index
      %swap3A_281 = arith.constant 0 : index
      %swap3A_282 = tpu.vector_load %arg8[%swap3A_279, %swap3A_280, %swap3A_281] {strides = array<i32>} : memref<4x16x16xi32, #tpu.memory_space<vmem>>, vector<16xi32>,
      tpu.vector_store %arg8[%swap3A_279, %swap3A_280, %swap3A_281], %broadcast_in_dim3A_277 {strides = array<i32>} : memref<4x16x16xi32, #tpu.memory_space<vmem>>, vector<16xi32>,
      %broadcast_in_dim3A_283 = arith.constant 0.000000e+00 : f32
      %broadcast_in_dim3A_284 = vector.broadcast %broadcast_in_dim3A_283 : f32 to vector<16xf32>
      %swap3A_285 = arith.index_cast %scan3A_226 : i32 to index
      %swap3A_286 = arith.constant 0 : index
      %swap3A_287 = tpu.vector_load %arg9[%swap3A_285, %swap3A_286] {strides = array<i32>} : memref<16x16xf32, #tpu.memory_space<vmem>>, vector<16xf32>,
      tpu.vector_store %arg9[%swap3A_285, %swap3A_286], %broadcast_in_dim3A_284 {strides = array<i32>} : memref<16x16xf32, #tpu.memory_space<vmem>>, vector<16xf32>,
      %broadcast_in_dim3A_288 = arith.constant 0 : i32
      %broadcast_in_dim3A_289 = vector.broadcast %broadcast_in_dim3A_288 : i32 to vector<16xi32>
      %swap3A_290 = arith.index_cast %scan3A_226 : i32 to index
      %swap3A_291 = arith.constant 0 : index
      %swap3A_292 = tpu.vector_load %arg10[%swap3A_290, %swap3A_291] {strides = array<i32>} : memref<16x16xi32, #tpu.memory_space<vmem>>, vector<16xi32>,
      tpu.vector_store %arg10[%swap3A_290, %swap3A_291], %broadcast_in_dim3A_289 {strides = array<i32>} : memref<16x16xi32, #tpu.memory_space<vmem>>, vector<16xi32>,
    }
    %scan3A_38 = arith.constant 16 : i32
    %broadcast_in_dim3A = arith.constant 0 : i32
    %broadcast_in_dim3A_39 = vector.broadcast %broadcast_in_dim3A : i32 to vector<16xi32>
    %scan3A_40 = arith.constant 0 : i32
    %scan3A_41 = arith.constant 480 : i32
    %scan3A_42 = arith.addi %scan3A_40, %scan3A_41 : i32
    %scan3A_43 = arith.constant 1 : i32
    %scan3A_44 = scf.for %scan3A_226 = %scan3A_40 to %scan3A_42 step %scan3A_43 iter_args(%scan3A_227 = %broadcast_in_dim3A_39) -> (vector<16xi32>)  : i32 {
      %mul3A_228 = arith.constant 16 : i32
      %mul3A_229 = arith.muli %scan3A_226, %mul3A_228 : i32
      %get3A_230 = arith.index_cast %mul3A_229 : i32 to index
      %get3A_231 = tpu.vector_load %arg6[%get3A_230] {strides = array<i32>} : memref<7680xi32, #tpu.memory_space<vmem>>, vector<16xi32>,
      %ge3A = vector.broadcast %squeeze3A : i32 to vector<16xi32>
      %ge3A_232 = arith.cmpi sge, %get3A_231, %ge3A : vector<16xi32>
      %convert_element_type3A_233 = arith.extui %ge3A_232 : vector<16xi1> to vector<16xi32>
      %broadcast_in_dim3A_234 = arith.constant true
      %broadcast_in_dim3A_235 = vector.broadcast %broadcast_in_dim3A_234 : i1 to vector<16xi1>
      %masked_cumsum3A = tpu.scan <sum>, %convert_element_type3A_233 masked %broadcast_in_dim3A_235 : vector<16xi32>, vector<16xi1> -> vector<16xi32>
      %sub3A_236 = arith.subi %masked_cumsum3A, %convert_element_type3A_233 : vector<16xi32>
      %add3A_237 = arith.addi %scan3A_227, %sub3A_236 : vector<16xi32>
      %min3A_238 = arith.constant 1023 : i32
      %min3A_239 = vector.broadcast %min3A_238 : i32 to vector<16xi32>
      %min3A_240 = arith.minsi %add3A_237, %min3A_239 : vector<16xi32>
      %shift_right_arithmetic3A_241 = arith.constant 8 : i32
      %shift_right_arithmetic3A_242 = vector.broadcast %shift_right_arithmetic3A_241 : i32 to vector<16xi32>
      %shift_right_arithmetic3A_243 = arith.shrsi %min3A_240, %shift_right_arithmetic3A_242 : vector<16xi32>
      %shift_right_arithmetic3A_244 = arith.constant 4 : i32
      %shift_right_arithmetic3A_245 = vector.broadcast %shift_right_arithmetic3A_244 : i32 to vector<16xi32>
      %shift_right_arithmetic3A_246 = arith.shrsi %min3A_240, %shift_right_arithmetic3A_245 : vector<16xi32>
      %and3A_247 = arith.constant 15 : i32
      %and3A_248 = vector.broadcast %and3A_247 : i32 to vector<16xi32>
      %and3A_249 = arith.andi %shift_right_arithmetic3A_246, %and3A_248 : vector<16xi32>
      %and3A_250 = arith.constant 15 : i32
      %and3A_251 = vector.broadcast %and3A_250 : i32 to vector<16xi32>
      %and3A_252 = arith.andi %min3A_240, %and3A_251 : vector<16xi32>
      %bitcast3A = vector.bitcast %get3A_231 : vector<16xi32> to vector<16xf32>
      tpu.vector_store_idx %arg7[%shift_right_arithmetic3A_243, %and3A_249, %and3A_252], %bitcast3A masked %ge3A_232 : memref<4x16x16xf32, #tpu.memory_space<vmem>>[vector<16xi32>, vector<16xi32>, vector<16xi32>], vector<16xf32>, vector<16xi1>
      %shift_right_arithmetic3A_253 = arith.constant 8 : i32
      %shift_right_arithmetic3A_254 = vector.broadcast %shift_right_arithmetic3A_253 : i32 to vector<16xi32>
      %shift_right_arithmetic3A_255 = arith.shrsi %min3A_240, %shift_right_arithmetic3A_254 : vector<16xi32>
      %shift_right_arithmetic3A_256 = arith.constant 4 : i32
      %shift_right_arithmetic3A_257 = vector.broadcast %shift_right_arithmetic3A_256 : i32 to vector<16xi32>
      %shift_right_arithmetic3A_258 = arith.shrsi %min3A_240, %shift_right_arithmetic3A_257 : vector<16xi32>
      %and3A_259 = arith.constant 15 : i32
      %and3A_260 = vector.broadcast %and3A_259 : i32 to vector<16xi32>
      %and3A_261 = arith.andi %shift_right_arithmetic3A_258, %and3A_260 : vector<16xi32>
      %and3A_262 = arith.constant 15 : i32
      %and3A_263 = vector.broadcast %and3A_262 : i32 to vector<16xi32>
      %and3A_264 = arith.andi %min3A_240, %and3A_263 : vector<16xi32>
      %mul3A_265 = arith.constant 16 : i32
      %mul3A_266 = arith.muli %scan3A_226, %mul3A_265 : i32
      %add3A_267 = arith.addi %mul3A_32, %mul3A_266 : i32
      %add3A_268 = vector.broadcast %add3A_267 : i32 to vector<16xi32>
      %add3A_269 = arith.addi %add3A_268, %iota3A : vector<16xi32>
      tpu.vector_store_idx %arg8[%shift_right_arithmetic3A_255, %and3A_261, %and3A_264], %add3A_269 masked %ge3A_232 : memref<4x16x16xi32, #tpu.memory_space<vmem>>[vector<16xi32>, vector<16xi32>, vector<16xi32>], vector<16xi32>, vector<16xi1>
      %all_reduce_population_count3A = tpu.all_reduce %ge3A_232 {dim = 0 : i64, kind = #tpu.reduction_kind<sum>} : vector<16xi1> -> vector<16xi32>
      %add3A_270 = arith.addi %scan3A_227, %all_reduce_population_count3A : vector<16xi32>
      scf.yield %add3A_270 : vector<16xi32>
    }
    %scan3A_45 = arith.constant 480 : i32
    %add3A_46 = arith.constant 15 : i32
    %add3A_47 = vector.broadcast %add3A_46 : i32 to vector<16xi32>
    %add3A_48 = arith.addi %scan3A_44, %add3A_47 : vector<16xi32>
    %shift_right_arithmetic3A = arith.constant 4 : i32
    %shift_right_arithmetic3A_49 = vector.broadcast %shift_right_arithmetic3A : i32 to vector<16xi32>
    %shift_right_arithmetic3A_50 = arith.shrsi %add3A_48, %shift_right_arithmetic3A_49 : vector<16xi32>
    %reduce_max3A = arith.constant true
    %reduce_max3A_51 = vector.broadcast %reduce_max3A : i1 to vector<16xi1>
    %reduce_max3A_52 = arith.constant -2147483648 : i32
    %reduce_max3A_53 = vector.broadcast %reduce_max3A_52 : i32 to vector<16xi32>
    %reduce_max3A_54 = arith.xori %shift_right_arithmetic3A_50, %reduce_max3A_53 : vector<16xi32>
    %reduce_max3A_55 = tpu.scan <max>, %reduce_max3A_54 masked %reduce_max3A_51 : vector<16xi32>, vector<16xi1> -> vector<16xi32>
    %reduce_max3A_56 = arith.xori %reduce_max3A_55, %reduce_max3A_53 : vector<16xi32>
    %reduce_max3A_57 = vector.extract %reduce_max3A_56[15] : i32 from vector<16xi32>
    %swap3A = arith.constant 0 : index
    %swap3A_58 = tpu.vector_load %arg12[%swap3A] {strides = array<i32>} : memref<16xi32, #tpu.memory_space<vmem>>, vector<16xi32>,
    tpu.vector_store %arg12[%swap3A], %shift_right_arithmetic3A_50 {strides = array<i32>} : memref<16xi32, #tpu.memory_space<vmem>>, vector<16xi32>,
    %mul3A_59 = arith.constant 16 : i32
    %mul3A_60 = arith.muli %select_n3A, %mul3A_59 : i32
    %add3A_61 = arith.addi %mul3A_60, %select_n3A_28 : i32
    "tpu.region"() ({
      %run_scoped3A_226 = tpu.sem_alloc : memref<!tpu.dma_semaphore, #tpu.memory_space<semaphore_mem>>
      %dma_start3A = arith.constant 0 : i32
      %dma_start3A_227 = tpu.memref_slice %arg14[%add3A_61, %dma_start3A] : memref<32x16xi32, #tpu.memory_space<vmem_shared>> -> memref<1x16xi32, #tpu.memory_space<vmem_shared>>
      %dma_start3A_228 = tpu.memref_squeeze %dma_start3A_227 : memref<1x16xi32, #tpu.memory_space<vmem_shared>> -> memref<16xi32, #tpu.memory_space<vmem_shared>>
      %dma_start3A_229 = arith.constant 0 : i32
      %dma_start3A_230 = tpu.memref_slice %arg14[%add3A_61, %dma_start3A_229] : memref<32x16xi32, #tpu.memory_space<vmem_shared>> -> memref<1x16xi32, #tpu.memory_space<vmem_shared>>
      %dma_start3A_231 = tpu.memref_squeeze %dma_start3A_230 : memref<1x16xi32, #tpu.memory_space<vmem_shared>> -> memref<16xi32, #tpu.memory_space<vmem_shared>>
      tpu.enqueue_dma source(%arg12 : memref<16xi32, #tpu.memory_space<vmem>>) target(%dma_start3A_231 : memref<16xi32, #tpu.memory_space<vmem_shared>>) target_semaphore(%run_scoped3A_226 : memref<!tpu.dma_semaphore, #tpu.memory_space<semaphore_mem>>)
      %dma_wait3A = arith.constant 0 : i32
      %dma_wait3A_232 = tpu.memref_slice %arg14[%add3A_61, %dma_wait3A] : memref<32x16xi32, #tpu.memory_space<vmem_shared>> -> memref<1x16xi32, #tpu.memory_space<vmem_shared>>
      %dma_wait3A_233 = tpu.memref_squeeze %dma_wait3A_232 : memref<1x16xi32, #tpu.memory_space<vmem_shared>> -> memref<16xi32, #tpu.memory_space<vmem_shared>>
      %dma_wait3A_234 = arith.constant 0 : i32
      %dma_wait3A_235 = tpu.memref_slice %arg14[%add3A_61, %dma_wait3A_234] : memref<32x16xi32, #tpu.memory_space<vmem_shared>> -> memref<1x16xi32, #tpu.memory_space<vmem_shared>>
      %dma_wait3A_236 = tpu.memref_squeeze %dma_wait3A_235 : memref<1x16xi32, #tpu.memory_space<vmem_shared>> -> memref<16xi32, #tpu.memory_space<vmem_shared>>
      tpu.wait_dma2 semaphore(%run_scoped3A_226 : memref<!tpu.dma_semaphore, #tpu.memory_space<semaphore_mem>>) src(%arg12 : memref<16xi32, #tpu.memory_space<vmem>>) dst(%dma_wait3A_236 : memref<16xi32, #tpu.memory_space<vmem_shared>>)
      tpu.yield
    }) : () -> ()
    %barrier3A = arith.constant 0 : index
    tpu.barrier barrier_id(%barrier3A)
    %mul3A_62 = arith.constant 16 : i32
    %mul3A_63 = arith.muli %select_n3A, %mul3A_62 : i32
    "tpu.region"() ({
      %run_scoped3A_226 = tpu.sem_alloc : memref<!tpu.dma_semaphore, #tpu.memory_space<semaphore_mem>>
      %dma_start3A = arith.constant 0 : i32
      %dma_start3A_227 = tpu.memref_slice %arg14[%mul3A_63, %dma_start3A] : memref<32x16xi32, #tpu.memory_space<vmem_shared>> -> memref<16x16xi32, #tpu.memory_space<vmem_shared>>
      %dma_start3A_228 = arith.constant 0 : i32
      %dma_start3A_229 = tpu.memref_slice %arg14[%mul3A_63, %dma_start3A_228] : memref<32x16xi32, #tpu.memory_space<vmem_shared>> -> memref<16x16xi32, #tpu.memory_space<vmem_shared>>
      tpu.enqueue_dma source(%dma_start3A_229 : memref<16x16xi32, #tpu.memory_space<vmem_shared>>) target(%arg13 : memref<16x16xi32, #tpu.memory_space<vmem>>) target_semaphore(%run_scoped3A_226 : memref<!tpu.dma_semaphore, #tpu.memory_space<semaphore_mem>>)
      %dma_wait3A = arith.constant 0 : i32
      %dma_wait3A_230 = tpu.memref_slice %arg14[%mul3A_63, %dma_wait3A] : memref<32x16xi32, #tpu.memory_space<vmem_shared>> -> memref<16x16xi32, #tpu.memory_space<vmem_shared>>
      %dma_wait3A_231 = arith.constant 0 : i32
      %dma_wait3A_232 = tpu.memref_slice %arg14[%mul3A_63, %dma_wait3A_231] : memref<32x16xi32, #tpu.memory_space<vmem_shared>> -> memref<16x16xi32, #tpu.memory_space<vmem_shared>>
      tpu.wait_dma2 semaphore(%run_scoped3A_226 : memref<!tpu.dma_semaphore, #tpu.memory_space<semaphore_mem>>) src(%dma_wait3A_232 : memref<16x16xi32, #tpu.memory_space<vmem_shared>>) dst(%arg13 : memref<16x16xi32, #tpu.memory_space<vmem>>)
      tpu.yield
    }) : () -> ()
    %get3A_64 = arith.constant 0 : i32
    %get3A_65 = arith.index_cast %get3A_64 : i32 to index
    %get3A_66 = arith.constant 0 : index
    %get3A_67 = tpu.vector_load %arg13[%get3A_65, %get3A_66] {strides = array<i32>} : memref<16x16xi32, #tpu.memory_space<vmem>>, vector<16xi32>,
    %slice3A_68 = vector.extract_strided_slice %get3A_67 {offsets = [0], sizes = [1], strides = [1]} : vector<16xi32> to vector<1xi32>
    %squeeze3A_69 = vector.extract %slice3A_68[0] : i32 from vector<1xi32>
    %gt3A = arith.constant 0 : i32
    %gt3A_70 = arith.cmpi sgt, %select_n3A_28, %gt3A : i32
    %jit3A_71 = arith.constant 0 : i32
    %select_n3A_72 = arith.select %gt3A_70, %squeeze3A_69, %jit3A_71 : i32
    %add3A_73 = arith.constant 0 : i32
    %add3A_74 = arith.addi %add3A_73, %select_n3A_72 : i32
    %add3A_75 = arith.constant 0 : i32
    %add3A_76 = arith.addi %add3A_75, %squeeze3A_69 : i32
    %get3A_77 = arith.constant 1 : i32
    %get3A_78 = arith.index_cast %get3A_77 : i32 to index
    %get3A_79 = arith.constant 0 : index
    %get3A_80 = tpu.vector_load %arg13[%get3A_78, %get3A_79] {strides = array<i32>} : memref<16x16xi32, #tpu.memory_space<vmem>>, vector<16xi32>,
    %slice3A_81 = vector.extract_strided_slice %get3A_80 {offsets = [0], sizes = [1], strides = [1]} : vector<16xi32> to vector<1xi32>
    %squeeze3A_82 = vector.extract %slice3A_81[0] : i32 from vector<1xi32>
    %gt3A_83 = arith.constant 1 : i32
    %gt3A_84 = arith.cmpi sgt, %select_n3A_28, %gt3A_83 : i32
    %jit3A_85 = arith.constant 0 : i32
    %select_n3A_86 = arith.select %gt3A_84, %squeeze3A_82, %jit3A_85 : i32
    %add3A_87 = arith.addi %add3A_74, %select_n3A_86 : i32
    %add3A_88 = arith.addi %add3A_76, %squeeze3A_82 : i32
    %get3A_89 = arith.constant 2 : i32
    %get3A_90 = arith.index_cast %get3A_89 : i32 to index
    %get3A_91 = arith.constant 0 : index
    %get3A_92 = tpu.vector_load %arg13[%get3A_90, %get3A_91] {strides = array<i32>} : memref<16x16xi32, #tpu.memory_space<vmem>>, vector<16xi32>,
    %slice3A_93 = vector.extract_strided_slice %get3A_92 {offsets = [0], sizes = [1], strides = [1]} : vector<16xi32> to vector<1xi32>
    %squeeze3A_94 = vector.extract %slice3A_93[0] : i32 from vector<1xi32>
    %gt3A_95 = arith.constant 2 : i32
    %gt3A_96 = arith.cmpi sgt, %select_n3A_28, %gt3A_95 : i32
    %jit3A_97 = arith.constant 0 : i32
    %select_n3A_98 = arith.select %gt3A_96, %squeeze3A_94, %jit3A_97 : i32
    %add3A_99 = arith.addi %add3A_87, %select_n3A_98 : i32
    %add3A_100 = arith.addi %add3A_88, %squeeze3A_94 : i32
    %get3A_101 = arith.constant 3 : i32
    %get3A_102 = arith.index_cast %get3A_101 : i32 to index
    %get3A_103 = arith.constant 0 : index
    %get3A_104 = tpu.vector_load %arg13[%get3A_102, %get3A_103] {strides = array<i32>} : memref<16x16xi32, #tpu.memory_space<vmem>>, vector<16xi32>,
    %slice3A_105 = vector.extract_strided_slice %get3A_104 {offsets = [0], sizes = [1], strides = [1]} : vector<16xi32> to vector<1xi32>
    %squeeze3A_106 = vector.extract %slice3A_105[0] : i32 from vector<1xi32>
    %gt3A_107 = arith.constant 3 : i32
    %gt3A_108 = arith.cmpi sgt, %select_n3A_28, %gt3A_107 : i32
    %jit3A_109 = arith.constant 0 : i32
    %select_n3A_110 = arith.select %gt3A_108, %squeeze3A_106, %jit3A_109 : i32
    %add3A_111 = arith.addi %add3A_99, %select_n3A_110 : i32
    %add3A_112 = arith.addi %add3A_100, %squeeze3A_106 : i32
    %get3A_113 = arith.constant 4 : i32
    %get3A_114 = arith.index_cast %get3A_113 : i32 to index
    %get3A_115 = arith.constant 0 : index
    %get3A_116 = tpu.vector_load %arg13[%get3A_114, %get3A_115] {strides = array<i32>} : memref<16x16xi32, #tpu.memory_space<vmem>>, vector<16xi32>,
    %slice3A_117 = vector.extract_strided_slice %get3A_116 {offsets = [0], sizes = [1], strides = [1]} : vector<16xi32> to vector<1xi32>
    %squeeze3A_118 = vector.extract %slice3A_117[0] : i32 from vector<1xi32>
    %gt3A_119 = arith.constant 4 : i32
    %gt3A_120 = arith.cmpi sgt, %select_n3A_28, %gt3A_119 : i32
    %jit3A_121 = arith.constant 0 : i32
    %select_n3A_122 = arith.select %gt3A_120, %squeeze3A_118, %jit3A_121 : i32
    %add3A_123 = arith.addi %add3A_111, %select_n3A_122 : i32
    %add3A_124 = arith.addi %add3A_112, %squeeze3A_118 : i32
    %get3A_125 = arith.constant 5 : i32
    %get3A_126 = arith.index_cast %get3A_125 : i32 to index
    %get3A_127 = arith.constant 0 : index
    %get3A_128 = tpu.vector_load %arg13[%get3A_126, %get3A_127] {strides = array<i32>} : memref<16x16xi32, #tpu.memory_space<vmem>>, vector<16xi32>,
    %slice3A_129 = vector.extract_strided_slice %get3A_128 {offsets = [0], sizes = [1], strides = [1]} : vector<16xi32> to vector<1xi32>
    %squeeze3A_130 = vector.extract %slice3A_129[0] : i32 from vector<1xi32>
    %gt3A_131 = arith.constant 5 : i32
    %gt3A_132 = arith.cmpi sgt, %select_n3A_28, %gt3A_131 : i32
    %jit3A_133 = arith.constant 0 : i32
    %select_n3A_134 = arith.select %gt3A_132, %squeeze3A_130, %jit3A_133 : i32
    %add3A_135 = arith.addi %add3A_123, %select_n3A_134 : i32
    %add3A_136 = arith.addi %add3A_124, %squeeze3A_130 : i32
    %get3A_137 = arith.constant 6 : i32
    %get3A_138 = arith.index_cast %get3A_137 : i32 to index
    %get3A_139 = arith.constant 0 : index
    %get3A_140 = tpu.vector_load %arg13[%get3A_138, %get3A_139] {strides = array<i32>} : memref<16x16xi32, #tpu.memory_space<vmem>>, vector<16xi32>,
    %slice3A_141 = vector.extract_strided_slice %get3A_140 {offsets = [0], sizes = [1], strides = [1]} : vector<16xi32> to vector<1xi32>
    %squeeze3A_142 = vector.extract %slice3A_141[0] : i32 from vector<1xi32>
    %gt3A_143 = arith.constant 6 : i32
    %gt3A_144 = arith.cmpi sgt, %select_n3A_28, %gt3A_143 : i32
    %jit3A_145 = arith.constant 0 : i32
    %select_n3A_146 = arith.select %gt3A_144, %squeeze3A_142, %jit3A_145 : i32
    %add3A_147 = arith.addi %add3A_135, %select_n3A_146 : i32
    %add3A_148 = arith.addi %add3A_136, %squeeze3A_142 : i32
    %get3A_149 = arith.constant 7 : i32
    %get3A_150 = arith.index_cast %get3A_149 : i32 to index
    %get3A_151 = arith.constant 0 : index
    %get3A_152 = tpu.vector_load %arg13[%get3A_150, %get3A_151] {strides = array<i32>} : memref<16x16xi32, #tpu.memory_space<vmem>>, vector<16xi32>,
    %slice3A_153 = vector.extract_strided_slice %get3A_152 {offsets = [0], sizes = [1], strides = [1]} : vector<16xi32> to vector<1xi32>
    %squeeze3A_154 = vector.extract %slice3A_153[0] : i32 from vector<1xi32>
    %gt3A_155 = arith.constant 7 : i32
    %gt3A_156 = arith.cmpi sgt, %select_n3A_28, %gt3A_155 : i32
    %jit3A_157 = arith.constant 0 : i32
    %select_n3A_158 = arith.select %gt3A_156, %squeeze3A_154, %jit3A_157 : i32
    %add3A_159 = arith.addi %add3A_147, %select_n3A_158 : i32
    %add3A_160 = arith.addi %add3A_148, %squeeze3A_154 : i32
    %add3A_161 = arith.constant 0 : i32
    %add3A_162 = vector.broadcast %add3A_161 : i32 to vector<16xi32>
    %add3A_163 = arith.addi %add3A_162, %iota3A : vector<16xi32>
    %lt3A_164 = vector.broadcast %reduce_max3A_57 : i32 to vector<16xi32>
    %lt3A_165 = arith.cmpi slt, %add3A_163, %lt3A_164 : vector<16xi32>
    %add3A_166 = vector.broadcast %add3A_159 : i32 to vector<16xi32>
    %add3A_167 = arith.addi %add3A_166, %add3A_163 : vector<16xi32>
    %min3A = arith.constant 63 : i32
    %min3A_168 = vector.broadcast %min3A : i32 to vector<16xi32>
    %min3A_169 = arith.minsi %add3A_167, %min3A_168 : vector<16xi32>
    %add3A_170 = arith.constant 64 : i32
    %add3A_171 = vector.broadcast %add3A_170 : i32 to vector<16xi32>
    %add3A_172 = arith.addi %add3A_171, %iota3A : vector<16xi32>
    %select_n3A_173 = arith.select %lt3A_165, %min3A_169, %add3A_172 : vector<16xi1>, vector<16xi32>
    %run_scoped3A = arith.constant 0 : i32
    "tpu.region"() ({
      %run_scoped3A_226 = tpu.sem_alloc : memref<!tpu.dma_semaphore, #tpu.memory_space<semaphore_mem>>
      %dma_start3A = arith.constant 0 : i32
      %dma_start3A_227 = arith.constant 0 : i32
      %dma_start3A_228 = tpu.memref_slice %arg7[%run_scoped3A, %dma_start3A, %dma_start3A_227] : memref<4x16x16xf32, #tpu.memory_space<vmem>> -> memref<1x16x16xf32, #tpu.memory_space<vmem>>
      %dma_start3A_229 = tpu.memref_squeeze %dma_start3A_228 : memref<1x16x16xf32, #tpu.memory_space<vmem>> -> memref<16x16xf32, #tpu.memory_space<vmem>>
      %dma_start3A_230 = arith.constant 0 : i32
      %dma_start3A_231 = arith.constant 0 : i32
      %dma_start3A_232 = tpu.memref_slice %arg4[%add3A_30, %dma_start3A_230, %dma_start3A_231] : memref<4x80x16xf32, #tpu.memory_space<hbm>> -> memref<1x80x16xf32, #tpu.memory_space<hbm>>
      %dma_start3A_233 = tpu.memref_squeeze %dma_start3A_232 : memref<1x80x16xf32, #tpu.memory_space<hbm>> -> memref<80x16xf32, #tpu.memory_space<hbm>>
      %dma_start3A_234 = arith.constant 0 : i32
      %dma_start3A_235 = arith.constant 0 : i32
      %dma_start3A_236 = tpu.memref_slice %dma_start3A_233[%dma_start3A_234, %dma_start3A_235] : memref<80x16xf32, #tpu.memory_space<hbm>> -> memref<80x16xf32, #tpu.memory_space<hbm>>
      tpu.enqueue_indirect_dma source(%dma_start3A_229 : memref<16x16xf32, #tpu.memory_space<vmem>>) target(%dma_start3A_236 : memref<80x16xf32, #tpu.memory_space<hbm>>) offsets(%select_n3A_173 : vector<16xi32>) semaphore(%run_scoped3A_226 : memref<!tpu.dma_semaphore, #tpu.memory_space<semaphore_mem>>)
      %dma_wait3A = arith.constant 0 : i32
      %dma_wait3A_237 = arith.constant 0 : i32
      %dma_wait3A_238 = tpu.memref_slice %arg7[%run_scoped3A, %dma_wait3A, %dma_wait3A_237] : memref<4x16x16xf32, #tpu.memory_space<vmem>> -> memref<1x16x16xf32, #tpu.memory_space<vmem>>
      %dma_wait3A_239 = tpu.memref_squeeze %dma_wait3A_238 : memref<1x16x16xf32, #tpu.memory_space<vmem>> -> memref<16x16xf32, #tpu.memory_space<vmem>>
      %dma_wait3A_240 = arith.constant 0 : i32
      %dma_wait3A_241 = arith.constant 0 : i32
      %dma_wait3A_242 = tpu.memref_slice %arg4[%add3A_30, %dma_wait3A_240, %dma_wait3A_241] : memref<4x80x16xf32, #tpu.memory_space<hbm>> -> memref<1x80x16xf32, #tpu.memory_space<hbm>>
      %dma_wait3A_243 = tpu.memref_squeeze %dma_wait3A_242 : memref<1x80x16xf32, #tpu.memory_space<hbm>> -> memref<80x16xf32, #tpu.memory_space<hbm>>
      %dma_wait3A_244 = arith.constant 0 : i32
      %dma_wait3A_245 = arith.constant 0 : i32
      %dma_wait3A_246 = tpu.memref_slice %dma_wait3A_243[%dma_wait3A_244, %dma_wait3A_245] : memref<80x16xf32, #tpu.memory_space<hbm>> -> memref<80x16xf32, #tpu.memory_space<hbm>>
      tpu.wait_indirect_dma semaphore(%run_scoped3A_226 : memref<!tpu.dma_semaphore, #tpu.memory_space<semaphore_mem>>) src(%dma_wait3A_239 : memref<16x16xf32, #tpu.memory_space<vmem>>) dst(%dma_wait3A_246 : memref<80x16xf32, #tpu.memory_space<hbm>>)
      tpu.yield
    }) : () -> ()
    %run_scoped3A_174 = arith.constant 0 : i32
    "tpu.region"() ({
      %run_scoped3A_226 = tpu.sem_alloc : memref<!tpu.dma_semaphore, #tpu.memory_space<semaphore_mem>>
      %dma_start3A = arith.constant 0 : i32
      %dma_start3A_227 = arith.constant 0 : i32
      %dma_start3A_228 = tpu.memref_slice %arg8[%run_scoped3A_174, %dma_start3A, %dma_start3A_227] : memref<4x16x16xi32, #tpu.memory_space<vmem>> -> memref<1x16x16xi32, #tpu.memory_space<vmem>>
      %dma_start3A_229 = tpu.memref_squeeze %dma_start3A_228 : memref<1x16x16xi32, #tpu.memory_space<vmem>> -> memref<16x16xi32, #tpu.memory_space<vmem>>
      %dma_start3A_230 = arith.constant 0 : i32
      %dma_start3A_231 = arith.constant 0 : i32
      %dma_start3A_232 = tpu.memref_slice %arg5[%add3A_30, %dma_start3A_230, %dma_start3A_231] : memref<4x80x16xi32, #tpu.memory_space<hbm>> -> memref<1x80x16xi32, #tpu.memory_space<hbm>>
      %dma_start3A_233 = tpu.memref_squeeze %dma_start3A_232 : memref<1x80x16xi32, #tpu.memory_space<hbm>> -> memref<80x16xi32, #tpu.memory_space<hbm>>
      %dma_start3A_234 = arith.constant 0 : i32
      %dma_start3A_235 = arith.constant 0 : i32
      %dma_start3A_236 = tpu.memref_slice %dma_start3A_233[%dma_start3A_234, %dma_start3A_235] : memref<80x16xi32, #tpu.memory_space<hbm>> -> memref<80x16xi32, #tpu.memory_space<hbm>>
      tpu.enqueue_indirect_dma source(%dma_start3A_229 : memref<16x16xi32, #tpu.memory_space<vmem>>) target(%dma_start3A_236 : memref<80x16xi32, #tpu.memory_space<hbm>>) offsets(%select_n3A_173 : vector<16xi32>) semaphore(%run_scoped3A_226 : memref<!tpu.dma_semaphore, #tpu.memory_space<semaphore_mem>>)
      %dma_wait3A = arith.constant 0 : i32
      %dma_wait3A_237 = arith.constant 0 : i32
      %dma_wait3A_238 = tpu.memref_slice %arg8[%run_scoped3A_174, %dma_wait3A, %dma_wait3A_237] : memref<4x16x16xi32, #tpu.memory_space<vmem>> -> memref<1x16x16xi32, #tpu.memory_space<vmem>>
      %dma_wait3A_239 = tpu.memref_squeeze %dma_wait3A_238 : memref<1x16x16xi32, #tpu.memory_space<vmem>> -> memref<16x16xi32, #tpu.memory_space<vmem>>
      %dma_wait3A_240 = arith.constant 0 : i32
      %dma_wait3A_241 = arith.constant 0 : i32
      %dma_wait3A_242 = tpu.memref_slice %arg5[%add3A_30, %dma_wait3A_240, %dma_wait3A_241] : memref<4x80x16xi32, #tpu.memory_space<hbm>> -> memref<1x80x16xi32, #tpu.memory_space<hbm>>
      %dma_wait3A_243 = tpu.memref_squeeze %dma_wait3A_242 : memref<1x80x16xi32, #tpu.memory_space<hbm>> -> memref<80x16xi32, #tpu.memory_space<hbm>>
      %dma_wait3A_244 = arith.constant 0 : i32
      %dma_wait3A_245 = arith.constant 0 : i32
      %dma_wait3A_246 = tpu.memref_slice %dma_wait3A_243[%dma_wait3A_244, %dma_wait3A_245] : memref<80x16xi32, #tpu.memory_space<hbm>> -> memref<80x16xi32, #tpu.memory_space<hbm>>
      tpu.wait_indirect_dma semaphore(%run_scoped3A_226 : memref<!tpu.dma_semaphore, #tpu.memory_space<semaphore_mem>>) src(%dma_wait3A_239 : memref<16x16xi32, #tpu.memory_space<vmem>>) dst(%dma_wait3A_246 : memref<80x16xi32, #tpu.memory_space<hbm>>)
      tpu.yield
    }) : () -> ()
    %add3A_175 = arith.constant 16 : i32
    %add3A_176 = vector.broadcast %add3A_175 : i32 to vector<16xi32>
    %add3A_177 = arith.addi %add3A_176, %iota3A : vector<16xi32>
    %lt3A_178 = vector.broadcast %reduce_max3A_57 : i32 to vector<16xi32>
    %lt3A_179 = arith.cmpi slt, %add3A_177, %lt3A_178 : vector<16xi32>
    %add3A_180 = vector.broadcast %add3A_159 : i32 to vector<16xi32>
    %add3A_181 = arith.addi %add3A_180, %add3A_177 : vector<16xi32>
    %min3A_182 = arith.constant 63 : i32
    %min3A_183 = vector.broadcast %min3A_182 : i32 to vector<16xi32>
    %min3A_184 = arith.minsi %add3A_181, %min3A_183 : vector<16xi32>
    %add3A_185 = arith.constant 64 : i32
    %add3A_186 = vector.broadcast %add3A_185 : i32 to vector<16xi32>
    %add3A_187 = arith.addi %add3A_186, %iota3A : vector<16xi32>
    %select_n3A_188 = arith.select %lt3A_179, %min3A_184, %add3A_187 : vector<16xi1>, vector<16xi32>
    %run_scoped3A_189 = arith.constant 1 : i32
    "tpu.region"() ({
      %run_scoped3A_226 = tpu.sem_alloc : memref<!tpu.dma_semaphore, #tpu.memory_space<semaphore_mem>>
      %dma_start3A = arith.constant 0 : i32
      %dma_start3A_227 = arith.constant 0 : i32
      %dma_start3A_228 = tpu.memref_slice %arg7[%run_scoped3A_189, %dma_start3A, %dma_start3A_227] : memref<4x16x16xf32, #tpu.memory_space<vmem>> -> memref<1x16x16xf32, #tpu.memory_space<vmem>>
      %dma_start3A_229 = tpu.memref_squeeze %dma_start3A_228 : memref<1x16x16xf32, #tpu.memory_space<vmem>> -> memref<16x16xf32, #tpu.memory_space<vmem>>
      %dma_start3A_230 = arith.constant 0 : i32
      %dma_start3A_231 = arith.constant 0 : i32
      %dma_start3A_232 = tpu.memref_slice %arg4[%add3A_30, %dma_start3A_230, %dma_start3A_231] : memref<4x80x16xf32, #tpu.memory_space<hbm>> -> memref<1x80x16xf32, #tpu.memory_space<hbm>>
      %dma_start3A_233 = tpu.memref_squeeze %dma_start3A_232 : memref<1x80x16xf32, #tpu.memory_space<hbm>> -> memref<80x16xf32, #tpu.memory_space<hbm>>
      %dma_start3A_234 = arith.constant 0 : i32
      %dma_start3A_235 = arith.constant 0 : i32
      %dma_start3A_236 = tpu.memref_slice %dma_start3A_233[%dma_start3A_234, %dma_start3A_235] : memref<80x16xf32, #tpu.memory_space<hbm>> -> memref<80x16xf32, #tpu.memory_space<hbm>>
      tpu.enqueue_indirect_dma source(%dma_start3A_229 : memref<16x16xf32, #tpu.memory_space<vmem>>) target(%dma_start3A_236 : memref<80x16xf32, #tpu.memory_space<hbm>>) offsets(%select_n3A_188 : vector<16xi32>) semaphore(%run_scoped3A_226 : memref<!tpu.dma_semaphore, #tpu.memory_space<semaphore_mem>>)
      %dma_wait3A = arith.constant 0 : i32
      %dma_wait3A_237 = arith.constant 0 : i32
      %dma_wait3A_238 = tpu.memref_slice %arg7[%run_scoped3A_189, %dma_wait3A, %dma_wait3A_237] : memref<4x16x16xf32, #tpu.memory_space<vmem>> -> memref<1x16x16xf32, #tpu.memory_space<vmem>>
      %dma_wait3A_239 = tpu.memref_squeeze %dma_wait3A_238 : memref<1x16x16xf32, #tpu.memory_space<vmem>> -> memref<16x16xf32, #tpu.memory_space<vmem>>
      %dma_wait3A_240 = arith.constant 0 : i32
      %dma_wait3A_241 = arith.constant 0 : i32
      %dma_wait3A_242 = tpu.memref_slice %arg4[%add3A_30, %dma_wait3A_240, %dma_wait3A_241] : memref<4x80x16xf32, #tpu.memory_space<hbm>> -> memref<1x80x16xf32, #tpu.memory_space<hbm>>
      %dma_wait3A_243 = tpu.memref_squeeze %dma_wait3A_242 : memref<1x80x16xf32, #tpu.memory_space<hbm>> -> memref<80x16xf32, #tpu.memory_space<hbm>>
      %dma_wait3A_244 = arith.constant 0 : i32
      %dma_wait3A_245 = arith.constant 0 : i32
      %dma_wait3A_246 = tpu.memref_slice %dma_wait3A_243[%dma_wait3A_244, %dma_wait3A_245] : memref<80x16xf32, #tpu.memory_space<hbm>> -> memref<80x16xf32, #tpu.memory_space<hbm>>
      tpu.wait_indirect_dma semaphore(%run_scoped3A_226 : memref<!tpu.dma_semaphore, #tpu.memory_space<semaphore_mem>>) src(%dma_wait3A_239 : memref<16x16xf32, #tpu.memory_space<vmem>>) dst(%dma_wait3A_246 : memref<80x16xf32, #tpu.memory_space<hbm>>)
      tpu.yield
    }) : () -> ()
    %run_scoped3A_190 = arith.constant 1 : i32
    "tpu.region"() ({
      %run_scoped3A_226 = tpu.sem_alloc : memref<!tpu.dma_semaphore, #tpu.memory_space<semaphore_mem>>
      %dma_start3A = arith.constant 0 : i32
      %dma_start3A_227 = arith.constant 0 : i32
      %dma_start3A_228 = tpu.memref_slice %arg8[%run_scoped3A_190, %dma_start3A, %dma_start3A_227] : memref<4x16x16xi32, #tpu.memory_space<vmem>> -> memref<1x16x16xi32, #tpu.memory_space<vmem>>
      %dma_start3A_229 = tpu.memref_squeeze %dma_start3A_228 : memref<1x16x16xi32, #tpu.memory_space<vmem>> -> memref<16x16xi32, #tpu.memory_space<vmem>>
      %dma_start3A_230 = arith.constant 0 : i32
      %dma_start3A_231 = arith.constant 0 : i32
      %dma_start3A_232 = tpu.memref_slice %arg5[%add3A_30, %dma_start3A_230, %dma_start3A_231] : memref<4x80x16xi32, #tpu.memory_space<hbm>> -> memref<1x80x16xi32, #tpu.memory_space<hbm>>
      %dma_start3A_233 = tpu.memref_squeeze %dma_start3A_232 : memref<1x80x16xi32, #tpu.memory_space<hbm>> -> memref<80x16xi32, #tpu.memory_space<hbm>>
      %dma_start3A_234 = arith.constant 0 : i32
      %dma_start3A_235 = arith.constant 0 : i32
      %dma_start3A_236 = tpu.memref_slice %dma_start3A_233[%dma_start3A_234, %dma_start3A_235] : memref<80x16xi32, #tpu.memory_space<hbm>> -> memref<80x16xi32, #tpu.memory_space<hbm>>
      tpu.enqueue_indirect_dma source(%dma_start3A_229 : memref<16x16xi32, #tpu.memory_space<vmem>>) target(%dma_start3A_236 : memref<80x16xi32, #tpu.memory_space<hbm>>) offsets(%select_n3A_188 : vector<16xi32>) semaphore(%run_scoped3A_226 : memref<!tpu.dma_semaphore, #tpu.memory_space<semaphore_mem>>)
      %dma_wait3A = arith.constant 0 : i32
      %dma_wait3A_237 = arith.constant 0 : i32
      %dma_wait3A_238 = tpu.memref_slice %arg8[%run_scoped3A_190, %dma_wait3A, %dma_wait3A_237] : memref<4x16x16xi32, #tpu.memory_space<vmem>> -> memref<1x16x16xi32, #tpu.memory_space<vmem>>
      %dma_wait3A_239 = tpu.memref_squeeze %dma_wait3A_238 : memref<1x16x16xi32, #tpu.memory_space<vmem>> -> memref<16x16xi32, #tpu.memory_space<vmem>>
      %dma_wait3A_240 = arith.constant 0 : i32
      %dma_wait3A_241 = arith.constant 0 : i32
      %dma_wait3A_242 = tpu.memref_slice %arg5[%add3A_30, %dma_wait3A_240, %dma_wait3A_241] : memref<4x80x16xi32, #tpu.memory_space<hbm>> -> memref<1x80x16xi32, #tpu.memory_space<hbm>>
      %dma_wait3A_243 = tpu.memref_squeeze %dma_wait3A_242 : memref<1x80x16xi32, #tpu.memory_space<hbm>> -> memref<80x16xi32, #tpu.memory_space<hbm>>
      %dma_wait3A_244 = arith.constant 0 : i32
      %dma_wait3A_245 = arith.constant 0 : i32
      %dma_wait3A_246 = tpu.memref_slice %dma_wait3A_243[%dma_wait3A_244, %dma_wait3A_245] : memref<80x16xi32, #tpu.memory_space<hbm>> -> memref<80x16xi32, #tpu.memory_space<hbm>>
      tpu.wait_indirect_dma semaphore(%run_scoped3A_226 : memref<!tpu.dma_semaphore, #tpu.memory_space<semaphore_mem>>) src(%dma_wait3A_239 : memref<16x16xi32, #tpu.memory_space<vmem>>) dst(%dma_wait3A_246 : memref<80x16xi32, #tpu.memory_space<hbm>>)
      tpu.yield
    }) : () -> ()
    %add3A_191 = arith.constant 32 : i32
    %add3A_192 = vector.broadcast %add3A_191 : i32 to vector<16xi32>
    %add3A_193 = arith.addi %add3A_192, %iota3A : vector<16xi32>
    %lt3A_194 = vector.broadcast %reduce_max3A_57 : i32 to vector<16xi32>
    %lt3A_195 = arith.cmpi slt, %add3A_193, %lt3A_194 : vector<16xi32>
    %add3A_196 = vector.broadcast %add3A_159 : i32 to vector<16xi32>
    %add3A_197 = arith.addi %add3A_196, %add3A_193 : vector<16xi32>
    %min3A_198 = arith.constant 63 : i32
    %min3A_199 = vector.broadcast %min3A_198 : i32 to vector<16xi32>
    %min3A_200 = arith.minsi %add3A_197, %min3A_199 : vector<16xi32>
    %add3A_201 = arith.constant 64 : i32
    %add3A_202 = vector.broadcast %add3A_201 : i32 to vector<16xi32>
    %add3A_203 = arith.addi %add3A_202, %iota3A : vector<16xi32>
    %select_n3A_204 = arith.select %lt3A_195, %min3A_200, %add3A_203 : vector<16xi1>, vector<16xi32>
    %run_scoped3A_205 = arith.constant 2 : i32
    "tpu.region"() ({
      %run_scoped3A_226 = tpu.sem_alloc : memref<!tpu.dma_semaphore, #tpu.memory_space<semaphore_mem>>
      %dma_start3A = arith.constant 0 : i32
      %dma_start3A_227 = arith.constant 0 : i32
      %dma_start3A_228 = tpu.memref_slice %arg7[%run_scoped3A_205, %dma_start3A, %dma_start3A_227] : memref<4x16x16xf32, #tpu.memory_space<vmem>> -> memref<1x16x16xf32, #tpu.memory_space<vmem>>
      %dma_start3A_229 = tpu.memref_squeeze %dma_start3A_228 : memref<1x16x16xf32, #tpu.memory_space<vmem>> -> memref<16x16xf32, #tpu.memory_space<vmem>>
      %dma_start3A_230 = arith.constant 0 : i32
      %dma_start3A_231 = arith.constant 0 : i32
      %dma_start3A_232 = tpu.memref_slice %arg4[%add3A_30, %dma_start3A_230, %dma_start3A_231] : memref<4x80x16xf32, #tpu.memory_space<hbm>> -> memref<1x80x16xf32, #tpu.memory_space<hbm>>
      %dma_start3A_233 = tpu.memref_squeeze %dma_start3A_232 : memref<1x80x16xf32, #tpu.memory_space<hbm>> -> memref<80x16xf32, #tpu.memory_space<hbm>>
      %dma_start3A_234 = arith.constant 0 : i32
      %dma_start3A_235 = arith.constant 0 : i32
      %dma_start3A_236 = tpu.memref_slice %dma_start3A_233[%dma_start3A_234, %dma_start3A_235] : memref<80x16xf32, #tpu.memory_space<hbm>> -> memref<80x16xf32, #tpu.memory_space<hbm>>
      tpu.enqueue_indirect_dma source(%dma_start3A_229 : memref<16x16xf32, #tpu.memory_space<vmem>>) target(%dma_start3A_236 : memref<80x16xf32, #tpu.memory_space<hbm>>) offsets(%select_n3A_204 : vector<16xi32>) semaphore(%run_scoped3A_226 : memref<!tpu.dma_semaphore, #tpu.memory_space<semaphore_mem>>)
      %dma_wait3A = arith.constant 0 : i32
      %dma_wait3A_237 = arith.constant 0 : i32
      %dma_wait3A_238 = tpu.memref_slice %arg7[%run_scoped3A_205, %dma_wait3A, %dma_wait3A_237] : memref<4x16x16xf32, #tpu.memory_space<vmem>> -> memref<1x16x16xf32, #tpu.memory_space<vmem>>
      %dma_wait3A_239 = tpu.memref_squeeze %dma_wait3A_238 : memref<1x16x16xf32, #tpu.memory_space<vmem>> -> memref<16x16xf32, #tpu.memory_space<vmem>>
      %dma_wait3A_240 = arith.constant 0 : i32
      %dma_wait3A_241 = arith.constant 0 : i32
      %dma_wait3A_242 = tpu.memref_slice %arg4[%add3A_30, %dma_wait3A_240, %dma_wait3A_241] : memref<4x80x16xf32, #tpu.memory_space<hbm>> -> memref<1x80x16xf32, #tpu.memory_space<hbm>>
      %dma_wait3A_243 = tpu.memref_squeeze %dma_wait3A_242 : memref<1x80x16xf32, #tpu.memory_space<hbm>> -> memref<80x16xf32, #tpu.memory_space<hbm>>
      %dma_wait3A_244 = arith.constant 0 : i32
      %dma_wait3A_245 = arith.constant 0 : i32
      %dma_wait3A_246 = tpu.memref_slice %dma_wait3A_243[%dma_wait3A_244, %dma_wait3A_245] : memref<80x16xf32, #tpu.memory_space<hbm>> -> memref<80x16xf32, #tpu.memory_space<hbm>>
      tpu.wait_indirect_dma semaphore(%run_scoped3A_226 : memref<!tpu.dma_semaphore, #tpu.memory_space<semaphore_mem>>) src(%dma_wait3A_239 : memref<16x16xf32, #tpu.memory_space<vmem>>) dst(%dma_wait3A_246 : memref<80x16xf32, #tpu.memory_space<hbm>>)
      tpu.yield
    }) : () -> ()
    %run_scoped3A_206 = arith.constant 2 : i32
    "tpu.region"() ({
      %run_scoped3A_226 = tpu.sem_alloc : memref<!tpu.dma_semaphore, #tpu.memory_space<semaphore_mem>>
      %dma_start3A = arith.constant 0 : i32
      %dma_start3A_227 = arith.constant 0 : i32
      %dma_start3A_228 = tpu.memref_slice %arg8[%run_scoped3A_206, %dma_start3A, %dma_start3A_227] : memref<4x16x16xi32, #tpu.memory_space<vmem>> -> memref<1x16x16xi32, #tpu.memory_space<vmem>>
      %dma_start3A_229 = tpu.memref_squeeze %dma_start3A_228 : memref<1x16x16xi32, #tpu.memory_space<vmem>> -> memref<16x16xi32, #tpu.memory_space<vmem>>
      %dma_start3A_230 = arith.constant 0 : i32
      %dma_start3A_231 = arith.constant 0 : i32
      %dma_start3A_232 = tpu.memref_slice %arg5[%add3A_30, %dma_start3A_230, %dma_start3A_231] : memref<4x80x16xi32, #tpu.memory_space<hbm>> -> memref<1x80x16xi32, #tpu.memory_space<hbm>>
      %dma_start3A_233 = tpu.memref_squeeze %dma_start3A_232 : memref<1x80x16xi32, #tpu.memory_space<hbm>> -> memref<80x16xi32, #tpu.memory_space<hbm>>
      %dma_start3A_234 = arith.constant 0 : i32
      %dma_start3A_235 = arith.constant 0 : i32
      %dma_start3A_236 = tpu.memref_slice %dma_start3A_233[%dma_start3A_234, %dma_start3A_235] : memref<80x16xi32, #tpu.memory_space<hbm>> -> memref<80x16xi32, #tpu.memory_space<hbm>>
      tpu.enqueue_indirect_dma source(%dma_start3A_229 : memref<16x16xi32, #tpu.memory_space<vmem>>) target(%dma_start3A_236 : memref<80x16xi32, #tpu.memory_space<hbm>>) offsets(%select_n3A_204 : vector<16xi32>) semaphore(%run_scoped3A_226 : memref<!tpu.dma_semaphore, #tpu.memory_space<semaphore_mem>>)
      %dma_wait3A = arith.constant 0 : i32
      %dma_wait3A_237 = arith.constant 0 : i32
      %dma_wait3A_238 = tpu.memref_slice %arg8[%run_scoped3A_206, %dma_wait3A, %dma_wait3A_237] : memref<4x16x16xi32, #tpu.memory_space<vmem>> -> memref<1x16x16xi32, #tpu.memory_space<vmem>>
      %dma_wait3A_239 = tpu.memref_squeeze %dma_wait3A_238 : memref<1x16x16xi32, #tpu.memory_space<vmem>> -> memref<16x16xi32, #tpu.memory_space<vmem>>
      %dma_wait3A_240 = arith.constant 0 : i32
      %dma_wait3A_241 = arith.constant 0 : i32
      %dma_wait3A_242 = tpu.memref_slice %arg5[%add3A_30, %dma_wait3A_240, %dma_wait3A_241] : memref<4x80x16xi32, #tpu.memory_space<hbm>> -> memref<1x80x16xi32, #tpu.memory_space<hbm>>
      %dma_wait3A_243 = tpu.memref_squeeze %dma_wait3A_242 : memref<1x80x16xi32, #tpu.memory_space<hbm>> -> memref<80x16xi32, #tpu.memory_space<hbm>>
      %dma_wait3A_244 = arith.constant 0 : i32
      %dma_wait3A_245 = arith.constant 0 : i32
      %dma_wait3A_246 = tpu.memref_slice %dma_wait3A_243[%dma_wait3A_244, %dma_wait3A_245] : memref<80x16xi32, #tpu.memory_space<hbm>> -> memref<80x16xi32, #tpu.memory_space<hbm>>
      tpu.wait_indirect_dma semaphore(%run_scoped3A_226 : memref<!tpu.dma_semaphore, #tpu.memory_space<semaphore_mem>>) src(%dma_wait3A_239 : memref<16x16xi32, #tpu.memory_space<vmem>>) dst(%dma_wait3A_246 : memref<80x16xi32, #tpu.memory_space<hbm>>)
      tpu.yield
    }) : () -> ()
    %add3A_207 = arith.constant 48 : i32
    %add3A_208 = vector.broadcast %add3A_207 : i32 to vector<16xi32>
    %add3A_209 = arith.addi %add3A_208, %iota3A : vector<16xi32>
    %lt3A_210 = vector.broadcast %reduce_max3A_57 : i32 to vector<16xi32>
    %lt3A_211 = arith.cmpi slt, %add3A_209, %lt3A_210 : vector<16xi32>
    %add3A_212 = vector.broadcast %add3A_159 : i32 to vector<16xi32>
    %add3A_213 = arith.addi %add3A_212, %add3A_209 : vector<16xi32>
    %min3A_214 = arith.constant 63 : i32
    %min3A_215 = vector.broadcast %min3A_214 : i32 to vector<16xi32>
    %min3A_216 = arith.minsi %add3A_213, %min3A_215 : vector<16xi32>
    %add3A_217 = arith.constant 64 : i32
    %add3A_218 = vector.broadcast %add3A_217 : i32 to vector<16xi32>
    %add3A_219 = arith.addi %add3A_218, %iota3A : vector<16xi32>
    %select_n3A_220 = arith.select %lt3A_211, %min3A_216, %add3A_219 : vector<16xi1>, vector<16xi32>
    %run_scoped3A_221 = arith.constant 3 : i32
    "tpu.region"() ({
      %run_scoped3A_226 = tpu.sem_alloc : memref<!tpu.dma_semaphore, #tpu.memory_space<semaphore_mem>>
      %dma_start3A = arith.constant 0 : i32
      %dma_start3A_227 = arith.constant 0 : i32
      %dma_start3A_228 = tpu.memref_slice %arg7[%run_scoped3A_221, %dma_start3A, %dma_start3A_227] : memref<4x16x16xf32, #tpu.memory_space<vmem>> -> memref<1x16x16xf32, #tpu.memory_space<vmem>>
      %dma_start3A_229 = tpu.memref_squeeze %dma_start3A_228 : memref<1x16x16xf32, #tpu.memory_space<vmem>> -> memref<16x16xf32, #tpu.memory_space<vmem>>
      %dma_start3A_230 = arith.constant 0 : i32
      %dma_start3A_231 = arith.constant 0 : i32
      %dma_start3A_232 = tpu.memref_slice %arg4[%add3A_30, %dma_start3A_230, %dma_start3A_231] : memref<4x80x16xf32, #tpu.memory_space<hbm>> -> memref<1x80x16xf32, #tpu.memory_space<hbm>>
      %dma_start3A_233 = tpu.memref_squeeze %dma_start3A_232 : memref<1x80x16xf32, #tpu.memory_space<hbm>> -> memref<80x16xf32, #tpu.memory_space<hbm>>
      %dma_start3A_234 = arith.constant 0 : i32
      %dma_start3A_235 = arith.constant 0 : i32
      %dma_start3A_236 = tpu.memref_slice %dma_start3A_233[%dma_start3A_234, %dma_start3A_235] : memref<80x16xf32, #tpu.memory_space<hbm>> -> memref<80x16xf32, #tpu.memory_space<hbm>>
      tpu.enqueue_indirect_dma source(%dma_start3A_229 : memref<16x16xf32, #tpu.memory_space<vmem>>) target(%dma_start3A_236 : memref<80x16xf32, #tpu.memory_space<hbm>>) offsets(%select_n3A_220 : vector<16xi32>) semaphore(%run_scoped3A_226 : memref<!tpu.dma_semaphore, #tpu.memory_space<semaphore_mem>>)
      %dma_wait3A = arith.constant 0 : i32
      %dma_wait3A_237 = arith.constant 0 : i32
      %dma_wait3A_238 = tpu.memref_slice %arg7[%run_scoped3A_221, %dma_wait3A, %dma_wait3A_237] : memref<4x16x16xf32, #tpu.memory_space<vmem>> -> memref<1x16x16xf32, #tpu.memory_space<vmem>>
      %dma_wait3A_239 = tpu.memref_squeeze %dma_wait3A_238 : memref<1x16x16xf32, #tpu.memory_space<vmem>> -> memref<16x16xf32, #tpu.memory_space<vmem>>
      %dma_wait3A_240 = arith.constant 0 : i32
      %dma_wait3A_241 = arith.constant 0 : i32
      %dma_wait3A_242 = tpu.memref_slice %arg4[%add3A_30, %dma_wait3A_240, %dma_wait3A_241] : memref<4x80x16xf32, #tpu.memory_space<hbm>> -> memref<1x80x16xf32, #tpu.memory_space<hbm>>
      %dma_wait3A_243 = tpu.memref_squeeze %dma_wait3A_242 : memref<1x80x16xf32, #tpu.memory_space<hbm>> -> memref<80x16xf32, #tpu.memory_space<hbm>>
      %dma_wait3A_244 = arith.constant 0 : i32
      %dma_wait3A_245 = arith.constant 0 : i32
      %dma_wait3A_246 = tpu.memref_slice %dma_wait3A_243[%dma_wait3A_244, %dma_wait3A_245] : memref<80x16xf32, #tpu.memory_space<hbm>> -> memref<80x16xf32, #tpu.memory_space<hbm>>
      tpu.wait_indirect_dma semaphore(%run_scoped3A_226 : memref<!tpu.dma_semaphore, #tpu.memory_space<semaphore_mem>>) src(%dma_wait3A_239 : memref<16x16xf32, #tpu.memory_space<vmem>>) dst(%dma_wait3A_246 : memref<80x16xf32, #tpu.memory_space<hbm>>)
      tpu.yield
    }) : () -> ()
    %run_scoped3A_222 = arith.constant 3 : i32
    "tpu.region"() ({
      %run_scoped3A_226 = tpu.sem_alloc : memref<!tpu.dma_semaphore, #tpu.memory_space<semaphore_mem>>
      %dma_start3A = arith.constant 0 : i32
      %dma_start3A_227 = arith.constant 0 : i32
      %dma_start3A_228 = tpu.memref_slice %arg8[%run_scoped3A_222, %dma_start3A, %dma_start3A_227] : memref<4x16x16xi32, #tpu.memory_space<vmem>> -> memref<1x16x16xi32, #tpu.memory_space<vmem>>
      %dma_start3A_229 = tpu.memref_squeeze %dma_start3A_228 : memref<1x16x16xi32, #tpu.memory_space<vmem>> -> memref<16x16xi32, #tpu.memory_space<vmem>>
      %dma_start3A_230 = arith.constant 0 : i32
      %dma_start3A_231 = arith.constant 0 : i32
      %dma_start3A_232 = tpu.memref_slice %arg5[%add3A_30, %dma_start3A_230, %dma_start3A_231] : memref<4x80x16xi32, #tpu.memory_space<hbm>> -> memref<1x80x16xi32, #tpu.memory_space<hbm>>
      %dma_start3A_233 = tpu.memref_squeeze %dma_start3A_232 : memref<1x80x16xi32, #tpu.memory_space<hbm>> -> memref<80x16xi32, #tpu.memory_space<hbm>>
      %dma_start3A_234 = arith.constant 0 : i32
      %dma_start3A_235 = arith.constant 0 : i32
      %dma_start3A_236 = tpu.memref_slice %dma_start3A_233[%dma_start3A_234, %dma_start3A_235] : memref<80x16xi32, #tpu.memory_space<hbm>> -> memref<80x16xi32, #tpu.memory_space<hbm>>
      tpu.enqueue_indirect_dma source(%dma_start3A_229 : memref<16x16xi32, #tpu.memory_space<vmem>>) target(%dma_start3A_236 : memref<80x16xi32, #tpu.memory_space<hbm>>) offsets(%select_n3A_220 : vector<16xi32>) semaphore(%run_scoped3A_226 : memref<!tpu.dma_semaphore, #tpu.memory_space<semaphore_mem>>)
      %dma_wait3A = arith.constant 0 : i32
      %dma_wait3A_237 = arith.constant 0 : i32
      %dma_wait3A_238 = tpu.memref_slice %arg8[%run_scoped3A_222, %dma_wait3A, %dma_wait3A_237] : memref<4x16x16xi32, #tpu.memory_space<vmem>> -> memref<1x16x16xi32, #tpu.memory_space<vmem>>
      %dma_wait3A_239 = tpu.memref_squeeze %dma_wait3A_238 : memref<1x16x16xi32, #tpu.memory_space<vmem>> -> memref<16x16xi32, #tpu.memory_space<vmem>>
      %dma_wait3A_240 = arith.constant 0 : i32
      %dma_wait3A_241 = arith.constant 0 : i32
      %dma_wait3A_242 = tpu.memref_slice %arg5[%add3A_30, %dma_wait3A_240, %dma_wait3A_241] : memref<4x80x16xi32, #tpu.memory_space<hbm>> -> memref<1x80x16xi32, #tpu.memory_space<hbm>>
      %dma_wait3A_243 = tpu.memref_squeeze %dma_wait3A_242 : memref<1x80x16xi32, #tpu.memory_space<hbm>> -> memref<80x16xi32, #tpu.memory_space<hbm>>
      %dma_wait3A_244 = arith.constant 0 : i32
      %dma_wait3A_245 = arith.constant 0 : i32
      %dma_wait3A_246 = tpu.memref_slice %dma_wait3A_243[%dma_wait3A_244, %dma_wait3A_245] : memref<80x16xi32, #tpu.memory_space<hbm>> -> memref<80x16xi32, #tpu.memory_space<hbm>>
      tpu.wait_indirect_dma semaphore(%run_scoped3A_226 : memref<!tpu.dma_semaphore, #tpu.memory_space<semaphore_mem>>) src(%dma_wait3A_239 : memref<16x16xi32, #tpu.memory_space<vmem>>) dst(%dma_wait3A_246 : memref<80x16xi32, #tpu.memory_space<hbm>>)
      tpu.yield
    }) : () -> ()
    %eq3A_223 = arith.constant 7 : i32
    %eq3A_224 = arith.cmpi eq, %select_n3A_28, %eq3A_223 : i32
    %convert_element_type3A = arith.extui %eq3A_224 : i1 to i32
    %cond3A = arith.constant 0 : i32
    %cond3A_225 = arith.cmpi ne, %convert_element_type3A, %cond3A : i32
    scf.if %cond3A_225 {
      %add3A_226 = arith.constant 0 : i32
      %add3A_227 = arith.addi %add3A_160, %add3A_226 : i32
      %add3A_228 = vector.broadcast %add3A_227 : i32 to vector<16xi32>
      %add3A_229 = arith.addi %add3A_228, %iota3A : vector<16xi32>
      %min3A_230 = arith.constant 79 : i32
      %min3A_231 = vector.broadcast %min3A_230 : i32 to vector<16xi32>
      %min3A_232 = arith.minsi %add3A_229, %min3A_231 : vector<16xi32>
      "tpu.region"() ({
        %run_scoped3A_254 = tpu.sem_alloc : memref<!tpu.dma_semaphore, #tpu.memory_space<semaphore_mem>>
        %dma_start3A = arith.constant 0 : i32
        %dma_start3A_255 = arith.constant 0 : i32
        %dma_start3A_256 = tpu.memref_slice %arg4[%add3A_30, %dma_start3A, %dma_start3A_255] : memref<4x80x16xf32, #tpu.memory_space<hbm>> -> memref<1x80x16xf32, #tpu.memory_space<hbm>>
        %dma_start3A_257 = tpu.memref_squeeze %dma_start3A_256 : memref<1x80x16xf32, #tpu.memory_space<hbm>> -> memref<80x16xf32, #tpu.memory_space<hbm>>
        %dma_start3A_258 = arith.constant 0 : i32
        %dma_start3A_259 = arith.constant 0 : i32
        %dma_start3A_260 = tpu.memref_slice %dma_start3A_257[%dma_start3A_258, %dma_start3A_259] : memref<80x16xf32, #tpu.memory_space<hbm>> -> memref<80x16xf32, #tpu.memory_space<hbm>>
        tpu.enqueue_indirect_dma source(%arg9 : memref<16x16xf32, #tpu.memory_space<vmem>>) target(%dma_start3A_260 : memref<80x16xf32, #tpu.memory_space<hbm>>) offsets(%min3A_232 : vector<16xi32>) semaphore(%run_scoped3A_254 : memref<!tpu.dma_semaphore, #tpu.memory_space<semaphore_mem>>)
        %dma_wait3A = arith.constant 0 : i32
        %dma_wait3A_261 = arith.constant 0 : i32
        %dma_wait3A_262 = tpu.memref_slice %arg4[%add3A_30, %dma_wait3A, %dma_wait3A_261] : memref<4x80x16xf32, #tpu.memory_space<hbm>> -> memref<1x80x16xf32, #tpu.memory_space<hbm>>
        %dma_wait3A_263 = tpu.memref_squeeze %dma_wait3A_262 : memref<1x80x16xf32, #tpu.memory_space<hbm>> -> memref<80x16xf32, #tpu.memory_space<hbm>>
        %dma_wait3A_264 = arith.constant 0 : i32
        %dma_wait3A_265 = arith.constant 0 : i32
        %dma_wait3A_266 = tpu.memref_slice %dma_wait3A_263[%dma_wait3A_264, %dma_wait3A_265] : memref<80x16xf32, #tpu.memory_space<hbm>> -> memref<80x16xf32, #tpu.memory_space<hbm>>
        tpu.wait_indirect_dma semaphore(%run_scoped3A_254 : memref<!tpu.dma_semaphore, #tpu.memory_space<semaphore_mem>>) src(%arg9 : memref<16x16xf32, #tpu.memory_space<vmem>>) dst(%dma_wait3A_266 : memref<80x16xf32, #tpu.memory_space<hbm>>)
        tpu.yield
      }) : () -> ()
      "tpu.region"() ({
        %run_scoped3A_254 = tpu.sem_alloc : memref<!tpu.dma_semaphore, #tpu.memory_space<semaphore_mem>>
        %dma_start3A = arith.constant 0 : i32
        %dma_start3A_255 = arith.constant 0 : i32
        %dma_start3A_256 = tpu.memref_slice %arg5[%add3A_30, %dma_start3A, %dma_start3A_255] : memref<4x80x16xi32, #tpu.memory_space<hbm>> -> memref<1x80x16xi32, #tpu.memory_space<hbm>>
        %dma_start3A_257 = tpu.memref_squeeze %dma_start3A_256 : memref<1x80x16xi32, #tpu.memory_space<hbm>> -> memref<80x16xi32, #tpu.memory_space<hbm>>
        %dma_start3A_258 = arith.constant 0 : i32
        %dma_start3A_259 = arith.constant 0 : i32
        %dma_start3A_260 = tpu.memref_slice %dma_start3A_257[%dma_start3A_258, %dma_start3A_259] : memref<80x16xi32, #tpu.memory_space<hbm>> -> memref<80x16xi32, #tpu.memory_space<hbm>>
        tpu.enqueue_indirect_dma source(%arg10 : memref<16x16xi32, #tpu.memory_space<vmem>>) target(%dma_start3A_260 : memref<80x16xi32, #tpu.memory_space<hbm>>) offsets(%min3A_232 : vector<16xi32>) semaphore(%run_scoped3A_254 : memref<!tpu.dma_semaphore, #tpu.memory_space<semaphore_mem>>)
        %dma_wait3A = arith.constant 0 : i32
        %dma_wait3A_261 = arith.constant 0 : i32
        %dma_wait3A_262 = tpu.memref_slice %arg5[%add3A_30, %dma_wait3A, %dma_wait3A_261] : memref<4x80x16xi32, #tpu.memory_space<hbm>> -> memref<1x80x16xi32, #tpu.memory_space<hbm>>
        %dma_wait3A_263 = tpu.memref_squeeze %dma_wait3A_262 : memref<1x80x16xi32, #tpu.memory_space<hbm>> -> memref<80x16xi32, #tpu.memory_space<hbm>>
        %dma_wait3A_264 = arith.constant 0 : i32
        %dma_wait3A_265 = arith.constant 0 : i32
        %dma_wait3A_266 = tpu.memref_slice %dma_wait3A_263[%dma_wait3A_264, %dma_wait3A_265] : memref<80x16xi32, #tpu.memory_space<hbm>> -> memref<80x16xi32, #tpu.memory_space<hbm>>
        tpu.wait_indirect_dma semaphore(%run_scoped3A_254 : memref<!tpu.dma_semaphore, #tpu.memory_space<semaphore_mem>>) src(%arg10 : memref<16x16xi32, #tpu.memory_space<vmem>>) dst(%dma_wait3A_266 : memref<80x16xi32, #tpu.memory_space<hbm>>)
        tpu.yield
      }) : () -> ()
      %add3A_233 = arith.constant 16 : i32
      %add3A_234 = arith.addi %add3A_160, %add3A_233 : i32
      %add3A_235 = vector.broadcast %add3A_234 : i32 to vector<16xi32>
      %add3A_236 = arith.addi %add3A_235, %iota3A : vector<16xi32>
      %min3A_237 = arith.constant 79 : i32
      %min3A_238 = vector.broadcast %min3A_237 : i32 to vector<16xi32>
      %min3A_239 = arith.minsi %add3A_236, %min3A_238 : vector<16xi32>
      "tpu.region"() ({
        %run_scoped3A_254 = tpu.sem_alloc : memref<!tpu.dma_semaphore, #tpu.memory_space<semaphore_mem>>
        %dma_start3A = arith.constant 0 : i32
        %dma_start3A_255 = arith.constant 0 : i32
        %dma_start3A_256 = tpu.memref_slice %arg4[%add3A_30, %dma_start3A, %dma_start3A_255] : memref<4x80x16xf32, #tpu.memory_space<hbm>> -> memref<1x80x16xf32, #tpu.memory_space<hbm>>
        %dma_start3A_257 = tpu.memref_squeeze %dma_start3A_256 : memref<1x80x16xf32, #tpu.memory_space<hbm>> -> memref<80x16xf32, #tpu.memory_space<hbm>>
        %dma_start3A_258 = arith.constant 0 : i32
        %dma_start3A_259 = arith.constant 0 : i32
        %dma_start3A_260 = tpu.memref_slice %dma_start3A_257[%dma_start3A_258, %dma_start3A_259] : memref<80x16xf32, #tpu.memory_space<hbm>> -> memref<80x16xf32, #tpu.memory_space<hbm>>
        tpu.enqueue_indirect_dma source(%arg9 : memref<16x16xf32, #tpu.memory_space<vmem>>) target(%dma_start3A_260 : memref<80x16xf32, #tpu.memory_space<hbm>>) offsets(%min3A_239 : vector<16xi32>) semaphore(%run_scoped3A_254 : memref<!tpu.dma_semaphore, #tpu.memory_space<semaphore_mem>>)
        %dma_wait3A = arith.constant 0 : i32
        %dma_wait3A_261 = arith.constant 0 : i32
        %dma_wait3A_262 = tpu.memref_slice %arg4[%add3A_30, %dma_wait3A, %dma_wait3A_261] : memref<4x80x16xf32, #tpu.memory_space<hbm>> -> memref<1x80x16xf32, #tpu.memory_space<hbm>>
        %dma_wait3A_263 = tpu.memref_squeeze %dma_wait3A_262 : memref<1x80x16xf32, #tpu.memory_space<hbm>> -> memref<80x16xf32, #tpu.memory_space<hbm>>
        %dma_wait3A_264 = arith.constant 0 : i32
        %dma_wait3A_265 = arith.constant 0 : i32
        %dma_wait3A_266 = tpu.memref_slice %dma_wait3A_263[%dma_wait3A_264, %dma_wait3A_265] : memref<80x16xf32, #tpu.memory_space<hbm>> -> memref<80x16xf32, #tpu.memory_space<hbm>>
        tpu.wait_indirect_dma semaphore(%run_scoped3A_254 : memref<!tpu.dma_semaphore, #tpu.memory_space<semaphore_mem>>) src(%arg9 : memref<16x16xf32, #tpu.memory_space<vmem>>) dst(%dma_wait3A_266 : memref<80x16xf32, #tpu.memory_space<hbm>>)
        tpu.yield
      }) : () -> ()
      "tpu.region"() ({
        %run_scoped3A_254 = tpu.sem_alloc : memref<!tpu.dma_semaphore, #tpu.memory_space<semaphore_mem>>
        %dma_start3A = arith.constant 0 : i32
        %dma_start3A_255 = arith.constant 0 : i32
        %dma_start3A_256 = tpu.memref_slice %arg5[%add3A_30, %dma_start3A, %dma_start3A_255] : memref<4x80x16xi32, #tpu.memory_space<hbm>> -> memref<1x80x16xi32, #tpu.memory_space<hbm>>
        %dma_start3A_257 = tpu.memref_squeeze %dma_start3A_256 : memref<1x80x16xi32, #tpu.memory_space<hbm>> -> memref<80x16xi32, #tpu.memory_space<hbm>>
        %dma_start3A_258 = arith.constant 0 : i32
        %dma_start3A_259 = arith.constant 0 : i32
        %dma_start3A_260 = tpu.memref_slice %dma_start3A_257[%dma_start3A_258, %dma_start3A_259] : memref<80x16xi32, #tpu.memory_space<hbm>> -> memref<80x16xi32, #tpu.memory_space<hbm>>
        tpu.enqueue_indirect_dma source(%arg10 : memref<16x16xi32, #tpu.memory_space<vmem>>) target(%dma_start3A_260 : memref<80x16xi32, #tpu.memory_space<hbm>>) offsets(%min3A_239 : vector<16xi32>) semaphore(%run_scoped3A_254 : memref<!tpu.dma_semaphore, #tpu.memory_space<semaphore_mem>>)
        %dma_wait3A = arith.constant 0 : i32
        %dma_wait3A_261 = arith.constant 0 : i32
        %dma_wait3A_262 = tpu.memref_slice %arg5[%add3A_30, %dma_wait3A, %dma_wait3A_261] : memref<4x80x16xi32, #tpu.memory_space<hbm>> -> memref<1x80x16xi32, #tpu.memory_space<hbm>>
        %dma_wait3A_263 = tpu.memref_squeeze %dma_wait3A_262 : memref<1x80x16xi32, #tpu.memory_space<hbm>> -> memref<80x16xi32, #tpu.memory_space<hbm>>
        %dma_wait3A_264 = arith.constant 0 : i32
        %dma_wait3A_265 = arith.constant 0 : i32
        %dma_wait3A_266 = tpu.memref_slice %dma_wait3A_263[%dma_wait3A_264, %dma_wait3A_265] : memref<80x16xi32, #tpu.memory_space<hbm>> -> memref<80x16xi32, #tpu.memory_space<hbm>>
        tpu.wait_indirect_dma semaphore(%run_scoped3A_254 : memref<!tpu.dma_semaphore, #tpu.memory_space<semaphore_mem>>) src(%arg10 : memref<16x16xi32, #tpu.memory_space<vmem>>) dst(%dma_wait3A_266 : memref<80x16xi32, #tpu.memory_space<hbm>>)
        tpu.yield
      }) : () -> ()
      %add3A_240 = arith.constant 32 : i32
      %add3A_241 = arith.addi %add3A_160, %add3A_240 : i32
      %add3A_242 = vector.broadcast %add3A_241 : i32 to vector<16xi32>
      %add3A_243 = arith.addi %add3A_242, %iota3A : vector<16xi32>
      %min3A_244 = arith.constant 79 : i32
      %min3A_245 = vector.broadcast %min3A_244 : i32 to vector<16xi32>
      %min3A_246 = arith.minsi %add3A_243, %min3A_245 : vector<16xi32>
      "tpu.region"() ({
        %run_scoped3A_254 = tpu.sem_alloc : memref<!tpu.dma_semaphore, #tpu.memory_space<semaphore_mem>>
        %dma_start3A = arith.constant 0 : i32
        %dma_start3A_255 = arith.constant 0 : i32
        %dma_start3A_256 = tpu.memref_slice %arg4[%add3A_30, %dma_start3A, %dma_start3A_255] : memref<4x80x16xf32, #tpu.memory_space<hbm>> -> memref<1x80x16xf32, #tpu.memory_space<hbm>>
        %dma_start3A_257 = tpu.memref_squeeze %dma_start3A_256 : memref<1x80x16xf32, #tpu.memory_space<hbm>> -> memref<80x16xf32, #tpu.memory_space<hbm>>
        %dma_start3A_258 = arith.constant 0 : i32
        %dma_start3A_259 = arith.constant 0 : i32
        %dma_start3A_260 = tpu.memref_slice %dma_start3A_257[%dma_start3A_258, %dma_start3A_259] : memref<80x16xf32, #tpu.memory_space<hbm>> -> memref<80x16xf32, #tpu.memory_space<hbm>>
        tpu.enqueue_indirect_dma source(%arg9 : memref<16x16xf32, #tpu.memory_space<vmem>>) target(%dma_start3A_260 : memref<80x16xf32, #tpu.memory_space<hbm>>) offsets(%min3A_246 : vector<16xi32>) semaphore(%run_scoped3A_254 : memref<!tpu.dma_semaphore, #tpu.memory_space<semaphore_mem>>)
        %dma_wait3A = arith.constant 0 : i32
        %dma_wait3A_261 = arith.constant 0 : i32
        %dma_wait3A_262 = tpu.memref_slice %arg4[%add3A_30, %dma_wait3A, %dma_wait3A_261] : memref<4x80x16xf32, #tpu.memory_space<hbm>> -> memref<1x80x16xf32, #tpu.memory_space<hbm>>
        %dma_wait3A_263 = tpu.memref_squeeze %dma_wait3A_262 : memref<1x80x16xf32, #tpu.memory_space<hbm>> -> memref<80x16xf32, #tpu.memory_space<hbm>>
        %dma_wait3A_264 = arith.constant 0 : i32
        %dma_wait3A_265 = arith.constant 0 : i32
        %dma_wait3A_266 = tpu.memref_slice %dma_wait3A_263[%dma_wait3A_264, %dma_wait3A_265] : memref<80x16xf32, #tpu.memory_space<hbm>> -> memref<80x16xf32, #tpu.memory_space<hbm>>
        tpu.wait_indirect_dma semaphore(%run_scoped3A_254 : memref<!tpu.dma_semaphore, #tpu.memory_space<semaphore_mem>>) src(%arg9 : memref<16x16xf32, #tpu.memory_space<vmem>>) dst(%dma_wait3A_266 : memref<80x16xf32, #tpu.memory_space<hbm>>)
        tpu.yield
      }) : () -> ()
      "tpu.region"() ({
        %run_scoped3A_254 = tpu.sem_alloc : memref<!tpu.dma_semaphore, #tpu.memory_space<semaphore_mem>>
        %dma_start3A = arith.constant 0 : i32
        %dma_start3A_255 = arith.constant 0 : i32
        %dma_start3A_256 = tpu.memref_slice %arg5[%add3A_30, %dma_start3A, %dma_start3A_255] : memref<4x80x16xi32, #tpu.memory_space<hbm>> -> memref<1x80x16xi32, #tpu.memory_space<hbm>>
        %dma_start3A_257 = tpu.memref_squeeze %dma_start3A_256 : memref<1x80x16xi32, #tpu.memory_space<hbm>> -> memref<80x16xi32, #tpu.memory_space<hbm>>
        %dma_start3A_258 = arith.constant 0 : i32
        %dma_start3A_259 = arith.constant 0 : i32
        %dma_start3A_260 = tpu.memref_slice %dma_start3A_257[%dma_start3A_258, %dma_start3A_259] : memref<80x16xi32, #tpu.memory_space<hbm>> -> memref<80x16xi32, #tpu.memory_space<hbm>>
        tpu.enqueue_indirect_dma source(%arg10 : memref<16x16xi32, #tpu.memory_space<vmem>>) target(%dma_start3A_260 : memref<80x16xi32, #tpu.memory_space<hbm>>) offsets(%min3A_246 : vector<16xi32>) semaphore(%run_scoped3A_254 : memref<!tpu.dma_semaphore, #tpu.memory_space<semaphore_mem>>)
        %dma_wait3A = arith.constant 0 : i32
        %dma_wait3A_261 = arith.constant 0 : i32
        %dma_wait3A_262 = tpu.memref_slice %arg5[%add3A_30, %dma_wait3A, %dma_wait3A_261] : memref<4x80x16xi32, #tpu.memory_space<hbm>> -> memref<1x80x16xi32, #tpu.memory_space<hbm>>
        %dma_wait3A_263 = tpu.memref_squeeze %dma_wait3A_262 : memref<1x80x16xi32, #tpu.memory_space<hbm>> -> memref<80x16xi32, #tpu.memory_space<hbm>>
        %dma_wait3A_264 = arith.constant 0 : i32
        %dma_wait3A_265 = arith.constant 0 : i32
        %dma_wait3A_266 = tpu.memref_slice %dma_wait3A_263[%dma_wait3A_264, %dma_wait3A_265] : memref<80x16xi32, #tpu.memory_space<hbm>> -> memref<80x16xi32, #tpu.memory_space<hbm>>
        tpu.wait_indirect_dma semaphore(%run_scoped3A_254 : memref<!tpu.dma_semaphore, #tpu.memory_space<semaphore_mem>>) src(%arg10 : memref<16x16xi32, #tpu.memory_space<vmem>>) dst(%dma_wait3A_266 : memref<80x16xi32, #tpu.memory_space<hbm>>)
        tpu.yield
      }) : () -> ()
      %add3A_247 = arith.constant 48 : i32
      %add3A_248 = arith.addi %add3A_160, %add3A_247 : i32
      %add3A_249 = vector.broadcast %add3A_248 : i32 to vector<16xi32>
      %add3A_250 = arith.addi %add3A_249, %iota3A : vector<16xi32>
      %min3A_251 = arith.constant 79 : i32
      %min3A_252 = vector.broadcast %min3A_251 : i32 to vector<16xi32>
      %min3A_253 = arith.minsi %add3A_250, %min3A_252 : vector<16xi32>
      "tpu.region"() ({
        %run_scoped3A_254 = tpu.sem_alloc : memref<!tpu.dma_semaphore, #tpu.memory_space<semaphore_mem>>
        %dma_start3A = arith.constant 0 : i32
        %dma_start3A_255 = arith.constant 0 : i32
        %dma_start3A_256 = tpu.memref_slice %arg4[%add3A_30, %dma_start3A, %dma_start3A_255] : memref<4x80x16xf32, #tpu.memory_space<hbm>> -> memref<1x80x16xf32, #tpu.memory_space<hbm>>
        %dma_start3A_257 = tpu.memref_squeeze %dma_start3A_256 : memref<1x80x16xf32, #tpu.memory_space<hbm>> -> memref<80x16xf32, #tpu.memory_space<hbm>>
        %dma_start3A_258 = arith.constant 0 : i32
        %dma_start3A_259 = arith.constant 0 : i32
        %dma_start3A_260 = tpu.memref_slice %dma_start3A_257[%dma_start3A_258, %dma_start3A_259] : memref<80x16xf32, #tpu.memory_space<hbm>> -> memref<80x16xf32, #tpu.memory_space<hbm>>
        tpu.enqueue_indirect_dma source(%arg9 : memref<16x16xf32, #tpu.memory_space<vmem>>) target(%dma_start3A_260 : memref<80x16xf32, #tpu.memory_space<hbm>>) offsets(%min3A_253 : vector<16xi32>) semaphore(%run_scoped3A_254 : memref<!tpu.dma_semaphore, #tpu.memory_space<semaphore_mem>>)
        %dma_wait3A = arith.constant 0 : i32
        %dma_wait3A_261 = arith.constant 0 : i32
        %dma_wait3A_262 = tpu.memref_slice %arg4[%add3A_30, %dma_wait3A, %dma_wait3A_261] : memref<4x80x16xf32, #tpu.memory_space<hbm>> -> memref<1x80x16xf32, #tpu.memory_space<hbm>>
        %dma_wait3A_263 = tpu.memref_squeeze %dma_wait3A_262 : memref<1x80x16xf32, #tpu.memory_space<hbm>> -> memref<80x16xf32, #tpu.memory_space<hbm>>
        %dma_wait3A_264 = arith.constant 0 : i32
        %dma_wait3A_265 = arith.constant 0 : i32
        %dma_wait3A_266 = tpu.memref_slice %dma_wait3A_263[%dma_wait3A_264, %dma_wait3A_265] : memref<80x16xf32, #tpu.memory_space<hbm>> -> memref<80x16xf32, #tpu.memory_space<hbm>>
        tpu.wait_indirect_dma semaphore(%run_scoped3A_254 : memref<!tpu.dma_semaphore, #tpu.memory_space<semaphore_mem>>) src(%arg9 : memref<16x16xf32, #tpu.memory_space<vmem>>) dst(%dma_wait3A_266 : memref<80x16xf32, #tpu.memory_space<hbm>>)
        tpu.yield
      }) : () -> ()
      "tpu.region"() ({
        %run_scoped3A_254 = tpu.sem_alloc : memref<!tpu.dma_semaphore, #tpu.memory_space<semaphore_mem>>
        %dma_start3A = arith.constant 0 : i32
        %dma_start3A_255 = arith.constant 0 : i32
        %dma_start3A_256 = tpu.memref_slice %arg5[%add3A_30, %dma_start3A, %dma_start3A_255] : memref<4x80x16xi32, #tpu.memory_space<hbm>> -> memref<1x80x16xi32, #tpu.memory_space<hbm>>
        %dma_start3A_257 = tpu.memref_squeeze %dma_start3A_256 : memref<1x80x16xi32, #tpu.memory_space<hbm>> -> memref<80x16xi32, #tpu.memory_space<hbm>>
        %dma_start3A_258 = arith.constant 0 : i32
        %dma_start3A_259 = arith.constant 0 : i32
        %dma_start3A_260 = tpu.memref_slice %dma_start3A_257[%dma_start3A_258, %dma_start3A_259] : memref<80x16xi32, #tpu.memory_space<hbm>> -> memref<80x16xi32, #tpu.memory_space<hbm>>
        tpu.enqueue_indirect_dma source(%arg10 : memref<16x16xi32, #tpu.memory_space<vmem>>) target(%dma_start3A_260 : memref<80x16xi32, #tpu.memory_space<hbm>>) offsets(%min3A_253 : vector<16xi32>) semaphore(%run_scoped3A_254 : memref<!tpu.dma_semaphore, #tpu.memory_space<semaphore_mem>>)
        %dma_wait3A = arith.constant 0 : i32
        %dma_wait3A_261 = arith.constant 0 : i32
        %dma_wait3A_262 = tpu.memref_slice %arg5[%add3A_30, %dma_wait3A, %dma_wait3A_261] : memref<4x80x16xi32, #tpu.memory_space<hbm>> -> memref<1x80x16xi32, #tpu.memory_space<hbm>>
        %dma_wait3A_263 = tpu.memref_squeeze %dma_wait3A_262 : memref<1x80x16xi32, #tpu.memory_space<hbm>> -> memref<80x16xi32, #tpu.memory_space<hbm>>
        %dma_wait3A_264 = arith.constant 0 : i32
        %dma_wait3A_265 = arith.constant 0 : i32
        %dma_wait3A_266 = tpu.memref_slice %dma_wait3A_263[%dma_wait3A_264, %dma_wait3A_265] : memref<80x16xi32, #tpu.memory_space<hbm>> -> memref<80x16xi32, #tpu.memory_space<hbm>>
        tpu.wait_indirect_dma semaphore(%run_scoped3A_254 : memref<!tpu.dma_semaphore, #tpu.memory_space<semaphore_mem>>) src(%arg10 : memref<16x16xi32, #tpu.memory_space<vmem>>) dst(%dma_wait3A_266 : memref<80x16xi32, #tpu.memory_space<hbm>>)
        tpu.yield
      }) : () -> ()
    } else {
    }
    return
  }
}

module attributes {stable_mosaic.version = 14 : i64} {
  func.func @_k1_body(%arg0: i32, %arg1: memref<2048x128xf32, #tpu.memory_space<vmem>>, %arg2: memref<128x256xf32, #tpu.memory_space<vmem>>, %arg3: memref<1x256xf32, #tpu.memory_space<vmem>>, %arg4: memref<1x256xf32, #tpu.memory_space<vmem>>, %arg5: memref<1x256xf32, #tpu.memory_space<vmem>>, %arg6: memref<1x256xf32, #tpu.memory_space<vmem>>, %arg7: memref<1x256xf32, #tpu.memory_space<vmem>>, %arg8: memref<256x8xf32, #tpu.memory_space<vmem>>, %arg9: memref<1x8xf32, #tpu.memory_space<vmem>>, %arg10: memref<2048x8xf32, #tpu.memory_space<vmem>>) attributes {dimension_semantics = [#tpu.dimension_semantics<arbitrary>], iteration_bounds = array<i64: 10>, scalar_prefetch = 0 : i64, scratch_operands = 0 : i64, tpu.core_type = #tpu.core_type<tc>, window_params = [{transform_indices = @transform_0, window_bounds = array<i64: 2048, 128>}, {pipeline_mode = #tpu.pipeline_mode<synchronous>, transform_indices = @transform_1, window_bounds = array<i64: 128, 256>}, {pipeline_mode = #tpu.pipeline_mode<synchronous>, transform_indices = @transform_2, window_bounds = array<i64: 1, 256>}, {pipeline_mode = #tpu.pipeline_mode<synchronous>, transform_indices = @transform_3, window_bounds = array<i64: 1, 256>}, {pipeline_mode = #tpu.pipeline_mode<synchronous>, transform_indices = @transform_4, window_bounds = array<i64: 1, 256>}, {pipeline_mode = #tpu.pipeline_mode<synchronous>, transform_indices = @transform_5, window_bounds = array<i64: 1, 256>}, {pipeline_mode = #tpu.pipeline_mode<synchronous>, transform_indices = @transform_6, window_bounds = array<i64: 1, 256>}, {pipeline_mode = #tpu.pipeline_mode<synchronous>, transform_indices = @transform_7, window_bounds = array<i64: 256, 8>}, {pipeline_mode = #tpu.pipeline_mode<synchronous>, transform_indices = @transform_8, window_bounds = array<i64: 1, 8>}, {transform_indices = @transform_9, window_bounds = array<i64: 2048, 8>}]} {
    %get3A = arith.constant 0 : index
    %get3A_0 = arith.constant 0 : index
    %get3A_1 = vector.load %arg1[%get3A, %get3A_0] : memref<2048x128xf32, #tpu.memory_space<vmem>>, vector<2048x128xf32>
    %get3A_2 = arith.constant 0 : index
    %get3A_3 = arith.constant 0 : index
    %get3A_4 = vector.load %arg2[%get3A_2, %get3A_3] : memref<128x256xf32, #tpu.memory_space<vmem>>, vector<128x256xf32>
    %dot_general3A = arith.constant dense<0.000000e+00> : vector<2048x256xf32>
    %dot_general3A_5 = tpu.matmul %get3A_1, %get3A_4, %dot_general3A {dimension_numbers = #tpu.dot_dimension_numbers<[1], [0], [0], [1], [0, 0, 1, 1], [], []>, transpose_lhs_hint = false} : vector<2048x128xf32>, vector<128x256xf32>, vector<2048x256xf32> -> vector<2048x256xf32>
    %get3A_6 = arith.constant 0 : index
    %get3A_7 = arith.constant 0 : index
    %get3A_8 = vector.load %arg3[%get3A_6, %get3A_7] : memref<1x256xf32, #tpu.memory_space<vmem>>, vector<1x256xf32>
    %add3A = vector.broadcast %get3A_8 : vector<1x256xf32> to vector<2048x256xf32>
    %add3A_9 = arith.addf %dot_general3A_5, %add3A : vector<2048x256xf32>
    %get3A_10 = arith.constant 0 : index
    %get3A_11 = arith.constant 0 : index
    %get3A_12 = vector.load %arg4[%get3A_10, %get3A_11] : memref<1x256xf32, #tpu.memory_space<vmem>>, vector<1x256xf32>
    %sub3A = vector.broadcast %get3A_12 : vector<1x256xf32> to vector<2048x256xf32>
    %sub3A_13 = arith.subf %add3A_9, %sub3A : vector<2048x256xf32>
    %get3A_14 = arith.constant 0 : index
    %get3A_15 = arith.constant 0 : index
    %get3A_16 = vector.load %arg5[%get3A_14, %get3A_15] : memref<1x256xf32, #tpu.memory_space<vmem>>, vector<1x256xf32>
    %add3A_17 = arith.constant 9.99999974E-6 : f32
    %add3A_18 = vector.broadcast %add3A_17 : f32 to vector<1x256xf32>
    %add3A_19 = arith.addf %get3A_16, %add3A_18 : vector<1x256xf32>
    %sqrt3A = math.sqrt %add3A_19 : vector<1x256xf32>
    %div3A = vector.broadcast %sqrt3A : vector<1x256xf32> to vector<2048x256xf32>
    %div3A_20 = arith.divf %sub3A_13, %div3A : vector<2048x256xf32>
    %get3A_21 = arith.constant 0 : index
    %get3A_22 = arith.constant 0 : index
    %get3A_23 = vector.load %arg6[%get3A_21, %get3A_22] : memref<1x256xf32, #tpu.memory_space<vmem>>, vector<1x256xf32>
    %mul3A = vector.broadcast %get3A_23 : vector<1x256xf32> to vector<2048x256xf32>
    %mul3A_24 = arith.mulf %div3A_20, %mul3A : vector<2048x256xf32>
    %get3A_25 = arith.constant 0 : index
    %get3A_26 = arith.constant 0 : index
    %get3A_27 = vector.load %arg7[%get3A_25, %get3A_26] : memref<1x256xf32, #tpu.memory_space<vmem>>, vector<1x256xf32>
    %add3A_28 = vector.broadcast %get3A_27 : vector<1x256xf32> to vector<2048x256xf32>
    %add3A_29 = arith.addf %mul3A_24, %add3A_28 : vector<2048x256xf32>
    %max3A = arith.constant 0.000000e+00 : f32
    %max3A_30 = vector.broadcast %max3A : f32 to vector<2048x256xf32>
    %max3A_31 = arith.maximumf %add3A_29, %max3A_30 : vector<2048x256xf32>
    %get3A_32 = arith.constant 0 : index
    %get3A_33 = arith.constant 0 : index
    %get3A_34 = vector.load %arg8[%get3A_32, %get3A_33] : memref<256x8xf32, #tpu.memory_space<vmem>>, vector<256x8xf32>
    %dot_general3A_35 = arith.constant dense<0.000000e+00> : vector<2048x8xf32>
    %dot_general3A_36 = tpu.matmul %max3A_31, %get3A_34, %dot_general3A_35 {dimension_numbers = #tpu.dot_dimension_numbers<[1], [0], [0], [1], [0, 0, 1, 1], [], []>, transpose_lhs_hint = false} : vector<2048x256xf32>, vector<256x8xf32>, vector<2048x8xf32> -> vector<2048x8xf32>
    %get3A_37 = arith.constant 0 : index
    %get3A_38 = arith.constant 0 : index
    %get3A_39 = vector.load %arg9[%get3A_37, %get3A_38] : memref<1x8xf32, #tpu.memory_space<vmem>>, vector<1x8xf32>
    %add3A_40 = vector.broadcast %get3A_39 : vector<1x8xf32> to vector<2048x8xf32>
    %add3A_41 = arith.addf %dot_general3A_36, %add3A_40 : vector<2048x8xf32>
    %swap3A = arith.constant 0 : index
    %swap3A_42 = arith.constant 0 : index
    %swap3A_43 = vector.load %arg10[%swap3A, %swap3A_42] : memref<2048x8xf32, #tpu.memory_space<vmem>>, vector<2048x8xf32>
    tpu.vector_store %arg10[%swap3A, %swap3A_42], %add3A_41 {strides = array<i32>} : memref<2048x8xf32, #tpu.memory_space<vmem>>, vector<2048x8xf32>,
    return
  }
  func.func @transform_0(%arg0: i32) -> (i32, i32) {
    %c0_i32 = arith.constant 0 : i32
    %c0_i32_0 = arith.constant 0 : i32
    return %arg0, %c0_i32 : i32, i32
  }
  func.func @transform_1(%arg0: i32) -> (i32, i32) {
    %c0_i32 = arith.constant 0 : i32
    %c0_i32_0 = arith.constant 0 : i32
    %c0_i32_1 = arith.constant 0 : i32
    return %c0_i32, %c0_i32_0 : i32, i32
  }
  func.func @transform_2(%arg0: i32) -> (i32, i32) {
    %c0_i32 = arith.constant 0 : i32
    %c0_i32_0 = arith.constant 0 : i32
    %c0_i32_1 = arith.constant 0 : i32
    return %c0_i32, %c0_i32_0 : i32, i32
  }
  func.func @transform_3(%arg0: i32) -> (i32, i32) {
    %c0_i32 = arith.constant 0 : i32
    %c0_i32_0 = arith.constant 0 : i32
    %c0_i32_1 = arith.constant 0 : i32
    return %c0_i32, %c0_i32_0 : i32, i32
  }
  func.func @transform_4(%arg0: i32) -> (i32, i32) {
    %c0_i32 = arith.constant 0 : i32
    %c0_i32_0 = arith.constant 0 : i32
    %c0_i32_1 = arith.constant 0 : i32
    return %c0_i32, %c0_i32_0 : i32, i32
  }
  func.func @transform_5(%arg0: i32) -> (i32, i32) {
    %c0_i32 = arith.constant 0 : i32
    %c0_i32_0 = arith.constant 0 : i32
    %c0_i32_1 = arith.constant 0 : i32
    return %c0_i32, %c0_i32_0 : i32, i32
  }
  func.func @transform_6(%arg0: i32) -> (i32, i32) {
    %c0_i32 = arith.constant 0 : i32
    %c0_i32_0 = arith.constant 0 : i32
    %c0_i32_1 = arith.constant 0 : i32
    return %c0_i32, %c0_i32_0 : i32, i32
  }
  func.func @transform_7(%arg0: i32) -> (i32, i32) {
    %c0_i32 = arith.constant 0 : i32
    %c0_i32_0 = arith.constant 0 : i32
    %c0_i32_1 = arith.constant 0 : i32
    return %c0_i32, %c0_i32_0 : i32, i32
  }
  func.func @transform_8(%arg0: i32) -> (i32, i32) {
    %c0_i32 = arith.constant 0 : i32
    %c0_i32_0 = arith.constant 0 : i32
    %c0_i32_1 = arith.constant 0 : i32
    return %c0_i32, %c0_i32_0 : i32, i32
  }
  func.func @transform_9(%arg0: i32) -> (i32, i32) {
    %c0_i32 = arith.constant 0 : i32
    %c0_i32_0 = arith.constant 0 : i32
    return %arg0, %c0_i32 : i32, i32
  }
}

module attributes {stable_mosaic.version = 14 : i64} {
  func.func @_k1b_body(%arg0: i32, %arg1: memref<4x480x128xi32, #tpu.memory_space<vmem>>, %arg2: memref<4x1x128xi32, #tpu.memory_space<vmem>>) attributes {dimension_semantics = [#tpu.dimension_semantics<arbitrary>], iteration_bounds = array<i64: 1>, scalar_prefetch = 0 : i64, scratch_operands = 0 : i64, tpu.core_type = #tpu.core_type<tc>, window_params = [{pipeline_mode = #tpu.pipeline_mode<synchronous>, transform_indices = @transform_0, window_bounds = array<i64: 4, 480, 128>}, {pipeline_mode = #tpu.pipeline_mode<synchronous>, transform_indices = @transform_1, window_bounds = array<i64: 4, 1, 128>}]} {
    %get3A = arith.constant 0 : index
    %get3A_0 = arith.constant 0 : index
    %get3A_1 = arith.constant 0 : index
    %get3A_2 = vector.load %arg1[%get3A, %get3A_0, %get3A_1] : memref<4x480x128xi32, #tpu.memory_space<vmem>>, vector<1x480x128xi32>
    %get3A_3 = vector.shape_cast %get3A_2 : vector<1x480x128xi32> to vector<480x128xi32>
    %get3A_4 = arith.constant 1 : index
    %get3A_5 = arith.constant 0 : index
    %get3A_6 = arith.constant 0 : index
    %get3A_7 = vector.load %arg1[%get3A_4, %get3A_5, %get3A_6] : memref<4x480x128xi32, #tpu.memory_space<vmem>>, vector<1x480x128xi32>
    %get3A_8 = vector.shape_cast %get3A_7 : vector<1x480x128xi32> to vector<480x128xi32>
    %get3A_9 = arith.constant 2 : index
    %get3A_10 = arith.constant 0 : index
    %get3A_11 = arith.constant 0 : index
    %get3A_12 = vector.load %arg1[%get3A_9, %get3A_10, %get3A_11] : memref<4x480x128xi32, #tpu.memory_space<vmem>>, vector<1x480x128xi32>
    %get3A_13 = vector.shape_cast %get3A_12 : vector<1x480x128xi32> to vector<480x128xi32>
    %get3A_14 = arith.constant 3 : index
    %get3A_15 = arith.constant 0 : index
    %get3A_16 = arith.constant 0 : index
    %get3A_17 = vector.load %arg1[%get3A_14, %get3A_15, %get3A_16] : memref<4x480x128xi32, #tpu.memory_space<vmem>>, vector<1x480x128xi32>
    %get3A_18 = vector.shape_cast %get3A_17 : vector<1x480x128xi32> to vector<480x128xi32>
    %scan3A = arith.constant 0 : i32
    %scan3A_19 = arith.constant 0 : i32
    %scan3A_20 = arith.constant 0 : i32
    %scan3A_21 = arith.constant 0 : i32
    %scan3A_22 = arith.constant 0 : i32
    %scan3A_23 = arith.constant 16 : i32
    %scan3A_24 = arith.addi %scan3A_22, %scan3A_23 : i32
    %scan3A_25 = arith.constant 1 : i32
    %scan3A_26:4 = scf.for %scan3A_54 = %scan3A_22 to %scan3A_24 step %scan3A_25 iter_args(%scan3A_55 = %scan3A, %scan3A_56 = %scan3A_19, %scan3A_57 = %scan3A_20, %scan3A_58 = %scan3A_21) -> (i32, i32, i32, i32)  : i32 {
      %sub3A = arith.constant 29 : i32
      %sub3A_59 = arith.subi %sub3A, %scan3A_54 : i32
      %shift_left3A = arith.constant 1 : i32
      %shift_left3A_60 = arith.shli %shift_left3A, %sub3A_59 : i32
      %or3A = arith.ori %scan3A_55, %shift_left3A_60 : i32
      %ge3A = vector.broadcast %or3A : i32 to vector<480x128xi32>
      %ge3A_61 = arith.cmpi sge, %get3A_3, %ge3A : vector<480x128xi32>
      %convert_element_type3A = arith.extui %ge3A_61 : vector<480x128xi1> to vector<480x128xi32>
      %reduce_sum3A = vector.shape_cast %convert_element_type3A : vector<480x128xi32> to vector<1x480x128xi32>
      %reduce_sum3A_62 = arith.constant dense<0> : vector<1xi32>
      %reduce_sum3A_63 = vector.multi_reduction <add>, %reduce_sum3A, %reduce_sum3A_62 [1, 2] : vector<1x480x128xi32> to vector<1xi32>
      %reduce_sum3A_64 = vector.shape_cast %reduce_sum3A_63 : vector<1xi32> to vector<1x1x1xi32>
      %reduce_sum3A_65 = vector.extract %reduce_sum3A_64[0, 0, 0] : i32 from vector<1x1x1xi32>
      %ge3A_66 = arith.constant 500 : i32
      %ge3A_67 = arith.cmpi sge, %reduce_sum3A_65, %ge3A_66 : i32
      %select_n3A = arith.select %ge3A_67, %or3A, %scan3A_55 : i32
      %or3A_68 = arith.ori %scan3A_56, %shift_left3A_60 : i32
      %ge3A_69 = vector.broadcast %or3A_68 : i32 to vector<480x128xi32>
      %ge3A_70 = arith.cmpi sge, %get3A_8, %ge3A_69 : vector<480x128xi32>
      %convert_element_type3A_71 = arith.extui %ge3A_70 : vector<480x128xi1> to vector<480x128xi32>
      %reduce_sum3A_72 = vector.shape_cast %convert_element_type3A_71 : vector<480x128xi32> to vector<1x480x128xi32>
      %reduce_sum3A_73 = arith.constant dense<0> : vector<1xi32>
      %reduce_sum3A_74 = vector.multi_reduction <add>, %reduce_sum3A_72, %reduce_sum3A_73 [1, 2] : vector<1x480x128xi32> to vector<1xi32>
      %reduce_sum3A_75 = vector.shape_cast %reduce_sum3A_74 : vector<1xi32> to vector<1x1x1xi32>
      %reduce_sum3A_76 = vector.extract %reduce_sum3A_75[0, 0, 0] : i32 from vector<1x1x1xi32>
      %ge3A_77 = arith.constant 500 : i32
      %ge3A_78 = arith.cmpi sge, %reduce_sum3A_76, %ge3A_77 : i32
      %select_n3A_79 = arith.select %ge3A_78, %or3A_68, %scan3A_56 : i32
      %or3A_80 = arith.ori %scan3A_57, %shift_left3A_60 : i32
      %ge3A_81 = vector.broadcast %or3A_80 : i32 to vector<480x128xi32>
      %ge3A_82 = arith.cmpi sge, %get3A_13, %ge3A_81 : vector<480x128xi32>
      %convert_element_type3A_83 = arith.extui %ge3A_82 : vector<480x128xi1> to vector<480x128xi32>
      %reduce_sum3A_84 = vector.shape_cast %convert_element_type3A_83 : vector<480x128xi32> to vector<1x480x128xi32>
      %reduce_sum3A_85 = arith.constant dense<0> : vector<1xi32>
      %reduce_sum3A_86 = vector.multi_reduction <add>, %reduce_sum3A_84, %reduce_sum3A_85 [1, 2] : vector<1x480x128xi32> to vector<1xi32>
      %reduce_sum3A_87 = vector.shape_cast %reduce_sum3A_86 : vector<1xi32> to vector<1x1x1xi32>
      %reduce_sum3A_88 = vector.extract %reduce_sum3A_87[0, 0, 0] : i32 from vector<1x1x1xi32>
      %ge3A_89 = arith.constant 500 : i32
      %ge3A_90 = arith.cmpi sge, %reduce_sum3A_88, %ge3A_89 : i32
      %select_n3A_91 = arith.select %ge3A_90, %or3A_80, %scan3A_57 : i32
      %or3A_92 = arith.ori %scan3A_58, %shift_left3A_60 : i32
      %ge3A_93 = vector.broadcast %or3A_92 : i32 to vector<480x128xi32>
      %ge3A_94 = arith.cmpi sge, %get3A_18, %ge3A_93 : vector<480x128xi32>
      %convert_element_type3A_95 = arith.extui %ge3A_94 : vector<480x128xi1> to vector<480x128xi32>
      %reduce_sum3A_96 = vector.shape_cast %convert_element_type3A_95 : vector<480x128xi32> to vector<1x480x128xi32>
      %reduce_sum3A_97 = arith.constant dense<0> : vector<1xi32>
      %reduce_sum3A_98 = vector.multi_reduction <add>, %reduce_sum3A_96, %reduce_sum3A_97 [1, 2] : vector<1x480x128xi32> to vector<1xi32>
      %reduce_sum3A_99 = vector.shape_cast %reduce_sum3A_98 : vector<1xi32> to vector<1x1x1xi32>
      %reduce_sum3A_100 = vector.extract %reduce_sum3A_99[0, 0, 0] : i32 from vector<1x1x1xi32>
      %ge3A_101 = arith.constant 500 : i32
      %ge3A_102 = arith.cmpi sge, %reduce_sum3A_100, %ge3A_101 : i32
      %select_n3A_103 = arith.select %ge3A_102, %or3A_92, %scan3A_58 : i32
      scf.yield %select_n3A, %select_n3A_79, %select_n3A_91, %select_n3A_103 : i32, i32, i32, i32
    }
    %scan3A_27 = arith.constant 16 : i32
    %broadcast_in_dim3A = vector.broadcast %scan3A_26#0 : i32 to vector<1x128xi32>
    %swap3A = arith.constant 0 : index
    %swap3A_28 = arith.constant 0 : index
    %swap3A_29 = arith.constant 0 : index
    %swap3A_30 = vector.load %arg2[%swap3A, %swap3A_28, %swap3A_29] : memref<4x1x128xi32, #tpu.memory_space<vmem>>, vector<1x1x128xi32>
    %swap3A_31 = vector.shape_cast %swap3A_30 : vector<1x1x128xi32> to vector<1x128xi32>
    %swap3A_32 = vector.shape_cast %broadcast_in_dim3A : vector<1x128xi32> to vector<1x1x128xi32>
    tpu.vector_store %arg2[%swap3A, %swap3A_28, %swap3A_29], %swap3A_32 {strides = array<i32>} : memref<4x1x128xi32, #tpu.memory_space<vmem>>, vector<1x1x128xi32>,
    %broadcast_in_dim3A_33 = vector.broadcast %scan3A_26#1 : i32 to vector<1x128xi32>
    %swap3A_34 = arith.constant 1 : index
    %swap3A_35 = arith.constant 0 : index
    %swap3A_36 = arith.constant 0 : index
    %swap3A_37 = vector.load %arg2[%swap3A_34, %swap3A_35, %swap3A_36] : memref<4x1x128xi32, #tpu.memory_space<vmem>>, vector<1x1x128xi32>
    %swap3A_38 = vector.shape_cast %swap3A_37 : vector<1x1x128xi32> to vector<1x128xi32>
    %swap3A_39 = vector.shape_cast %broadcast_in_dim3A_33 : vector<1x128xi32> to vector<1x1x128xi32>
    tpu.vector_store %arg2[%swap3A_34, %swap3A_35, %swap3A_36], %swap3A_39 {strides = array<i32>} : memref<4x1x128xi32, #tpu.memory_space<vmem>>, vector<1x1x128xi32>,
    %broadcast_in_dim3A_40 = vector.broadcast %scan3A_26#2 : i32 to vector<1x128xi32>
    %swap3A_41 = arith.constant 2 : index
    %swap3A_42 = arith.constant 0 : index
    %swap3A_43 = arith.constant 0 : index
    %swap3A_44 = vector.load %arg2[%swap3A_41, %swap3A_42, %swap3A_43] : memref<4x1x128xi32, #tpu.memory_space<vmem>>, vector<1x1x128xi32>
    %swap3A_45 = vector.shape_cast %swap3A_44 : vector<1x1x128xi32> to vector<1x128xi32>
    %swap3A_46 = vector.shape_cast %broadcast_in_dim3A_40 : vector<1x128xi32> to vector<1x1x128xi32>
    tpu.vector_store %arg2[%swap3A_41, %swap3A_42, %swap3A_43], %swap3A_46 {strides = array<i32>} : memref<4x1x128xi32, #tpu.memory_space<vmem>>, vector<1x1x128xi32>,
    %broadcast_in_dim3A_47 = vector.broadcast %scan3A_26#3 : i32 to vector<1x128xi32>
    %swap3A_48 = arith.constant 3 : index
    %swap3A_49 = arith.constant 0 : index
    %swap3A_50 = arith.constant 0 : index
    %swap3A_51 = vector.load %arg2[%swap3A_48, %swap3A_49, %swap3A_50] : memref<4x1x128xi32, #tpu.memory_space<vmem>>, vector<1x1x128xi32>
    %swap3A_52 = vector.shape_cast %swap3A_51 : vector<1x1x128xi32> to vector<1x128xi32>
    %swap3A_53 = vector.shape_cast %broadcast_in_dim3A_47 : vector<1x128xi32> to vector<1x1x128xi32>
    tpu.vector_store %arg2[%swap3A_48, %swap3A_49, %swap3A_50], %swap3A_53 {strides = array<i32>} : memref<4x1x128xi32, #tpu.memory_space<vmem>>, vector<1x1x128xi32>,
    return
  }
  func.func @transform_0(%arg0: i32) -> (i32, i32, i32) {
    %c0_i32 = arith.constant 0 : i32
    %c0_i32_0 = arith.constant 0 : i32
    %c0_i32_1 = arith.constant 0 : i32
    %c0_i32_2 = arith.constant 0 : i32
    return %c0_i32, %c0_i32_0, %c0_i32_1 : i32, i32, i32
  }
  func.func @transform_1(%arg0: i32) -> (i32, i32, i32) {
    %c0_i32 = arith.constant 0 : i32
    %c0_i32_0 = arith.constant 0 : i32
    %c0_i32_1 = arith.constant 0 : i32
    %c0_i32_2 = arith.constant 0 : i32
    return %c0_i32, %c0_i32_0, %c0_i32_1 : i32, i32, i32
  }
}

module attributes {stable_mosaic.version = 14 : i64} {
  func.func @_k2_body(%arg0: i32, %arg1: memref<512x128xf32, #tpu.memory_space<vmem>>, %arg2: memref<1x128x512xf32, #tpu.memory_space<vmem>>, %arg3: memref<1x1x512xf32, #tpu.memory_space<vmem>>, %arg4: memref<1x1x512xf32, #tpu.memory_space<vmem>>, %arg5: memref<1x1x512xf32, #tpu.memory_space<vmem>>, %arg6: memref<1x1x512xf32, #tpu.memory_space<vmem>>, %arg7: memref<1x1x512xf32, #tpu.memory_space<vmem>>, %arg8: memref<1x512x8xf32, #tpu.memory_space<vmem>>, %arg9: memref<1x1x8xf32, #tpu.memory_space<vmem>>, %arg10: memref<512x1xf32, #tpu.memory_space<vmem>>, %arg11: memref<512x1xf32, #tpu.memory_space<vmem>>, %arg12: memref<512x1xf32, #tpu.memory_space<vmem>>, %arg13: memref<512x1xi32, #tpu.memory_space<vmem>>, %arg14: memref<512x8xf32, #tpu.memory_space<vmem>>, %arg15: memref<512x1xi32, #tpu.memory_space<vmem>>) attributes {dimension_semantics = [#tpu.dimension_semantics<arbitrary>], iteration_bounds = array<i64: 4>, scalar_prefetch = 0 : i64, scratch_operands = 0 : i64, tpu.core_type = #tpu.core_type<tc>, window_params = [{transform_indices = @transform_0, window_bounds = array<i64: 512, 128>}, {transform_indices = @transform_1, window_bounds = array<i64: 1, 128, 512>}, {transform_indices = @transform_2, window_bounds = array<i64: 1, 1, 512>}, {transform_indices = @transform_3, window_bounds = array<i64: 1, 1, 512>}, {transform_indices = @transform_4, window_bounds = array<i64: 1, 1, 512>}, {transform_indices = @transform_5, window_bounds = array<i64: 1, 1, 512>}, {transform_indices = @transform_6, window_bounds = array<i64: 1, 1, 512>}, {transform_indices = @transform_7, window_bounds = array<i64: 1, 512, 8>}, {transform_indices = @transform_8, window_bounds = array<i64: 1, 1, 8>}, {transform_indices = @transform_9, window_bounds = array<i64: 512, 1>}, {transform_indices = @transform_10, window_bounds = array<i64: 512, 1>}, {transform_indices = @transform_11, window_bounds = array<i64: 512, 1>}, {transform_indices = @transform_12, window_bounds = array<i64: 512, 1>}, {transform_indices = @transform_13, window_bounds = array<i64: 512, 8>}, {transform_indices = @transform_14, window_bounds = array<i64: 512, 1>}]} {
    %jit3A = arith.constant 2 : i32
    %eq3A = arith.constant 0 : i32
    %eq3A_0 = arith.cmpi eq, %jit3A, %eq3A : i32
    %jit3A_1 = arith.constant 1 : i32
    %select_n3A = arith.select %eq3A_0, %jit3A_1, %jit3A : i32
    %rem3A = arith.remsi %arg0, %select_n3A : i32
    %ne3A = arith.constant 0 : i32
    %ne3A_2 = arith.cmpi ne, %rem3A, %ne3A : i32
    %lt3A = arith.constant 0 : i32
    %lt3A_3 = arith.cmpi slt, %rem3A, %lt3A : i32
    %lt3A_4 = arith.constant 0 : i32
    %lt3A_5 = arith.cmpi slt, %select_n3A, %lt3A_4 : i32
    %ne3A_6 = arith.xori %lt3A_3, %lt3A_5 : i1
    %and3A = arith.andi %ne3A_6, %ne3A_2 : i1
    %add3A = arith.addi %rem3A, %select_n3A : i32
    %select_n3A_7 = arith.select %and3A, %add3A, %rem3A : i32
    %get3A = arith.constant 0 : index
    %get3A_8 = arith.constant 0 : index
    %get3A_9 = vector.load %arg1[%get3A, %get3A_8] : memref<512x128xf32, #tpu.memory_space<vmem>>, vector<512x128xf32>
    %get3A_10 = arith.constant 0 : index
    %get3A_11 = arith.constant 0 : index
    %get3A_12 = arith.constant 0 : index
    %get3A_13 = vector.load %arg2[%get3A_10, %get3A_11, %get3A_12] : memref<1x128x512xf32, #tpu.memory_space<vmem>>, vector<1x128x512xf32>
    %get3A_14 = vector.shape_cast %get3A_13 : vector<1x128x512xf32> to vector<128x512xf32>
    %dot_general3A = arith.constant dense<0.000000e+00> : vector<512x512xf32>
    %dot_general3A_15 = tpu.matmul %get3A_9, %get3A_14, %dot_general3A {dimension_numbers = #tpu.dot_dimension_numbers<[1], [0], [0], [1], [0, 0, 1, 1], [], []>, transpose_lhs_hint = false} : vector<512x128xf32>, vector<128x512xf32>, vector<512x512xf32> -> vector<512x512xf32>
    %get3A_16 = arith.constant 0 : index
    %get3A_17 = arith.constant 0 : index
    %get3A_18 = arith.constant 0 : index
    %get3A_19 = vector.load %arg3[%get3A_16, %get3A_17, %get3A_18] : memref<1x1x512xf32, #tpu.memory_space<vmem>>, vector<1x1x512xf32>
    %get3A_20 = vector.shape_cast %get3A_19 : vector<1x1x512xf32> to vector<1x512xf32>
    %add3A_21 = vector.broadcast %get3A_20 : vector<1x512xf32> to vector<512x512xf32>
    %add3A_22 = arith.addf %dot_general3A_15, %add3A_21 : vector<512x512xf32>
    %get3A_23 = arith.constant 0 : index
    %get3A_24 = arith.constant 0 : index
    %get3A_25 = arith.constant 0 : index
    %get3A_26 = vector.load %arg4[%get3A_23, %get3A_24, %get3A_25] : memref<1x1x512xf32, #tpu.memory_space<vmem>>, vector<1x1x512xf32>
    %get3A_27 = vector.shape_cast %get3A_26 : vector<1x1x512xf32> to vector<1x512xf32>
    %sub3A = vector.broadcast %get3A_27 : vector<1x512xf32> to vector<512x512xf32>
    %sub3A_28 = arith.subf %add3A_22, %sub3A : vector<512x512xf32>
    %get3A_29 = arith.constant 0 : index
    %get3A_30 = arith.constant 0 : index
    %get3A_31 = arith.constant 0 : index
    %get3A_32 = vector.load %arg5[%get3A_29, %get3A_30, %get3A_31] : memref<1x1x512xf32, #tpu.memory_space<vmem>>, vector<1x1x512xf32>
    %get3A_33 = vector.shape_cast %get3A_32 : vector<1x1x512xf32> to vector<1x512xf32>
    %add3A_34 = arith.constant 9.99999974E-6 : f32
    %add3A_35 = vector.broadcast %add3A_34 : f32 to vector<1x512xf32>
    %add3A_36 = arith.addf %get3A_33, %add3A_35 : vector<1x512xf32>
    %sqrt3A = math.sqrt %add3A_36 : vector<1x512xf32>
    %div3A = vector.broadcast %sqrt3A : vector<1x512xf32> to vector<512x512xf32>
    %div3A_37 = arith.divf %sub3A_28, %div3A : vector<512x512xf32>
    %get3A_38 = arith.constant 0 : index
    %get3A_39 = arith.constant 0 : index
    %get3A_40 = arith.constant 0 : index
    %get3A_41 = vector.load %arg6[%get3A_38, %get3A_39, %get3A_40] : memref<1x1x512xf32, #tpu.memory_space<vmem>>, vector<1x1x512xf32>
    %get3A_42 = vector.shape_cast %get3A_41 : vector<1x1x512xf32> to vector<1x512xf32>
    %mul3A = vector.broadcast %get3A_42 : vector<1x512xf32> to vector<512x512xf32>
    %mul3A_43 = arith.mulf %div3A_37, %mul3A : vector<512x512xf32>
    %get3A_44 = arith.constant 0 : index
    %get3A_45 = arith.constant 0 : index
    %get3A_46 = arith.constant 0 : index
    %get3A_47 = vector.load %arg7[%get3A_44, %get3A_45, %get3A_46] : memref<1x1x512xf32, #tpu.memory_space<vmem>>, vector<1x1x512xf32>
    %get3A_48 = vector.shape_cast %get3A_47 : vector<1x1x512xf32> to vector<1x512xf32>
    %add3A_49 = vector.broadcast %get3A_48 : vector<1x512xf32> to vector<512x512xf32>
    %add3A_50 = arith.addf %mul3A_43, %add3A_49 : vector<512x512xf32>
    %max3A = arith.constant 0.000000e+00 : f32
    %max3A_51 = vector.broadcast %max3A : f32 to vector<512x512xf32>
    %max3A_52 = arith.maximumf %add3A_50, %max3A_51 : vector<512x512xf32>
    %get3A_53 = arith.constant 0 : index
    %get3A_54 = arith.constant 0 : index
    %get3A_55 = arith.constant 0 : index
    %get3A_56 = vector.load %arg8[%get3A_53, %get3A_54, %get3A_55] : memref<1x512x8xf32, #tpu.memory_space<vmem>>, vector<1x512x8xf32>
    %get3A_57 = vector.shape_cast %get3A_56 : vector<1x512x8xf32> to vector<512x8xf32>
    %dot_general3A_58 = arith.constant dense<0.000000e+00> : vector<512x8xf32>
    %dot_general3A_59 = tpu.matmul %max3A_52, %get3A_57, %dot_general3A_58 {dimension_numbers = #tpu.dot_dimension_numbers<[1], [0], [0], [1], [0, 0, 1, 1], [], []>, transpose_lhs_hint = false} : vector<512x512xf32>, vector<512x8xf32>, vector<512x8xf32> -> vector<512x8xf32>
    %get3A_60 = arith.constant 0 : index
    %get3A_61 = arith.constant 0 : index
    %get3A_62 = arith.constant 0 : index
    %get3A_63 = vector.load %arg9[%get3A_60, %get3A_61, %get3A_62] : memref<1x1x8xf32, #tpu.memory_space<vmem>>, vector<1x1x8xf32>
    %get3A_64 = vector.shape_cast %get3A_63 : vector<1x1x8xf32> to vector<1x8xf32>
    %add3A_65 = vector.broadcast %get3A_64 : vector<1x8xf32> to vector<512x8xf32>
    %add3A_66 = arith.addf %dot_general3A_59, %add3A_65 : vector<512x8xf32>
    %get3A_67 = arith.constant 0 : index
    %get3A_68 = arith.constant 0 : index
    %get3A_69 = vector.load %arg10[%get3A_67, %get3A_68] : memref<512x1xf32, #tpu.memory_space<vmem>>, vector<512x1xf32>
    %get3A_70 = arith.constant 0 : index
    %get3A_71 = arith.constant 0 : index
    %get3A_72 = vector.load %arg11[%get3A_70, %get3A_71] : memref<512x1xf32, #tpu.memory_space<vmem>>, vector<512x1xf32>
    %get3A_73 = arith.constant 0 : index
    %get3A_74 = arith.constant 0 : index
    %get3A_75 = vector.load %arg12[%get3A_73, %get3A_74] : memref<512x1xf32, #tpu.memory_space<vmem>>, vector<512x1xf32>
    %get3A_76 = arith.constant 0 : index
    %get3A_77 = arith.constant 0 : index
    %get3A_78 = vector.load %arg13[%get3A_76, %get3A_77] : memref<512x1xi32, #tpu.memory_space<vmem>>, vector<512x1xi32>
    %slice3A = vector.extract_strided_slice %add3A_66 {offsets = [0, 0], sizes = [512, 1], strides = [1, 1]} : vector<512x8xf32> to vector<512x1xf32>
    %slice3A_79 = vector.extract_strided_slice %add3A_66 {offsets = [0, 1], sizes = [512, 1], strides = [1, 1]} : vector<512x8xf32> to vector<512x1xf32>
    %slice3A_80 = vector.extract_strided_slice %add3A_66 {offsets = [0, 2], sizes = [512, 1], strides = [1, 1]} : vector<512x8xf32> to vector<512x1xf32>
    %slice3A_81 = vector.extract_strided_slice %add3A_66 {offsets = [0, 3], sizes = [512, 3], strides = [1, 1]} : vector<512x8xf32> to vector<512x3xf32>
    %exp3A = math.exp %slice3A_81 : vector<512x3xf32>
    %slice3A_82 = vector.extract_strided_slice %add3A_66 {offsets = [0, 6], sizes = [512, 1], strides = [1, 1]} : vector<512x8xf32> to vector<512x1xf32>
    %slice3A_83 = vector.extract_strided_slice %add3A_66 {offsets = [0, 7], sizes = [512, 1], strides = [1, 1]} : vector<512x8xf32> to vector<512x1xf32>
    %add3A_84 = arith.addf %get3A_69, %slice3A : vector<512x1xf32>
    %mul3A_85 = arith.constant 8.000000e+00 : f32
    %mul3A_86 = vector.broadcast %mul3A_85 : f32 to vector<512x1xf32>
    %mul3A_87 = arith.mulf %add3A_84, %mul3A_86 : vector<512x1xf32>
    %mul3A_88 = arith.constant 7.500000e-02 : f32
    %mul3A_89 = vector.broadcast %mul3A_88 : f32 to vector<512x1xf32>
    %mul3A_90 = arith.mulf %mul3A_87, %mul3A_89 : vector<512x1xf32>
    %add3A_91 = arith.constant -5.400000e+01 : f32
    %add3A_92 = vector.broadcast %add3A_91 : f32 to vector<512x1xf32>
    %add3A_93 = arith.addf %mul3A_90, %add3A_92 : vector<512x1xf32>
    %add3A_94 = arith.addf %get3A_72, %slice3A_79 : vector<512x1xf32>
    %mul3A_95 = arith.constant 8.000000e+00 : f32
    %mul3A_96 = vector.broadcast %mul3A_95 : f32 to vector<512x1xf32>
    %mul3A_97 = arith.mulf %add3A_94, %mul3A_96 : vector<512x1xf32>
    %mul3A_98 = arith.constant 7.500000e-02 : f32
    %mul3A_99 = vector.broadcast %mul3A_98 : f32 to vector<512x1xf32>
    %mul3A_100 = arith.mulf %mul3A_97, %mul3A_99 : vector<512x1xf32>
    %add3A_101 = arith.constant -5.400000e+01 : f32
    %add3A_102 = vector.broadcast %add3A_101 : f32 to vector<512x1xf32>
    %add3A_103 = arith.addf %mul3A_100, %add3A_102 : vector<512x1xf32>
    %atan23A = math.atan2 %slice3A_83, %slice3A_82 : vector<512x1xf32>
    %gt3A = arith.constant 1.000000e-01 : f32
    %gt3A_104 = vector.broadcast %gt3A : f32 to vector<512x1xf32>
    %gt3A_105 = arith.cmpf ogt, %get3A_75, %gt3A_104 : vector<512x1xf32>
    %ge3A = arith.constant -6.120000e+01 : f32
    %ge3A_106 = vector.broadcast %ge3A : f32 to vector<512x1xf32>
    %ge3A_107 = arith.cmpf oge, %add3A_93, %ge3A_106 : vector<512x1xf32>
    %and3A_108 = arith.andi %gt3A_105, %ge3A_107 : vector<512x1xi1>
    %le3A = arith.constant 6.120000e+01 : f32
    %le3A_109 = vector.broadcast %le3A : f32 to vector<512x1xf32>
    %le3A_110 = arith.cmpf ole, %add3A_93, %le3A_109 : vector<512x1xf32>
    %and3A_111 = arith.andi %and3A_108, %le3A_110 : vector<512x1xi1>
    %ge3A_112 = arith.constant -6.120000e+01 : f32
    %ge3A_113 = vector.broadcast %ge3A_112 : f32 to vector<512x1xf32>
    %ge3A_114 = arith.cmpf oge, %add3A_103, %ge3A_113 : vector<512x1xf32>
    %and3A_115 = arith.andi %and3A_111, %ge3A_114 : vector<512x1xi1>
    %le3A_116 = arith.constant 6.120000e+01 : f32
    %le3A_117 = vector.broadcast %le3A_116 : f32 to vector<512x1xf32>
    %le3A_118 = arith.cmpf ole, %add3A_103, %le3A_117 : vector<512x1xf32>
    %and3A_119 = arith.andi %and3A_115, %le3A_118 : vector<512x1xi1>
    %ge3A_120 = arith.constant -1.000000e+01 : f32
    %ge3A_121 = vector.broadcast %ge3A_120 : f32 to vector<512x1xf32>
    %ge3A_122 = arith.cmpf oge, %slice3A_80, %ge3A_121 : vector<512x1xf32>
    %and3A_123 = arith.andi %and3A_119, %ge3A_122 : vector<512x1xi1>
    %le3A_124 = arith.constant 1.000000e+01 : f32
    %le3A_125 = vector.broadcast %le3A_124 : f32 to vector<512x1xf32>
    %le3A_126 = arith.cmpf ole, %slice3A_80, %le3A_125 : vector<512x1xf32>
    %and3A_127 = arith.andi %and3A_123, %le3A_126 : vector<512x1xi1>
    %broadcast_in_dim3A = arith.constant 0.000000e+00 : f32
    %broadcast_in_dim3A_128 = vector.broadcast %broadcast_in_dim3A : f32 to vector<512x1xf32>
    %select_n3A_129 = arith.select %and3A_127, %add3A_93, %broadcast_in_dim3A_128 : vector<512x1xi1>, vector<512x1xf32>
    %swap3A = arith.constant 0 : index
    %swap3A_130 = arith.constant 0 : index
    %swap3A_131 = vector.load %arg14[%swap3A, %swap3A_130] : memref<512x8xf32, #tpu.memory_space<vmem>>, vector<512x1xf32>
    tpu.vector_store %arg14[%swap3A, %swap3A_130], %select_n3A_129 {strides = array<i32>} : memref<512x8xf32, #tpu.memory_space<vmem>>, vector<512x1xf32>,
    %select_n3A_132 = arith.select %and3A_127, %add3A_103, %broadcast_in_dim3A_128 : vector<512x1xi1>, vector<512x1xf32>
    %swap3A_133 = arith.constant 0 : index
    %swap3A_134 = arith.constant 1 : index
    %swap3A_135 = vector.load %arg14[%swap3A_133, %swap3A_134] : memref<512x8xf32, #tpu.memory_space<vmem>>, vector<512x1xf32>
    tpu.vector_store %arg14[%swap3A_133, %swap3A_134], %select_n3A_132 {strides = array<i32>} : memref<512x8xf32, #tpu.memory_space<vmem>>, vector<512x1xf32>,
    %select_n3A_136 = arith.select %and3A_127, %slice3A_80, %broadcast_in_dim3A_128 : vector<512x1xi1>, vector<512x1xf32>
    %swap3A_137 = arith.constant 0 : index
    %swap3A_138 = arith.constant 2 : index
    %swap3A_139 = vector.load %arg14[%swap3A_137, %swap3A_138] : memref<512x8xf32, #tpu.memory_space<vmem>>, vector<512x1xf32>
    tpu.vector_store %arg14[%swap3A_137, %swap3A_138], %select_n3A_136 {strides = array<i32>} : memref<512x8xf32, #tpu.memory_space<vmem>>, vector<512x1xf32>,
    %slice3A_140 = vector.extract_strided_slice %exp3A {offsets = [0, 0], sizes = [512, 1], strides = [1, 1]} : vector<512x3xf32> to vector<512x1xf32>
    %select_n3A_141 = arith.select %and3A_127, %slice3A_140, %broadcast_in_dim3A_128 : vector<512x1xi1>, vector<512x1xf32>
    %swap3A_142 = arith.constant 0 : index
    %swap3A_143 = arith.constant 3 : index
    %swap3A_144 = vector.load %arg14[%swap3A_142, %swap3A_143] : memref<512x8xf32, #tpu.memory_space<vmem>>, vector<512x1xf32>
    tpu.vector_store %arg14[%swap3A_142, %swap3A_143], %select_n3A_141 {strides = array<i32>} : memref<512x8xf32, #tpu.memory_space<vmem>>, vector<512x1xf32>,
    %slice3A_145 = vector.extract_strided_slice %exp3A {offsets = [0, 1], sizes = [512, 1], strides = [1, 1]} : vector<512x3xf32> to vector<512x1xf32>
    %select_n3A_146 = arith.select %and3A_127, %slice3A_145, %broadcast_in_dim3A_128 : vector<512x1xi1>, vector<512x1xf32>
    %swap3A_147 = arith.constant 0 : index
    %swap3A_148 = arith.constant 4 : index
    %swap3A_149 = vector.load %arg14[%swap3A_147, %swap3A_148] : memref<512x8xf32, #tpu.memory_space<vmem>>, vector<512x1xf32>
    tpu.vector_store %arg14[%swap3A_147, %swap3A_148], %select_n3A_146 {strides = array<i32>} : memref<512x8xf32, #tpu.memory_space<vmem>>, vector<512x1xf32>,
    %slice3A_150 = vector.extract_strided_slice %exp3A {offsets = [0, 2], sizes = [512, 1], strides = [1, 1]} : vector<512x3xf32> to vector<512x1xf32>
    %select_n3A_151 = arith.select %and3A_127, %slice3A_150, %broadcast_in_dim3A_128 : vector<512x1xi1>, vector<512x1xf32>
    %swap3A_152 = arith.constant 0 : index
    %swap3A_153 = arith.constant 5 : index
    %swap3A_154 = vector.load %arg14[%swap3A_152, %swap3A_153] : memref<512x8xf32, #tpu.memory_space<vmem>>, vector<512x1xf32>
    tpu.vector_store %arg14[%swap3A_152, %swap3A_153], %select_n3A_151 {strides = array<i32>} : memref<512x8xf32, #tpu.memory_space<vmem>>, vector<512x1xf32>,
    %select_n3A_155 = arith.select %and3A_127, %atan23A, %broadcast_in_dim3A_128 : vector<512x1xi1>, vector<512x1xf32>
    %swap3A_156 = arith.constant 0 : index
    %swap3A_157 = arith.constant 6 : index
    %swap3A_158 = vector.load %arg14[%swap3A_156, %swap3A_157] : memref<512x8xf32, #tpu.memory_space<vmem>>, vector<512x1xf32>
    tpu.vector_store %arg14[%swap3A_156, %swap3A_157], %select_n3A_155 {strides = array<i32>} : memref<512x8xf32, #tpu.memory_space<vmem>>, vector<512x1xf32>,
    %select_n3A_159 = arith.select %and3A_127, %get3A_75, %broadcast_in_dim3A_128 : vector<512x1xi1>, vector<512x1xf32>
    %swap3A_160 = arith.constant 0 : index
    %swap3A_161 = arith.constant 7 : index
    %swap3A_162 = vector.load %arg14[%swap3A_160, %swap3A_161] : memref<512x8xf32, #tpu.memory_space<vmem>>, vector<512x1xf32>
    tpu.vector_store %arg14[%swap3A_160, %swap3A_161], %select_n3A_159 {strides = array<i32>} : memref<512x8xf32, #tpu.memory_space<vmem>>, vector<512x1xf32>,
    %mul3A_163 = arith.constant 3 : i32
    %mul3A_164 = arith.muli %mul3A_163, %select_n3A_7 : i32
    %add3A_165 = arith.constant 1 : i32
    %add3A_166 = arith.addi %add3A_165, %mul3A_164 : i32
    %add3A_167 = vector.broadcast %add3A_166 : i32 to vector<512x1xi32>
    %add3A_168 = arith.addi %get3A_78, %add3A_167 : vector<512x1xi32>
    %jit3A_169 = arith.constant 0 : i32
    %broadcast_in_dim3A_170 = vector.broadcast %jit3A_169 : i32 to vector<512x1xi32>
    %select_n3A_171 = arith.select %and3A_127, %add3A_168, %broadcast_in_dim3A_170 : vector<512x1xi1>, vector<512x1xi32>
    %swap3A_172 = arith.constant 0 : index
    %swap3A_173 = arith.constant 0 : index
    %swap3A_174 = vector.load %arg15[%swap3A_172, %swap3A_173] : memref<512x1xi32, #tpu.memory_space<vmem>>, vector<512x1xi32>
    tpu.vector_store %arg15[%swap3A_172, %swap3A_173], %select_n3A_171 {strides = array<i32>} : memref<512x1xi32, #tpu.memory_space<vmem>>, vector<512x1xi32>,
    return
  }
  func.func @transform_0(%arg0: i32) -> (i32, i32) {
    %c0_i32 = arith.constant 0 : i32
    %c0_i32_0 = arith.constant 0 : i32
    return %arg0, %c0_i32 : i32, i32
  }
  func.func @transform_1(%arg0: i32) -> (i32, i32, i32) {
    %jit3A = arith.constant 2 : i32
    %eq3A = arith.constant 0 : i32
    %eq3A_0 = arith.cmpi eq, %jit3A, %eq3A : i32
    %jit3A_1 = arith.constant 1 : i32
    %select_n3A = arith.select %eq3A_0, %jit3A_1, %jit3A : i32
    %rem3A = arith.remsi %arg0, %select_n3A : i32
    %ne3A = arith.constant 0 : i32
    %ne3A_2 = arith.cmpi ne, %rem3A, %ne3A : i32
    %lt3A = arith.constant 0 : i32
    %lt3A_3 = arith.cmpi slt, %rem3A, %lt3A : i32
    %lt3A_4 = arith.constant 0 : i32
    %lt3A_5 = arith.cmpi slt, %select_n3A, %lt3A_4 : i32
    %ne3A_6 = arith.xori %lt3A_3, %lt3A_5 : i1
    %and3A = arith.andi %ne3A_6, %ne3A_2 : i1
    %add3A = arith.addi %rem3A, %select_n3A : i32
    %select_n3A_7 = arith.select %and3A, %add3A, %rem3A : i32
    %c0_i32 = arith.constant 0 : i32
    %c0_i32_8 = arith.constant 0 : i32
    %c0_i32_9 = arith.constant 0 : i32
    return %select_n3A_7, %c0_i32, %c0_i32_8 : i32, i32, i32
  }
  func.func @transform_2(%arg0: i32) -> (i32, i32, i32) {
    %jit3A = arith.constant 2 : i32
    %eq3A = arith.constant 0 : i32
    %eq3A_0 = arith.cmpi eq, %jit3A, %eq3A : i32
    %jit3A_1 = arith.constant 1 : i32
    %select_n3A = arith.select %eq3A_0, %jit3A_1, %jit3A : i32
    %rem3A = arith.remsi %arg0, %select_n3A : i32
    %ne3A = arith.constant 0 : i32
    %ne3A_2 = arith.cmpi ne, %rem3A, %ne3A : i32
    %lt3A = arith.constant 0 : i32
    %lt3A_3 = arith.cmpi slt, %rem3A, %lt3A : i32
    %lt3A_4 = arith.constant 0 : i32
    %lt3A_5 = arith.cmpi slt, %select_n3A, %lt3A_4 : i32
    %ne3A_6 = arith.xori %lt3A_3, %lt3A_5 : i1
    %and3A = arith.andi %ne3A_6, %ne3A_2 : i1
    %add3A = arith.addi %rem3A, %select_n3A : i32
    %select_n3A_7 = arith.select %and3A, %add3A, %rem3A : i32
    %c0_i32 = arith.constant 0 : i32
    %c0_i32_8 = arith.constant 0 : i32
    %c0_i32_9 = arith.constant 0 : i32
    return %select_n3A_7, %c0_i32, %c0_i32_8 : i32, i32, i32
  }
  func.func @transform_3(%arg0: i32) -> (i32, i32, i32) {
    %jit3A = arith.constant 2 : i32
    %eq3A = arith.constant 0 : i32
    %eq3A_0 = arith.cmpi eq, %jit3A, %eq3A : i32
    %jit3A_1 = arith.constant 1 : i32
    %select_n3A = arith.select %eq3A_0, %jit3A_1, %jit3A : i32
    %rem3A = arith.remsi %arg0, %select_n3A : i32
    %ne3A = arith.constant 0 : i32
    %ne3A_2 = arith.cmpi ne, %rem3A, %ne3A : i32
    %lt3A = arith.constant 0 : i32
    %lt3A_3 = arith.cmpi slt, %rem3A, %lt3A : i32
    %lt3A_4 = arith.constant 0 : i32
    %lt3A_5 = arith.cmpi slt, %select_n3A, %lt3A_4 : i32
    %ne3A_6 = arith.xori %lt3A_3, %lt3A_5 : i1
    %and3A = arith.andi %ne3A_6, %ne3A_2 : i1
    %add3A = arith.addi %rem3A, %select_n3A : i32
    %select_n3A_7 = arith.select %and3A, %add3A, %rem3A : i32
    %c0_i32 = arith.constant 0 : i32
    %c0_i32_8 = arith.constant 0 : i32
    %c0_i32_9 = arith.constant 0 : i32
    return %select_n3A_7, %c0_i32, %c0_i32_8 : i32, i32, i32
  }
  func.func @transform_4(%arg0: i32) -> (i32, i32, i32) {
    %jit3A = arith.constant 2 : i32
    %eq3A = arith.constant 0 : i32
    %eq3A_0 = arith.cmpi eq, %jit3A, %eq3A : i32
    %jit3A_1 = arith.constant 1 : i32
    %select_n3A = arith.select %eq3A_0, %jit3A_1, %jit3A : i32
    %rem3A = arith.remsi %arg0, %select_n3A : i32
    %ne3A = arith.constant 0 : i32
    %ne3A_2 = arith.cmpi ne, %rem3A, %ne3A : i32
    %lt3A = arith.constant 0 : i32
    %lt3A_3 = arith.cmpi slt, %rem3A, %lt3A : i32
    %lt3A_4 = arith.constant 0 : i32
    %lt3A_5 = arith.cmpi slt, %select_n3A, %lt3A_4 : i32
    %ne3A_6 = arith.xori %lt3A_3, %lt3A_5 : i1
    %and3A = arith.andi %ne3A_6, %ne3A_2 : i1
    %add3A = arith.addi %rem3A, %select_n3A : i32
    %select_n3A_7 = arith.select %and3A, %add3A, %rem3A : i32
    %c0_i32 = arith.constant 0 : i32
    %c0_i32_8 = arith.constant 0 : i32
    %c0_i32_9 = arith.constant 0 : i32
    return %select_n3A_7, %c0_i32, %c0_i32_8 : i32, i32, i32
  }
  func.func @transform_5(%arg0: i32) -> (i32, i32, i32) {
    %jit3A = arith.constant 2 : i32
    %eq3A = arith.constant 0 : i32
    %eq3A_0 = arith.cmpi eq, %jit3A, %eq3A : i32
    %jit3A_1 = arith.constant 1 : i32
    %select_n3A = arith.select %eq3A_0, %jit3A_1, %jit3A : i32
    %rem3A = arith.remsi %arg0, %select_n3A : i32
    %ne3A = arith.constant 0 : i32
    %ne3A_2 = arith.cmpi ne, %rem3A, %ne3A : i32
    %lt3A = arith.constant 0 : i32
    %lt3A_3 = arith.cmpi slt, %rem3A, %lt3A : i32
    %lt3A_4 = arith.constant 0 : i32
    %lt3A_5 = arith.cmpi slt, %select_n3A, %lt3A_4 : i32
    %ne3A_6 = arith.xori %lt3A_3, %lt3A_5 : i1
    %and3A = arith.andi %ne3A_6, %ne3A_2 : i1
    %add3A = arith.addi %rem3A, %select_n3A : i32
    %select_n3A_7 = arith.select %and3A, %add3A, %rem3A : i32
    %c0_i32 = arith.constant 0 : i32
    %c0_i32_8 = arith.constant 0 : i32
    %c0_i32_9 = arith.constant 0 : i32
    return %select_n3A_7, %c0_i32, %c0_i32_8 : i32, i32, i32
  }
  func.func @transform_6(%arg0: i32) -> (i32, i32, i32) {
    %jit3A = arith.constant 2 : i32
    %eq3A = arith.constant 0 : i32
    %eq3A_0 = arith.cmpi eq, %jit3A, %eq3A : i32
    %jit3A_1 = arith.constant 1 : i32
    %select_n3A = arith.select %eq3A_0, %jit3A_1, %jit3A : i32
    %rem3A = arith.remsi %arg0, %select_n3A : i32
    %ne3A = arith.constant 0 : i32
    %ne3A_2 = arith.cmpi ne, %rem3A, %ne3A : i32
    %lt3A = arith.constant 0 : i32
    %lt3A_3 = arith.cmpi slt, %rem3A, %lt3A : i32
    %lt3A_4 = arith.constant 0 : i32
    %lt3A_5 = arith.cmpi slt, %select_n3A, %lt3A_4 : i32
    %ne3A_6 = arith.xori %lt3A_3, %lt3A_5 : i1
    %and3A = arith.andi %ne3A_6, %ne3A_2 : i1
    %add3A = arith.addi %rem3A, %select_n3A : i32
    %select_n3A_7 = arith.select %and3A, %add3A, %rem3A : i32
    %c0_i32 = arith.constant 0 : i32
    %c0_i32_8 = arith.constant 0 : i32
    %c0_i32_9 = arith.constant 0 : i32
    return %select_n3A_7, %c0_i32, %c0_i32_8 : i32, i32, i32
  }
  func.func @transform_7(%arg0: i32) -> (i32, i32, i32) {
    %jit3A = arith.constant 2 : i32
    %eq3A = arith.constant 0 : i32
    %eq3A_0 = arith.cmpi eq, %jit3A, %eq3A : i32
    %jit3A_1 = arith.constant 1 : i32
    %select_n3A = arith.select %eq3A_0, %jit3A_1, %jit3A : i32
    %rem3A = arith.remsi %arg0, %select_n3A : i32
    %ne3A = arith.constant 0 : i32
    %ne3A_2 = arith.cmpi ne, %rem3A, %ne3A : i32
    %lt3A = arith.constant 0 : i32
    %lt3A_3 = arith.cmpi slt, %rem3A, %lt3A : i32
    %lt3A_4 = arith.constant 0 : i32
    %lt3A_5 = arith.cmpi slt, %select_n3A, %lt3A_4 : i32
    %ne3A_6 = arith.xori %lt3A_3, %lt3A_5 : i1
    %and3A = arith.andi %ne3A_6, %ne3A_2 : i1
    %add3A = arith.addi %rem3A, %select_n3A : i32
    %select_n3A_7 = arith.select %and3A, %add3A, %rem3A : i32
    %c0_i32 = arith.constant 0 : i32
    %c0_i32_8 = arith.constant 0 : i32
    %c0_i32_9 = arith.constant 0 : i32
    return %select_n3A_7, %c0_i32, %c0_i32_8 : i32, i32, i32
  }
  func.func @transform_8(%arg0: i32) -> (i32, i32, i32) {
    %jit3A = arith.constant 2 : i32
    %eq3A = arith.constant 0 : i32
    %eq3A_0 = arith.cmpi eq, %jit3A, %eq3A : i32
    %jit3A_1 = arith.constant 1 : i32
    %select_n3A = arith.select %eq3A_0, %jit3A_1, %jit3A : i32
    %rem3A = arith.remsi %arg0, %select_n3A : i32
    %ne3A = arith.constant 0 : i32
    %ne3A_2 = arith.cmpi ne, %rem3A, %ne3A : i32
    %lt3A = arith.constant 0 : i32
    %lt3A_3 = arith.cmpi slt, %rem3A, %lt3A : i32
    %lt3A_4 = arith.constant 0 : i32
    %lt3A_5 = arith.cmpi slt, %select_n3A, %lt3A_4 : i32
    %ne3A_6 = arith.xori %lt3A_3, %lt3A_5 : i1
    %and3A = arith.andi %ne3A_6, %ne3A_2 : i1
    %add3A = arith.addi %rem3A, %select_n3A : i32
    %select_n3A_7 = arith.select %and3A, %add3A, %rem3A : i32
    %c0_i32 = arith.constant 0 : i32
    %c0_i32_8 = arith.constant 0 : i32
    %c0_i32_9 = arith.constant 0 : i32
    return %select_n3A_7, %c0_i32, %c0_i32_8 : i32, i32, i32
  }
  func.func @transform_9(%arg0: i32) -> (i32, i32) {
    %c0_i32 = arith.constant 0 : i32
    %c0_i32_0 = arith.constant 0 : i32
    return %arg0, %c0_i32 : i32, i32
  }
  func.func @transform_10(%arg0: i32) -> (i32, i32) {
    %c0_i32 = arith.constant 0 : i32
    %c0_i32_0 = arith.constant 0 : i32
    return %arg0, %c0_i32 : i32, i32
  }
  func.func @transform_11(%arg0: i32) -> (i32, i32) {
    %c0_i32 = arith.constant 0 : i32
    %c0_i32_0 = arith.constant 0 : i32
    return %arg0, %c0_i32 : i32, i32
  }
  func.func @transform_12(%arg0: i32) -> (i32, i32) {
    %c0_i32 = arith.constant 0 : i32
    %c0_i32_0 = arith.constant 0 : i32
    return %arg0, %c0_i32 : i32, i32
  }
  func.func @transform_13(%arg0: i32) -> (i32, i32) {
    %c0_i32 = arith.constant 0 : i32
    %c0_i32_0 = arith.constant 0 : i32
    return %arg0, %c0_i32 : i32, i32
  }
  func.func @transform_14(%arg0: i32) -> (i32, i32) {
    %c0_i32 = arith.constant 0 : i32
    %c0_i32_0 = arith.constant 0 : i32
    return %arg0, %c0_i32 : i32, i32
  }
}

</mosaic_0001>

<sc_bundles>
// kernel: gather_offload_async_start.1
scs
__scs_entry_jumppad:
0x0: {  	(pc) =	sbr.rel $0x88, $3  }
0x1: {  	(tag) =	ssettag $0x0;
	lr =	simm.s32 $0x1  }
0x2: {  	[smem:$0x3F4F] =	sst lr;
	_ =	strace $0xD0000000  }
0x3: {  	_ = 	snop  }
0x4: {  	_ = 	snop  }
0x5: {  	_ = 	snop  }
0x6: {  	_ = 	snop  }
0x7: {  	_ = 	snop  }
__scs_overlays_trampoline_lowered:
0x8: {  	[smem:$0x3F5E] =	sst s0  }
0x9: {  	[smem:$0x3F5F] =	sst s1  }
0xa: {  	[smem:$0x3F60] =	sst s2  }
0xb: {  	[smem:$0x3F61] =	sst s3  }
0xc: {  	[smem:$0x3F62] =	sst s4  }
0xd: {  	[smem:$0x3F63] =	sst s5  }
0xe: {  	[smem:$0x3F64] =	sst s6  }
0xf: {  	[smem:$0x3F65] =	sst s7  }
0x10: {  	[smem:$0x3F66] =	sst s8  }
0x11: {  	[smem:$0x3F67] =	sst s9;
	s0 =	simm.s32 @!p0 $0x0  }
0x12: {  	s1 =	sld [smem:$0x3F4D];
	s0 =	simm.s32 @p0 $0x1  }
0x13: {  	[smem:$0x3F68] =	sst s0;
	s0 =	simm.s32 @!p1 $0x0  }
0x14: {  	s2 =	sld [smem:$0x3F4C];
	s0 =	simm.s32 @p1 $0x1  }
0x15: {  	[smem:$0x3F69] =	sst s0;
	s0 =	simm.s32 @!p2 $0x0  }
0x16: {  	s3 =	sld [smem:$0x3FDB];
	s0 =	simm.s32 @p2 $0x1  }
0x17: {  	s4 =	simm.s32 $0x1BF5;
	[smem:$0x3F6B] =	sst s0  }
0x18: {  	s0 =	sld [smem:$0x3F4E];
	_ =	swait.ge [sflag:s4], $0x0  }
0x19: {  	s7 =	sld [smem:$0x3F4F]  }
0x1a: {  	s8 =	sadd.s32 $0xFFFFE003, lr  }
0x1b: {  	s9 =	sadd.s32 $0xFFFFFEF7, lr;
	s5 =	simm.s32 $0xFFFFFFFF;
	p2 =	slt.u32 s8, $0xFFFFF086  }
0x1c: {  	p1 =	slt.u32 s9, $0xF7A;
	s5 =	simm.s32 @!p2 $0x0  }
0x1d: {  	s5 =	simm.s32 @p1 $0x1;
	p0 =	seq.s32 s7, s2  }
0x1e: {  	s7 =	smul.u32 @!p0 $0xF7A, s2;
	p2 =	seq.s32 @!p0 s5, $0x0  }
0x1f: {  	s9 =	smul.u32 $0xF7A, s1;
	s8 =	simm.s32 @!p0 $0x1BF5;
	p2 =	por !p2, p0  }
0x20: {  	[sflag:s8] =	ssyncset.s32 @!p0 $0xFFFFF086;
	s6 =	sadd.s32 @!p0 s3, s7;
	s7 =	simm.s32 @!p0 $0x108  }
0x21: {  	s3 =	sadd.s32 s3, s9;
	s6 =	sadd.s32 @!p0 $0x88, s6;
	s7 =	simm.s32 @p2 $0x1082  }
0x22: {  	[simem:s7], [sflag:s8] =	dma.local @!p0 [hbm:s6], $0xF7A  }
0x23: {  	s9 =	sor.u32 $0xD0000000, s2;
	s6 =	simm.s32 $0x108;
	_ =	swait.ge @!p0 [sflag:s8], $0x0  }
0x24: {  	s3 =	sadd.s32 $0x88, s3;
	s6 =	simm.s32 @!p1 $0x1082;
	[sflag:s4] =	ssyncset.s32 $0xFFFFF086  }
0x25: {  	[simem:s6], [sflag:s4] =	dma.local [hbm:s3], $0xF7A  }
0x26: {  	[smem:$0x3F4F] =	sst s1;
	(tag) =	ssettag s2;
	_ =	strace s9  }
0x27: {  	s1 =	sld [smem:$0x3F5F]  }
0x28: {  	s2 =	sld [smem:$0x3F60]  }
0x29: {  	s4 =	sld [smem:$0x3F62]  }
0x2a: {  	p0 =	seq.s32 s5, $0x0;
	s5 =	sld [smem:$0x3F63]  }
0x2b: {  	s6 =	sld [smem:$0x3F64]  }
0x2c: {  	s7 =	sld [smem:$0x3F65]  }
0x2d: {  	s3 =	simm.s32 $0x108;
	s8 =	sld [smem:$0x3F66]  }
0x2e: {  	s3 =	simm.s32 @!p0 $0x1082;
	s9 =	sld [smem:$0x3F67]  }
0x2f: {  	lr =	sadd.s32 s0, s3;
	s0 =	sld [smem:$0x3F5E]  }
0x30: {  	s3 =	sld [smem:$0x3F61]  }
0x31: {  	[smem:$0x3F6A] =	sst s10  }
0x32: {  	s10 =	sld [smem:$0x3F68];
	_ =	sdelay $0x3  }
0x33: {  	p0 =	seq.s32 s10, $0x1;
	s10 =	sld [smem:$0x3F6A];
	_ =	sdelay $0x3  }
0x34: {  	[smem:$0x3F6A] =	sst s10  }
0x35: {  	s10 =	sld [smem:$0x3F69];
	_ =	sdelay $0x3  }
0x36: {  	p1 =	seq.s32 s10, $0x1;
	s10 =	sld [smem:$0x3F6A];
	_ =	sdelay $0x3  }
0x37: {  	[smem:$0x3F6A] =	sst s10  }
0x38: {  	s10 =	sld [smem:$0x3F6B]  }
0x39: {  	_ = 	snop;
	(pc) =	sbr.ind lr, $3  }
0x3a: {  	_ = 	snop  }
0x3b: {  	_ = 	snop  }
0x3c: {  	p2 =	seq.s32 s10, $0x1;
	s10 =	sld [smem:$0x3F6A]  }
0x3d: {  	_ =	shalt  }
0x3e: {  	_ =	shalt  }
0x3f: {  	_ =	shalt  }
0x40: {  	_ =	shalt  }
0x41: {  	_ =	shalt  }
0x42: {  	_ =	shalt  }
0x43: {  	_ =	shalt  }
0x44: {  	_ =	shalt  }
0x45: {  	_ =	shalt  }
0x46: {  	_ =	shalt  }
0x47: {  	_ =	shalt  }
0x48: {  	_ =	shalt  }
0x49: {  	_ =	shalt  }
0x4a: {  	_ =	shalt  }
0x4b: {  	_ =	shalt  }
0x4c: {  	_ =	shalt  }
0x4d: {  	_ =	shalt  }
0x4e: {  	_ =	shalt  }
0x4f: {  	_ =	shalt  }
0x50: {  	_ =	shalt  }
0x51: {  	_ =	shalt  }
0x52: {  	_ =	shalt  }
0x53: {  	_ =	shalt  }
0x54: {  	_ =	shalt  }
0x55: {  	_ =	shalt  }
0x56: {  	_ =	shalt  }
0x57: {  	_ =	shalt  }
0x58: {  	_ =	shalt  }
0x59: {  	_ =	shalt  }
0x5a: {  	_ =	shalt  }
0x5b: {  	_ =	shalt  }
0x5c: {  	_ =	shalt  }
0x5d: {  	_ =	shalt  }
0x5e: {  	_ =	shalt  }
0x5f: {  	_ =	shalt  }
0x60: {  	_ =	shalt  }
0x61: {  	_ =	shalt  }
0x62: {  	_ =	shalt  }
0x63: {  	_ =	shalt  }
0x64: {  	_ =	shalt  }
0x65: {  	_ =	shalt  }
0x66: {  	_ =	shalt  }
0x67: {  	_ =	shalt  }
0x68: {  	_ =	shalt  }
0x69: {  	_ =	shalt  }
0x6a: {  	_ =	shalt  }
0x6b: {  	_ =	shalt  }
0x6c: {  	_ =	shalt  }
0x6d: {  	_ =	shalt  }
0x6e: {  	_ =	shalt  }
0x6f: {  	_ =	shalt  }
0x70: {  	_ =	shalt  }
0x71: {  	_ =	shalt  }
0x72: {  	_ =	shalt  }
0x73: {  	_ =	shalt  }
0x74: {  	_ =	shalt  }
0x75: {  	_ =	shalt  }
0x76: {  	_ =	shalt  }
0x77: {  	_ =	shalt  }
0x78: {  	_ =	shalt  }
0x79: {  	_ =	shalt  }
0x7a: {  	_ =	shalt  }
0x7b: {  	_ =	shalt  }
0x7c: {  	_ =	shalt  }
0x7d: {  	_ =	shalt  }
0x7e: {  	_ =	shalt  }
0x7f: {  	_ =	shalt  }
0x80: {  	_ =	shalt  }
0x81: {  	_ =	shalt  }
0x82: {  	_ =	shalt  }
0x83: {  	_ =	shalt  }
0x84: {  	_ =	shalt  }
0x85: {  	_ =	shalt  }
0x86: {  	_ =	shalt  }
0x87: {  	_ =	shalt  }
.Lfunc_end0:
.L_simem_size_0:
called_computation.1_lowered:
.L_overlay_start_0:
0x88: {  	s2 =	sld [smem:$0x3FD9]  }
0x89: {  	s3 =	sld [smem:$0x3FFE];
	_ =	sdelay $0x1  }
0x8a: {  	s1 =	srdreg.scid  }
0x8b: {  	s0 =	sand.u32 $0x1, s1  }
0x8c: {  	s14 =	sshll.u32 s0, $0xA;
	s2 =	sadd.s32 s3, s2  }
0x8d: {  	s2 =	sadd.s32 s2, s14  }
0x8e: {  	[smem:$0x3F76] =	sst s2  }
0x8f: {  	_ = 	snop  }
0x90: {  	s2 =	sld [smem:$0x3FD0];
	_ =	sdelay $0x2  }
0x91: {  	s15 =	simm.s32 $0xC;
	s4 =	simm.s32 $0x10  }
0x92: {  	[smem:s4], [sflag:s15] =	dma.local [hbm:s2], $0x1  }
0x93: {  	_ =	swait.eq [sflag:s15], $0x1  }
0x94: {  	[sflag:s15] =	ssyncset.done $0x0  }
0x95: {  	s16 =	sld [smem:$0x10];
	[sflag:s15] =	ssyncadd.s32 $0xFFFFFFFF  }
0x96: {  	s17 =	sld [smem:$0x12];
	(tm) =	ssettm $0x1  }
0x97: {  	s18 =	sld [smem:$0x3FFB];
	_ =	sdelay $0x3  }
0x98: {  	_ =	strace s18  }
0x99: {  	s4 =	sld [smem:$0x3FFC];
	_ =	sdelay $0x3  }
0x9a: {  	_ =	strace s4  }
0x9b: {  	s4 =	sld [smem:$0x3FFD];
	_ =	sdelay $0x3  }
0x9c: {  	_ =	strace s4  }
0x9d: {  	_ =	strace $0x8FFFFFFF  }
0x9e: {  	s19 =	sld [smem:$0x3FDB];
	_ =	sdelay $0x1  }
0x9f: {  	s5 =	simm.s32 $_scs_section_size  }
0xa0: {  	s6 =	simm.s32 $_size__tile_overlayer_lowered;
	s7 =	simm.s32 $_tile_overlayer_lowered  }
0xa1: {  	s22 =	simm.s32 $0x1BFF;
	s21 =	sshll.u32 s7, $0x1;
	s4 =	sadd.s32 s5, s19  }
0xa2: {  	s8 =	simm.s32 $0x0;
	s20 =	sshll.u32 s6, $0x1;
	s6 =	sadd.s32 s21, s4  }
0xa3: {  	[timem:s8], [sflag:s22] =	dma.local [hbm:s6], s20  }
0xa4: {  	_ =	swait.ge [sflag:s22], s20  }
0xa5: {  	s5 =	ssub.s32 $0x0, s20;
	[sflag:s22] =	ssyncset.done $0x0  }
0xa6: {  	[sflag:s22] =	ssyncadd.s32 s5;
	_ =	sdelay $0x1  }
0xa7: {  	s23 =	simm.s32 $0x1B8B  }
0xa8: {  	_ =	swait.ge [sflag:s23], $0x1  }
0xa9: {  	[sflag:s23] =	ssyncset.done $0x0  }
0xaa: {  	s25 =	simm.s32 $0x1B8E;
	s24 =	sld [smem:$0x3FFE];
	[sflag:s23] =	ssyncadd.s32 $0xFFFFFFFF  }
0xab: {  	s26 =	simm.s32 $execute0_lowered;
	[smem:$0x3FD2] =	sst s25  }
0xac: {  	s6 =	sshll.u32 s26, $0x1;
	_ =	strace $0x8000004C;
	[dreg:$0x1] =	wrdreg $0xFFFFFFFF  }
0xad: {  	s28 =	simm.s32 $_size_execute0_lowered;
	s4 =	sadd.s32 s4, s6;
	[dreg:$0x0] =	wrdreg $0x0  }
0xae: {  	s6 =	sshll.u32 s28, $0x1;
	[dreg:$0x2] =	wrdreg s4  }
0xaf: {  	[dreg:$0x3] =	wrdreg s6  }
0xb0: {  	[dreg:$0x4] =	wrdreg $0xC0  }
0xb1: {  	_ =	task [dreg:s8], $0x5FFFF  }
0xb2: {  	[dreg:$0x1] =	wrdreg $0xFFFFFFFF  }
0xb3: {  	[dreg:$0x0] =	wrdreg $0x60  }
0xb4: {  	[dreg:$0x2] =	wrdreg s24  }
0xb5: {  	[dreg:$0x3] =	wrdreg s17  }
0xb6: {  	[dreg:$0x4] =	wrdreg s16  }
0xb7: {  	[dreg:$0x5] =	wrdreg $0xA  }
0xb8: {  	_ =	task.clear_ibuf [dreg:s8], $0x6FFFF;
	_ =	strace $0x9000004C  }
0xb9: {  	s29 =	simm.s32 $0xA;
	_ =	strace $0x8000004E  }
0xba: {  	_ =	swait.ge [sflag:s29], $0x1  }
0xbb: {  	[sflag:s29] =	ssyncadd.s32 $0xFFFFFFFF  }
0xbc: {  	_ =	strace $0x9000004E  }
0xbd: {  	_ =	sfence  }
0xbe: {  	s30 =	sld [smem:$0x0];
	_ =	sdelay $0x2  }
0xbf: {  	s31 =	sshll.u32 s1, $0xD;
	s1 =	sshrl.u32 s1, $0x2  }
0xc0: {  	s3 =	sand.u32 $0x4000, s31;
	s1 =	sadd.s32 s1, s30  }
0xc1: {  	s0 =	sor.u32 s3, s0;
	s1 =	sshll.u32 s1, $0x11  }
0xc2: {  	s0 =	sor.u32 s1, s0  }
0xc3: {  	s0 =	sadd.s32 $0x8F2B, s0  }
0xc4: {  	[sflag:s0] =	ssyncadd.remote.s32 $0x1  }
0xc5: {  	_ =	sfence.sel $0xFFFF  }
0xc6: {  	[dreg:$0x0] =	wrdreg $0xFFFFFFFF;
	(pc) =	sbr.abs _section_cstart, $3  }
0xc7: {  	[dreg:$0x1] =	wrdreg $0xFFFFFFFF  }
0xc8: {  	_ =	task.clear_ibuf [dreg:s8], $0x2FFFF;
	_ =	strace $0x9FFFFFFF  }
0xc9: {  	(tm) =	ssettm $0x7FFFFFFF  }
tec
execute0_lowered:
.L_overlay_start_1:
0x0: {  	(tag) =	ssettag $0x1  }
0x1: {  	s1 =	srdreg.scid;
	s6 =	rddreg [dreg:$0x0]  }
0x2: {  	s0 =	stileid.u32;
	s2 =	rddreg [dreg:$0x1];
	s1 =	sshll.u32 s1, $0x5  }
0x3: {  	s3 =	rddreg [dreg:$0x2];
	s4 =	sshll.u32 s0, $0x6;
	s1 =	sand.u32 $0x20, s1  }
0x4: {  	s7 =	simm.s32 $0x1;
	s30 =	simm.s32 $0x2;
	s4 =	sor.u32 s4, s1  }
0x5: {  	s31 =	simm.s32 $0x3;
	s11 =	simm.s32 $0x0;
	s5 =	ssub.s32 $0x800, s4  }
0x6: {  	s9 =	simm.s32 $0x0;
	s6 =	sadd.s32 $0x6800, s6;
	s8 =	sand.u32 $0x3E0, s5  }
0x7: {  	s1 =	rddreg [dreg:$0x3];
	_ =	strace $0x8000004D;
	p0 =	sne.s32 s8, $0x0  }
0x8: {  	[sflag:s7] =	ssyncpa.u1 $0x0;
	s5 =	sshrl.u32 s5, $0xA;
	s7 =	simm.s32 @!p0 $0x0  }
0x9: {  	s10 =	smov.u32 s4;
	[sflag:s30] =	ssyncpa.u1 $0x0;
	s5 =	sadd.s32 s7, s5  }
0xa: {  	[sflag:s31] =	ssyncpa.u1 $0x0;
	s8 =	simm.s32 $0x0;
	s7 =	sadd.s32 $0x1, s5  }
.LBB2_1:
0xb: {  	p0 =	sge.u32 s9, s5  }
0xc: {  	s31 =	sadd.s32 $0xFFFFFFFF, s9;
	s12 =	sxor.u32 @!p0 $0xFFFFFFFF, s8;
	s13 =	sshrl.u32 @!p0 s10, $0x3  }
0xd: {  	s14 =	sand.u32 @!p0 $0x7, s10;
	s12 =	sand.u32 @!p0 $0x20, s12;
	s13 =	sadd.s32 @!p0 s2, s13  }
0xe: {  	[tilespmem:s12], [sflag:$0x2] =	stream.linear.gather @!p0 [hbm4b:s13+s14], $0x20, $0x38;
	[tilespmem:$0x80] =	vst v63  }
0xf: {  	p0 =	sge.u32 s31, s5  }
0x10: {  	s12 =	simm.s32 @!p0 $0x2  }
0x11: {  	_ =	swait.ge @!p0 [sflag:s12], $0x20  }
0x12: {  	[sflag:s12] =	ssyncset.done @!p0 $0x0  }
0x13: {  	[sflag:s12] =	ssyncadd.s32 @!p0 $0xFFFFFFE0;
	s12 =	sand.u32 @!p0 $0x20, s8  }
0x14: {  	(ifvalue) =	ssetifvalue @!p0 $0x7FFFFFFF;
	v0 =	vld.msk @!p0 [tilespmem:s12+$0x0 ss:$0x1], $0xffff;
	_ =	sdelay $0x4  }
0x15: {  	vm0 =	vgt.s32 @!p0 v0, $0x0  }
0x16: {  	v0 =	vnsel @!p0 vm0, $0x0, v0  }
0x17: {  	v0 =	vmin.u32 @!p0 v0, $0x4E1F;
	_ =	sdelay $0x2  }
0x18: {  	s14 =	simm.s32 @!p0 $0x0  }
0x19: {  	s13 =	sor.u32 @!p0 $0x40, s12;
	(ifvalue) =	ssetifvalue @!p0 $0x7FFFFFFF;
	s15 =	sor.u32 @!p0 $0x10, s12;
	vm0 =	vmmov @!p0 $0xffff  }
0x1a: {  	[tilespmem:s13], [sflag:$0x1] =	stream.indirect_vreg.gather @!p0 [hbm4b:s6+s14], $0x1, v0, vm0, $0x4038;
	[tilespmem:$0x80] =	vst v63  }
0x1b: {  	v0 =	vld.msk @!p0 [tilespmem:s15+$0x0 ss:$0x1], $0xffff;
	_ =	sdelay $0x4  }
0x1c: {  	vm1 =	vgt.s32 @!p0 v0, $0x0  }
0x1d: {  	v0 =	vnsel @!p0 vm1, $0x0, v0  }
0x1e: {  	v0 =	vmin.u32 @!p0 v0, $0x4E1F;
	_ =	sdelay $0x3  }
0x1f: {  	s12 =	sor.u32 @!p0 $0x50, s12;
	(ifvalue) =	ssetifvalue @!p0 $0x7FFFFFFF  }
0x20: {  	[tilespmem:s12], [sflag:$0x1] =	stream.indirect_vreg.gather @!p0 [hbm4b:s6+s14], $0x1, v0, vm0, $0x4038;
	[tilespmem:$0x80] =	vst v63  }
0x21: {  	s12 =	simm.s32 @!p0 $0x1  }
0x22: {  	_ =	swait.ge @!p0 [sflag:s12], $0x20  }
0x23: {  	s14 =	sshrl.u32 @!p0 s11, $0x3;
	[sflag:s12] =	ssyncset.done @!p0 $0x0  }
0x24: {  	s11 =	sand.u32 @!p0 $0x7, s11;
	[sflag:s12] =	ssyncadd.s32 @!p0 $0xFFFFFFE0;
	s12 =	sadd.s32 @!p0 s3, s14  }
0x25: {  	[hbm4b:s12+s11] =	stream.linear.scatter @!p0 [tilespmem:s13], [sflag:$0x3], $0x20, $0x38;
	[tilespmem:$0x80] =	vst v63  }
0x26: {  	s13 =	sadd.s32 $0x400, s10  }
0x27: {  	p1 =	sgt.s32 s13, $0x7FF  }
0x28: {  	s13 =	smov.u32 @p1 s4;
	p1 =	sne.s32 s9, s7  }
.Ltmp0:
0x29: {  	p0 =	slt.u32 s9, $0x2;
	(pc) =	sbr.rel @p1 .LBB2_1-.Ltmp0, $4  }
0x2a: {  	s12 =	simm.s32 @!p0 $0x3  }
0x2b: {  	_ =	swait.ge @!p0 [sflag:s12], $0x20  }
0x2c: {  	s8 =	sadd.s32 $0x20, s8;
	s11 =	smov.u32 s10;
	[sflag:s12] =	ssyncset.done @!p0 $0x0  }
0x2d: {  	s9 =	sadd.s32 $0x1, s9;
	s10 =	smov.u32 s13;
	[sflag:s12] =	ssyncadd.s32 @!p0 $0xFFFFFFE0  }
0x2e: {  	_ =	sfence.sel $0x180000  }
0x2f: {  	s2 =	simm.s32 $0x2;
	[bflag:$0x0] =	sbarrier.arrive $0xFFFF  }
0x30: {  	s30 =	simm.s32 $0x3;
	[sflag:s2] =	ssyncpa.u1 $0x1  }
0x31: {  	s31 =	simm.s32 $0x1;
	[sflag:s30] =	ssyncpa.u1 $0x1  }
0x32: {  	[sflag:s31] =	ssyncpa.u1 $0x1  }
0x33: {  	p0 =	sne.s32 s0, $0x0;
	_ =	strace $0x9000004D  }
0x34: {  	s0 =	sadd.s32 @!p0 $0x100000, s1;
	[bflag:$0x2] =	sbarrier.arrive $0xFFFF  }
0x35: {  	[sflag:s0] =	ssyncadd.tile.s32 @!p0 $0x1;
	_ =	shalt  }
.Lfunc_end2:
_tile_overlayer_lowered:
.L_overlay_start_2:
0x36: {  	(tag) =	ssettag $0x2  }
0x37: {  	s0 =	rddreg [dreg:$0x0];
	s2 =	stileid.u32  }
0x38: {  	s1 =	rddreg [dreg:$0x1];
	p0 =	sne.s32 s2, $0x0  }
0x39: {  	s3 =	rddreg [dreg:$0x2];
	[bflag:$0x3] =	sbarrier.arrive $0xFFFF;
	s2 =	simm.s32 @!p0 $0x1C01  }
0x3a: {  	[timem:s3], [sflag:s2] =	dma.local @!p0 [hbm:s0], s1  }
0x3b: {  	s0 =	simm.s32 @!p0 $0x1  }
0x3c: {  	_ =	swait.ge @!p0 [sflag:s0], s1  }
0x3d: {  	s1 =	ssub.s32 @!p0 $0x0, s1;
	[sflag:s0] =	ssyncset.done @!p0 $0x0  }
0x3e: {  	[sflag:s0] =	ssyncadd.s32 @!p0 s1  }
0x3f: {  	[bflag:$0x3] =	sbarrier.arrive $0xFFFF  }
0x40: {  	_ =	shalt  }

// kernel: gather_offload_async_start.2
scs
__scs_entry_jumppad:
0x0: {  	(pc) =	sbr.rel $0x88, $3  }
0x1: {  	(tag) =	ssettag $0x0;
	lr =	simm.s32 $0x1  }
0x2: {  	[smem:$0x3F4F] =	sst lr;
	_ =	strace $0xD0000000  }
0x3: {  	_ = 	snop  }
0x4: {  	_ = 	snop  }
0x5: {  	_ = 	snop  }
0x6: {  	_ = 	snop  }
0x7: {  	_ = 	snop  }
__scs_overlays_trampoline_lowered:
0x8: {  	[smem:$0x3F5E] =	sst s0  }
0x9: {  	[smem:$0x3F5F] =	sst s1  }
0xa: {  	[smem:$0x3F60] =	sst s2  }
0xb: {  	[smem:$0x3F61] =	sst s3  }
0xc: {  	[smem:$0x3F62] =	sst s4  }
0xd: {  	[smem:$0x3F63] =	sst s5  }
0xe: {  	[smem:$0x3F64] =	sst s6  }
0xf: {  	[smem:$0x3F65] =	sst s7  }
0x10: {  	[smem:$0x3F66] =	sst s8  }
0x11: {  	[smem:$0x3F67] =	sst s9;
	s0 =	simm.s32 @!p0 $0x0  }
0x12: {  	s1 =	sld [smem:$0x3F4D];
	s0 =	simm.s32 @p0 $0x1  }
0x13: {  	[smem:$0x3F68] =	sst s0;
	s0 =	simm.s32 @!p1 $0x0  }
0x14: {  	s2 =	sld [smem:$0x3F4C];
	s0 =	simm.s32 @p1 $0x1  }
0x15: {  	[smem:$0x3F69] =	sst s0;
	s0 =	simm.s32 @!p2 $0x0  }
0x16: {  	s3 =	sld [smem:$0x3FDB];
	s0 =	simm.s32 @p2 $0x1  }
0x17: {  	s4 =	simm.s32 $0x1BF5;
	[smem:$0x3F6B] =	sst s0  }
0x18: {  	s0 =	sld [smem:$0x3F4E];
	_ =	swait.ge [sflag:s4], $0x0  }
0x19: {  	s7 =	sld [smem:$0x3F4F]  }
0x1a: {  	s8 =	sadd.s32 $0xFFFFE003, lr  }
0x1b: {  	s9 =	sadd.s32 $0xFFFFFEF7, lr;
	s5 =	simm.s32 $0xFFFFFFFF;
	p2 =	slt.u32 s8, $0xFFFFF086  }
0x1c: {  	p1 =	slt.u32 s9, $0xF7A;
	s5 =	simm.s32 @!p2 $0x0  }
0x1d: {  	s5 =	simm.s32 @p1 $0x1;
	p0 =	seq.s32 s7, s2  }
0x1e: {  	s7 =	smul.u32 @!p0 $0xF7A, s2;
	p2 =	seq.s32 @!p0 s5, $0x0  }
0x1f: {  	s9 =	smul.u32 $0xF7A, s1;
	s8 =	simm.s32 @!p0 $0x1BF5;
	p2 =	por !p2, p0  }
0x20: {  	[sflag:s8] =	ssyncset.s32 @!p0 $0xFFFFF086;
	s6 =	sadd.s32 @!p0 s3, s7;
	s7 =	simm.s32 @!p0 $0x108  }
0x21: {  	s3 =	sadd.s32 s3, s9;
	s6 =	sadd.s32 @!p0 $0x88, s6;
	s7 =	simm.s32 @p2 $0x1082  }
0x22: {  	[simem:s7], [sflag:s8] =	dma.local @!p0 [hbm:s6], $0xF7A  }
0x23: {  	s9 =	sor.u32 $0xD0000000, s2;
	s6 =	simm.s32 $0x108;
	_ =	swait.ge @!p0 [sflag:s8], $0x0  }
0x24: {  	s3 =	sadd.s32 $0x88, s3;
	s6 =	simm.s32 @!p1 $0x1082;
	[sflag:s4] =	ssyncset.s32 $0xFFFFF086  }
0x25: {  	[simem:s6], [sflag:s4] =	dma.local [hbm:s3], $0xF7A  }
0x26: {  	[smem:$0x3F4F] =	sst s1;
	(tag) =	ssettag s2;
	_ =	strace s9  }
0x27: {  	s1 =	sld [smem:$0x3F5F]  }
0x28: {  	s2 =	sld [smem:$0x3F60]  }
0x29: {  	s4 =	sld [smem:$0x3F62]  }
0x2a: {  	p0 =	seq.s32 s5, $0x0;
	s5 =	sld [smem:$0x3F63]  }
0x2b: {  	s6 =	sld [smem:$0x3F64]  }
0x2c: {  	s7 =	sld [smem:$0x3F65]  }
0x2d: {  	s3 =	simm.s32 $0x108;
	s8 =	sld [smem:$0x3F66]  }
0x2e: {  	s3 =	simm.s32 @!p0 $0x1082;
	s9 =	sld [smem:$0x3F67]  }
0x2f: {  	lr =	sadd.s32 s0, s3;
	s0 =	sld [smem:$0x3F5E]  }
0x30: {  	s3 =	sld [smem:$0x3F61]  }
0x31: {  	[smem:$0x3F6A] =	sst s10  }
0x32: {  	s10 =	sld [smem:$0x3F68];
	_ =	sdelay $0x3  }
0x33: {  	p0 =	seq.s32 s10, $0x1;
	s10 =	sld [smem:$0x3F6A];
	_ =	sdelay $0x3  }
0x34: {  	[smem:$0x3F6A] =	sst s10  }
0x35: {  	s10 =	sld [smem:$0x3F69];
	_ =	sdelay $0x3  }
0x36: {  	p1 =	seq.s32 s10, $0x1;
	s10 =	sld [smem:$0x3F6A];
	_ =	sdelay $0x3  }
0x37: {  	[smem:$0x3F6A] =	sst s10  }
0x38: {  	s10 =	sld [smem:$0x3F6B]  }
0x39: {  	_ = 	snop;
	(pc) =	sbr.ind lr, $3  }
0x3a: {  	_ = 	snop  }
0x3b: {  	_ = 	snop  }
0x3c: {  	p2 =	seq.s32 s10, $0x1;
	s10 =	sld [smem:$0x3F6A]  }
0x3d: {  	_ =	shalt  }
0x3e: {  	_ =	shalt  }
0x3f: {  	_ =	shalt  }
0x40: {  	_ =	shalt  }
0x41: {  	_ =	shalt  }
0x42: {  	_ =	shalt  }
0x43: {  	_ =	shalt  }
0x44: {  	_ =	shalt  }
0x45: {  	_ =	shalt  }
0x46: {  	_ =	shalt  }
0x47: {  	_ =	shalt  }
0x48: {  	_ =	shalt  }
0x49: {  	_ =	shalt  }
0x4a: {  	_ =	shalt  }
0x4b: {  	_ =	shalt  }
0x4c: {  	_ =	shalt  }
0x4d: {  	_ =	shalt  }
0x4e: {  	_ =	shalt  }
0x4f: {  	_ =	shalt  }
0x50: {  	_ =	shalt  }
0x51: {  	_ =	shalt  }
0x52: {  	_ =	shalt  }
0x53: {  	_ =	shalt  }
0x54: {  	_ =	shalt  }
0x55: {  	_ =	shalt  }
0x56: {  	_ =	shalt  }
0x57: {  	_ =	shalt  }
0x58: {  	_ =	shalt  }
0x59: {  	_ =	shalt  }
0x5a: {  	_ =	shalt  }
0x5b: {  	_ =	shalt  }
0x5c: {  	_ =	shalt  }
0x5d: {  	_ =	shalt  }
0x5e: {  	_ =	shalt  }
0x5f: {  	_ =	shalt  }
0x60: {  	_ =	shalt  }
0x61: {  	_ =	shalt  }
0x62: {  	_ =	shalt  }
0x63: {  	_ =	shalt  }
0x64: {  	_ =	shalt  }
0x65: {  	_ =	shalt  }
0x66: {  	_ =	shalt  }
0x67: {  	_ =	shalt  }
0x68: {  	_ =	shalt  }
0x69: {  	_ =	shalt  }
0x6a: {  	_ =	shalt  }
0x6b: {  	_ =	shalt  }
0x6c: {  	_ =	shalt  }
0x6d: {  	_ =	shalt  }
0x6e: {  	_ =	shalt  }
0x6f: {  	_ =	shalt  }
0x70: {  	_ =	shalt  }
0x71: {  	_ =	shalt  }
0x72: {  	_ =	shalt  }
0x73: {  	_ =	shalt  }
0x74: {  	_ =	shalt  }
0x75: {  	_ =	shalt  }
0x76: {  	_ =	shalt  }
0x77: {  	_ =	shalt  }
0x78: {  	_ =	shalt  }
0x79: {  	_ =	shalt  }
0x7a: {  	_ =	shalt  }
0x7b: {  	_ =	shalt  }
0x7c: {  	_ =	shalt  }
0x7d: {  	_ =	shalt  }
0x7e: {  	_ =	shalt  }
0x7f: {  	_ =	shalt  }
0x80: {  	_ =	shalt  }
0x81: {  	_ =	shalt  }
0x82: {  	_ =	shalt  }
0x83: {  	_ =	shalt  }
0x84: {  	_ =	shalt  }
0x85: {  	_ =	shalt  }
0x86: {  	_ =	shalt  }
0x87: {  	_ =	shalt  }
.Lfunc_end0:
.L_simem_size_0:
called_computation.2_lowered:
.L_overlay_start_0:
0x88: {  	s2 =	sld [smem:$0x3FD9]  }
0x89: {  	s3 =	sld [smem:$0x3FFE];
	_ =	sdelay $0x1  }
0x8a: {  	s1 =	srdreg.scid  }
0x8b: {  	s0 =	sand.u32 $0x1, s1  }
0x8c: {  	s15 =	sshll.u32 s0, $0xA;
	s2 =	sadd.s32 s3, s2  }
0x8d: {  	s2 =	sadd.s32 s2, s15  }
0x8e: {  	[smem:$0x3F76] =	sst s2  }
0x8f: {  	_ = 	snop  }
0x90: {  	s2 =	sld [smem:$0x3FD0];
	_ =	sdelay $0x2  }
0x91: {  	s4 =	simm.s32 $0xC;
	s16 =	simm.s32 $0x10  }
0x92: {  	[smem:s16], [sflag:s4] =	dma.local [hbm:s2], $0x1  }
0x93: {  	_ =	swait.eq [sflag:s4], $0x1  }
0x94: {  	[sflag:s4] =	ssyncset.done $0x0  }
0x95: {  	s17 =	sld [smem:$0x11];
	[sflag:s4] =	ssyncadd.s32 $0xFFFFFFFF  }
0x96: {  	s18 =	sld [smem:$0x12];
	(tm) =	ssettm $0x1  }
0x97: {  	s19 =	sld [smem:$0x3FFB];
	_ =	sdelay $0x3  }
0x98: {  	_ =	strace s19  }
0x99: {  	s2 =	sld [smem:$0x3FFC];
	_ =	sdelay $0x3  }
0x9a: {  	_ =	strace s2  }
0x9b: {  	s2 =	sld [smem:$0x3FFD];
	_ =	sdelay $0x3  }
0x9c: {  	_ =	strace s2  }
0x9d: {  	_ =	strace $0x8FFFFFFF  }
0x9e: {  	s20 =	sld [smem:$0x3FDB];
	_ =	sdelay $0x1  }
0x9f: {  	s5 =	simm.s32 $_scs_section_size  }
0xa0: {  	s6 =	simm.s32 $_size__tile_overlayer_lowered;
	s7 =	simm.s32 $_tile_overlayer_lowered  }
0xa1: {  	s8 =	simm.s32 $0x1BFF;
	s21 =	sshll.u32 s7, $0x1;
	s5 =	sadd.s32 s5, s20  }
0xa2: {  	s22 =	simm.s32 $0x0;
	s6 =	sshll.u32 s6, $0x1;
	s7 =	sadd.s32 s21, s5  }
0xa3: {  	[timem:s22], [sflag:s8] =	dma.local [hbm:s7], s6  }
0xa4: {  	_ =	swait.ge [sflag:s8], s6  }
0xa5: {  	s6 =	ssub.s32 $0x0, s6;
	[sflag:s8] =	ssyncset.done $0x0  }
0xa6: {  	[sflag:s8] =	ssyncadd.s32 s6;
	_ =	sdelay $0x1  }
0xa7: {  	s23 =	simm.s32 $0x1B8B  }
0xa8: {  	_ =	swait.ge [sflag:s23], $0x1  }
0xa9: {  	[sflag:s23] =	ssyncset.done $0x0  }
0xaa: {  	[sflag:s23] =	ssyncadd.s32 $0xFFFFFFFF  }
0xab: {  	s6 =	sld [smem:$0x0]  }
0xac: {  	s7 =	sand.u32 $0xFFFFFFFE, s1  }
0xad: {  	p0 =	sne.s32 s1, s7  }
0xae: {  	s7 =	sshll.u32 @p0 s7, $0xE  }
0xaf: {  	s7 =	sadd.s32 @p0 $0x11B8D, s7;
	s8 =	sshll.u32 @p0 s6, $0x11  }
0xb0: {  	s7 =	sor.u32 @p0 s8, s7  }
0xb1: {  	[sflag:s7] =	ssyncadd.remote.s32 @p0 $0x1;
	_ =	sdelay $0x1  }
0xb2: {  	s7 =	simm.s32 @p0 $0x1B8D  }
0xb3: {  	_ =	swait.eq @p0 [sflag:s7], $0x1  }
0xb4: {  	[sflag:s7] =	ssyncadd.s32 @p0 $0xFFFFFFFF  }
0xb5: {  	s8 =	sshll.u32 @!p0 s1, $0xE  }
0xb6: {  	s8 =	sor.u32 @!p0 $0x4000, s8;
	s7 =	simm.s32 @!p0 $0x1B8D  }
0xb7: {  	s6 =	sshll.u32 @!p0 s6, $0x11;
	s8 =	sadd.s32 @!p0 $0x11B8D, s8;
	_ =	swait.eq @!p0 [sflag:s7], $0x1  }
0xb8: {  	s6 =	sor.u32 @!p0 s6, s8;
	[sflag:s7] =	ssyncadd.s32 @!p0 $0xFFFFFFFF  }
0xb9: {  	s25 =	simm.s32 $0x1B8E;
	s24 =	sld [smem:$0x3FFE];
	[sflag:s6] =	ssyncadd.remote.s32 @!p0 $0x1  }
0xba: {  	s26 =	simm.s32 $execute0_lowered;
	[smem:$0x3FD2] =	sst s25  }
0xbb: {  	s7 =	sshll.u32 s26, $0x1;
	_ =	strace $0x8000004F;
	[dreg:$0x1] =	wrdreg $0xFFFFFFFF  }
0xbc: {  	s28 =	simm.s32 $_size_execute0_lowered;
	s5 =	sadd.s32 s5, s7;
	[dreg:$0x0] =	wrdreg $0x0  }
0xbd: {  	s7 =	sshll.u32 s28, $0x1;
	[dreg:$0x2] =	wrdreg s5  }
0xbe: {  	[dreg:$0x3] =	wrdreg s7  }
0xbf: {  	[dreg:$0x4] =	wrdreg $0xC0  }
0xc0: {  	_ =	task [dreg:s22], $0x5FFFF  }
0xc1: {  	[dreg:$0x1] =	wrdreg $0xFFFFFFFF  }
0xc2: {  	[dreg:$0x0] =	wrdreg $0x60  }
0xc3: {  	[dreg:$0x2] =	wrdreg s24  }
0xc4: {  	[dreg:$0x3] =	wrdreg s18  }
0xc5: {  	[dreg:$0x4] =	wrdreg s17  }
0xc6: {  	[dreg:$0x5] =	wrdreg $0xB  }
0xc7: {  	_ =	task.clear_ibuf [dreg:s22], $0x6FFFF;
	_ =	strace $0x9000004F  }
0xc8: {  	s29 =	simm.s32 $0xB;
	_ =	strace $0x80000051  }
0xc9: {  	_ =	swait.ge [sflag:s29], $0x1  }
0xca: {  	[sflag:s29] =	ssyncadd.s32 $0xFFFFFFFF  }
0xcb: {  	_ =	strace $0x90000051  }
0xcc: {  	_ =	sfence  }
0xcd: {  	s30 =	sld [smem:$0x0];
	_ =	sdelay $0x2  }
0xce: {  	s31 =	sshll.u32 s1, $0xD;
	s1 =	sshrl.u32 s1, $0x2  }
0xcf: {  	s4 =	sand.u32 $0x4000, s31;
	s1 =	sadd.s32 s1, s30  }
0xd0: {  	s0 =	sor.u32 s4, s0;
	s1 =	sshll.u32 s1, $0x11  }
0xd1: {  	s0 =	sor.u32 s1, s0  }
0xd2: {  	s0 =	sadd.s32 $0x8F2B, s0  }
0xd3: {  	[sflag:s0] =	ssyncadd.remote.s32 $0x1  }
0xd4: {  	_ =	sfence.sel $0xFFFF  }
0xd5: {  	[dreg:$0x0] =	wrdreg $0xFFFFFFFF;
	(pc) =	sbr.abs _section_cstart, $3  }
0xd6: {  	[dreg:$0x1] =	wrdreg $0xFFFFFFFF  }
0xd7: {  	_ =	task.clear_ibuf [dreg:s22], $0x2FFFF;
	_ =	strace $0x9FFFFFFF  }
0xd8: {  	(tm) =	ssettm $0x7FFFFFFF  }
0xd9: {  	_ =	shalt  }
tec
execute0_lowered:
.L_overlay_start_1:
0x0: {  	(tag) =	ssettag $0x1  }
0x1: {  	s1 =	srdreg.scid;
	s6 =	rddreg [dreg:$0x0]  }
0x2: {  	s0 =	stileid.u32;
	s2 =	rddreg [dreg:$0x1];
	s1 =	sshll.u32 s1, $0x5  }
0x3: {  	s3 =	rddreg [dreg:$0x2];
	s4 =	sshll.u32 s0, $0x6;
	s1 =	sand.u32 $0x20, s1  }
0x4: {  	s7 =	simm.s32 $0x1;
	s30 =	simm.s32 $0x2;
	s4 =	sor.u32 s4, s1  }
0x5: {  	s31 =	simm.s32 $0x3;
	s11 =	simm.s32 $0x0;
	s5 =	ssub.s32 $0x800, s4  }
0x6: {  	s9 =	simm.s32 $0x0;
	s6 =	sadd.s32 $0x7200, s6;
	s8 =	sand.u32 $0x3E0, s5  }
0x7: {  	s1 =	rddreg [dreg:$0x3];
	_ =	strace $0x80000050;
	p0 =	sne.s32 s8, $0x0  }
0x8: {  	[sflag:s7] =	ssyncpa.u1 $0x0;
	s5 =	sshrl.u32 s5, $0xA;
	s7 =	simm.s32 @!p0 $0x0  }
0x9: {  	s10 =	smov.u32 s4;
	[sflag:s30] =	ssyncpa.u1 $0x0;
	s5 =	sadd.s32 s7, s5  }
0xa: {  	[sflag:s31] =	ssyncpa.u1 $0x0;
	s8 =	simm.s32 $0x0;
	s7 =	sadd.s32 $0x1, s5  }
.LBB2_1:
0xb: {  	p0 =	sge.u32 s9, s5  }
0xc: {  	s31 =	sadd.s32 $0xFFFFFFFF, s9;
	s12 =	sxor.u32 @!p0 $0xFFFFFFFF, s8;
	s13 =	sshrl.u32 @!p0 s10, $0x3  }
0xd: {  	s14 =	sand.u32 @!p0 $0x7, s10;
	s12 =	sand.u32 @!p0 $0x20, s12;
	s13 =	sadd.s32 @!p0 s2, s13  }
0xe: {  	[tilespmem:s12], [sflag:$0x2] =	stream.linear.gather @!p0 [hbm4b:s13+s14], $0x20, $0x38;
	[tilespmem:$0x80] =	vst v63  }
0xf: {  	p0 =	sge.u32 s31, s5  }
0x10: {  	s12 =	simm.s32 @!p0 $0x2  }
0x11: {  	_ =	swait.ge @!p0 [sflag:s12], $0x20  }
0x12: {  	[sflag:s12] =	ssyncset.done @!p0 $0x0  }
0x13: {  	[sflag:s12] =	ssyncadd.s32 @!p0 $0xFFFFFFE0;
	s12 =	sand.u32 @!p0 $0x20, s8  }
0x14: {  	(ifvalue) =	ssetifvalue @!p0 $0x7FFFFFFF;
	v0 =	vld.msk @!p0 [tilespmem:s12+$0x0 ss:$0x1], $0xffff;
	_ =	sdelay $0x4  }
0x15: {  	vm0 =	vgt.s32 @!p0 v0, $0x0  }
0x16: {  	v0 =	vnsel @!p0 vm0, $0x0, v0  }
0x17: {  	v0 =	vmin.u32 @!p0 v0, $0x4E1F;
	_ =	sdelay $0x2  }
0x18: {  	s14 =	simm.s32 @!p0 $0x0  }
0x19: {  	s13 =	sor.u32 @!p0 $0x40, s12;
	(ifvalue) =	ssetifvalue @!p0 $0x7FFFFFFF;
	s15 =	sor.u32 @!p0 $0x10, s12;
	vm0 =	vmmov @!p0 $0xffff  }
0x1a: {  	[tilespmem:s13], [sflag:$0x1] =	stream.indirect_vreg.gather @!p0 [hbm4b:s6+s14], $0x1, v0, vm0, $0x4038;
	[tilespmem:$0x80] =	vst v63  }
0x1b: {  	v0 =	vld.msk @!p0 [tilespmem:s15+$0x0 ss:$0x1], $0xffff;
	_ =	sdelay $0x4  }
0x1c: {  	vm1 =	vgt.s32 @!p0 v0, $0x0  }
0x1d: {  	v0 =	vnsel @!p0 vm1, $0x0, v0  }
0x1e: {  	v0 =	vmin.u32 @!p0 v0, $0x4E1F;
	_ =	sdelay $0x3  }
0x1f: {  	s12 =	sor.u32 @!p0 $0x50, s12;
	(ifvalue) =	ssetifvalue @!p0 $0x7FFFFFFF  }
0x20: {  	[tilespmem:s12], [sflag:$0x1] =	stream.indirect_vreg.gather @!p0 [hbm4b:s6+s14], $0x1, v0, vm0, $0x4038;
	[tilespmem:$0x80] =	vst v63  }
0x21: {  	s12 =	simm.s32 @!p0 $0x1  }
0x22: {  	_ =	swait.ge @!p0 [sflag:s12], $0x20  }
0x23: {  	s14 =	sshrl.u32 @!p0 s11, $0x3;
	[sflag:s12] =	ssyncset.done @!p0 $0x0  }
0x24: {  	s11 =	sand.u32 @!p0 $0x7, s11;
	[sflag:s12] =	ssyncadd.s32 @!p0 $0xFFFFFFE0;
	s12 =	sadd.s32 @!p0 s3, s14  }
0x25: {  	[hbm4b:s12+s11] =	stream.linear.scatter @!p0 [tilespmem:s13], [sflag:$0x3], $0x20, $0x38;
	[tilespmem:$0x80] =	vst v63  }
0x26: {  	s13 =	sadd.s32 $0x400, s10  }
0x27: {  	p1 =	sgt.s32 s13, $0x7FF  }
0x28: {  	s13 =	smov.u32 @p1 s4;
	p1 =	sne.s32 s9, s7  }
.Ltmp0:
0x29: {  	p0 =	slt.u32 s9, $0x2;
	(pc) =	sbr.rel @p1 .LBB2_1-.Ltmp0, $4  }
0x2a: {  	s12 =	simm.s32 @!p0 $0x3  }
0x2b: {  	_ =	swait.ge @!p0 [sflag:s12], $0x20  }
0x2c: {  	s8 =	sadd.s32 $0x20, s8;
	s11 =	smov.u32 s10;
	[sflag:s12] =	ssyncset.done @!p0 $0x0  }
0x2d: {  	s9 =	sadd.s32 $0x1, s9;
	s10 =	smov.u32 s13;
	[sflag:s12] =	ssyncadd.s32 @!p0 $0xFFFFFFE0  }
0x2e: {  	_ =	sfence.sel $0x180000  }
0x2f: {  	s2 =	simm.s32 $0x2;
	[bflag:$0x0] =	sbarrier.arrive $0xFFFF  }
0x30: {  	s30 =	simm.s32 $0x3;
	[sflag:s2] =	ssyncpa.u1 $0x1  }
0x31: {  	s31 =	simm.s32 $0x1;
	[sflag:s30] =	ssyncpa.u1 $0x1  }
0x32: {  	[sflag:s31] =	ssyncpa.u1 $0x1  }
0x33: {  	p0 =	sne.s32 s0, $0x0;
	_ =	strace $0x90000050  }
0x34: {  	s0 =	sadd.s32 @!p0 $0x100000, s1;
	[bflag:$0x2] =	sbarrier.arrive $0xFFFF  }
0x35: {  	[sflag:s0] =	ssyncadd.tile.s32 @!p0 $0x1;
	_ =	shalt  }
.Lfunc_end2:
_tile_overlayer_lowered:
.L_overlay_start_2:
0x36: {  	(tag) =	ssettag $0x2  }
0x37: {  	s0 =	rddreg [dreg:$0x0];
	s2 =	stileid.u32  }
0x38: {  	s1 =	rddreg [dreg:$0x1];
	p0 =	sne.s32 s2, $0x0  }
0x39: {  	s3 =	rddreg [dreg:$0x2];
	[bflag:$0x3] =	sbarrier.arrive $0xFFFF;
	s2 =	simm.s32 @!p0 $0x1C01  }
0x3a: {  	[timem:s3], [sflag:s2] =	dma.local @!p0 [hbm:s0], s1  }
0x3b: {  	s0 =	simm.s32 @!p0 $0x1  }
0x3c: {  	_ =	swait.ge @!p0 [sflag:s0], s1  }
0x3d: {  	s1 =	ssub.s32 @!p0 $0x0, s1;
	[sflag:s0] =	ssyncset.done @!p0 $0x0  }
0x3e: {  	[sflag:s0] =	ssyncadd.s32 @!p0 s1  }
0x3f: {  	[bflag:$0x3] =	sbarrier.arrive $0xFFFF  }
0x40: {  	_ =	shalt  }

// kernel: gather_offload_async_start.3
scs
__scs_entry_jumppad:
0x0: {  	(pc) =	sbr.rel $0x88, $3  }
0x1: {  	(tag) =	ssettag $0x0;
	lr =	simm.s32 $0x1  }
0x2: {  	[smem:$0x3F4F] =	sst lr;
	_ =	strace $0xD0000000  }
0x3: {  	_ = 	snop  }
0x4: {  	_ = 	snop  }
0x5: {  	_ = 	snop  }
0x6: {  	_ = 	snop  }
0x7: {  	_ = 	snop  }
__scs_overlays_trampoline_lowered:
0x8: {  	[smem:$0x3F5E] =	sst s0  }
0x9: {  	[smem:$0x3F5F] =	sst s1  }
0xa: {  	[smem:$0x3F60] =	sst s2  }
0xb: {  	[smem:$0x3F61] =	sst s3  }
0xc: {  	[smem:$0x3F62] =	sst s4  }
0xd: {  	[smem:$0x3F63] =	sst s5  }
0xe: {  	[smem:$0x3F64] =	sst s6  }
0xf: {  	[smem:$0x3F65] =	sst s7  }
0x10: {  	[smem:$0x3F66] =	sst s8  }
0x11: {  	[smem:$0x3F67] =	sst s9;
	s0 =	simm.s32 @!p0 $0x0  }
0x12: {  	s1 =	sld [smem:$0x3F4D];
	s0 =	simm.s32 @p0 $0x1  }
0x13: {  	[smem:$0x3F68] =	sst s0;
	s0 =	simm.s32 @!p1 $0x0  }
0x14: {  	s2 =	sld [smem:$0x3F4C];
	s0 =	simm.s32 @p1 $0x1  }
0x15: {  	[smem:$0x3F69] =	sst s0;
	s0 =	simm.s32 @!p2 $0x0  }
0x16: {  	s3 =	sld [smem:$0x3FDB];
	s0 =	simm.s32 @p2 $0x1  }
0x17: {  	s4 =	simm.s32 $0x1BF5;
	[smem:$0x3F6B] =	sst s0  }
0x18: {  	s0 =	sld [smem:$0x3F4E];
	_ =	swait.ge [sflag:s4], $0x0  }
0x19: {  	s7 =	sld [smem:$0x3F4F]  }
0x1a: {  	s8 =	sadd.s32 $0xFFFFE003, lr  }
0x1b: {  	s9 =	sadd.s32 $0xFFFFFEF7, lr;
	s5 =	simm.s32 $0xFFFFFFFF;
	p2 =	slt.u32 s8, $0xFFFFF086  }
0x1c: {  	p1 =	slt.u32 s9, $0xF7A;
	s5 =	simm.s32 @!p2 $0x0  }
0x1d: {  	s5 =	simm.s32 @p1 $0x1;
	p0 =	seq.s32 s7, s2  }
0x1e: {  	s7 =	smul.u32 @!p0 $0xF7A, s2;
	p2 =	seq.s32 @!p0 s5, $0x0  }
0x1f: {  	s9 =	smul.u32 $0xF7A, s1;
	s8 =	simm.s32 @!p0 $0x1BF5;
	p2 =	por !p2, p0  }
0x20: {  	[sflag:s8] =	ssyncset.s32 @!p0 $0xFFFFF086;
	s6 =	sadd.s32 @!p0 s3, s7;
	s7 =	simm.s32 @!p0 $0x108  }
0x21: {  	s3 =	sadd.s32 s3, s9;
	s6 =	sadd.s32 @!p0 $0x88, s6;
	s7 =	simm.s32 @p2 $0x1082  }
0x22: {  	[simem:s7], [sflag:s8] =	dma.local @!p0 [hbm:s6], $0xF7A  }
0x23: {  	s9 =	sor.u32 $0xD0000000, s2;
	s6 =	simm.s32 $0x108;
	_ =	swait.ge @!p0 [sflag:s8], $0x0  }
0x24: {  	s3 =	sadd.s32 $0x88, s3;
	s6 =	simm.s32 @!p1 $0x1082;
	[sflag:s4] =	ssyncset.s32 $0xFFFFF086  }
0x25: {  	[simem:s6], [sflag:s4] =	dma.local [hbm:s3], $0xF7A  }
0x26: {  	[smem:$0x3F4F] =	sst s1;
	(tag) =	ssettag s2;
	_ =	strace s9  }
0x27: {  	s1 =	sld [smem:$0x3F5F]  }
0x28: {  	s2 =	sld [smem:$0x3F60]  }
0x29: {  	s4 =	sld [smem:$0x3F62]  }
0x2a: {  	p0 =	seq.s32 s5, $0x0;
	s5 =	sld [smem:$0x3F63]  }
0x2b: {  	s6 =	sld [smem:$0x3F64]  }
0x2c: {  	s7 =	sld [smem:$0x3F65]  }
0x2d: {  	s3 =	simm.s32 $0x108;
	s8 =	sld [smem:$0x3F66]  }
0x2e: {  	s3 =	simm.s32 @!p0 $0x1082;
	s9 =	sld [smem:$0x3F67]  }
0x2f: {  	lr =	sadd.s32 s0, s3;
	s0 =	sld [smem:$0x3F5E]  }
0x30: {  	s3 =	sld [smem:$0x3F61]  }
0x31: {  	[smem:$0x3F6A] =	sst s10  }
0x32: {  	s10 =	sld [smem:$0x3F68];
	_ =	sdelay $0x3  }
0x33: {  	p0 =	seq.s32 s10, $0x1;
	s10 =	sld [smem:$0x3F6A];
	_ =	sdelay $0x3  }
0x34: {  	[smem:$0x3F6A] =	sst s10  }
0x35: {  	s10 =	sld [smem:$0x3F69];
	_ =	sdelay $0x3  }
0x36: {  	p1 =	seq.s32 s10, $0x1;
	s10 =	sld [smem:$0x3F6A];
	_ =	sdelay $0x3  }
0x37: {  	[smem:$0x3F6A] =	sst s10  }
0x38: {  	s10 =	sld [smem:$0x3F6B]  }
0x39: {  	_ = 	snop;
	(pc) =	sbr.ind lr, $3  }
0x3a: {  	_ = 	snop  }
0x3b: {  	_ = 	snop  }
0x3c: {  	p2 =	seq.s32 s10, $0x1;
	s10 =	sld [smem:$0x3F6A]  }
0x3d: {  	_ =	shalt  }
0x3e: {  	_ =	shalt  }
0x3f: {  	_ =	shalt  }
0x40: {  	_ =	shalt  }
0x41: {  	_ =	shalt  }
0x42: {  	_ =	shalt  }
0x43: {  	_ =	shalt  }
0x44: {  	_ =	shalt  }
0x45: {  	_ =	shalt  }
0x46: {  	_ =	shalt  }
0x47: {  	_ =	shalt  }
0x48: {  	_ =	shalt  }
0x49: {  	_ =	shalt  }
0x4a: {  	_ =	shalt  }
0x4b: {  	_ =	shalt  }
0x4c: {  	_ =	shalt  }
0x4d: {  	_ =	shalt  }
0x4e: {  	_ =	shalt  }
0x4f: {  	_ =	shalt  }
0x50: {  	_ =	shalt  }
0x51: {  	_ =	shalt  }
0x52: {  	_ =	shalt  }
0x53: {  	_ =	shalt  }
0x54: {  	_ =	shalt  }
0x55: {  	_ =	shalt  }
0x56: {  	_ =	shalt  }
0x57: {  	_ =	shalt  }
0x58: {  	_ =	shalt  }
0x59: {  	_ =	shalt  }
0x5a: {  	_ =	shalt  }
0x5b: {  	_ =	shalt  }
0x5c: {  	_ =	shalt  }
0x5d: {  	_ =	shalt  }
0x5e: {  	_ =	shalt  }
0x5f: {  	_ =	shalt  }
0x60: {  	_ =	shalt  }
0x61: {  	_ =	shalt  }
0x62: {  	_ =	shalt  }
0x63: {  	_ =	shalt  }
0x64: {  	_ =	shalt  }
0x65: {  	_ =	shalt  }
0x66: {  	_ =	shalt  }
0x67: {  	_ =	shalt  }
0x68: {  	_ =	shalt  }
0x69: {  	_ =	shalt  }
0x6a: {  	_ =	shalt  }
0x6b: {  	_ =	shalt  }
0x6c: {  	_ =	shalt  }
0x6d: {  	_ =	shalt  }
0x6e: {  	_ =	shalt  }
0x6f: {  	_ =	shalt  }
0x70: {  	_ =	shalt  }
0x71: {  	_ =	shalt  }
0x72: {  	_ =	shalt  }
0x73: {  	_ =	shalt  }
0x74: {  	_ =	shalt  }
0x75: {  	_ =	shalt  }
0x76: {  	_ =	shalt  }
0x77: {  	_ =	shalt  }
0x78: {  	_ =	shalt  }
0x79: {  	_ =	shalt  }
0x7a: {  	_ =	shalt  }
0x7b: {  	_ =	shalt  }
0x7c: {  	_ =	shalt  }
0x7d: {  	_ =	shalt  }
0x7e: {  	_ =	shalt  }
0x7f: {  	_ =	shalt  }
0x80: {  	_ =	shalt  }
0x81: {  	_ =	shalt  }
0x82: {  	_ =	shalt  }
0x83: {  	_ =	shalt  }
0x84: {  	_ =	shalt  }
0x85: {  	_ =	shalt  }
0x86: {  	_ =	shalt  }
0x87: {  	_ =	shalt  }
.Lfunc_end0:
.L_simem_size_0:
called_computation.3_lowered:
.L_overlay_start_0:
0x88: {  	s0 =	sld [smem:$0x3FD9]  }
0x89: {  	s1 =	sld [smem:$0x3FFE];
	_ =	sdelay $0x3  }
0x8a: {  	s0 =	sadd.s32 s1, s0  }
0x8b: {  	[smem:$0x3F76] =	sst s0  }
0x8c: {  	_ = 	snop  }
0x8d: {  	s0 =	sld [smem:$0x3FD0];
	_ =	sdelay $0x2  }
0x8e: {  	s14 =	simm.s32 $0xC;
	s2 =	simm.s32 $0x10  }
0x8f: {  	[smem:s2], [sflag:s14] =	dma.local [hbm:s0], $0x1  }
0x90: {  	_ =	swait.eq [sflag:s14], $0x1  }
0x91: {  	s15 =	sld [smem:$0x10];
	[sflag:s14] =	ssyncset.done $0x0  }
0x92: {  	s16 =	sld [smem:$0x11];
	[sflag:s14] =	ssyncadd.s32 $0xFFFFFFFF  }
0x93: {  	s17 =	sld [smem:$0x12];
	(tm) =	ssettm $0x1  }
0x94: {  	s3 =	sld [smem:$0x3FFB];
	_ =	sdelay $0x3  }
0x95: {  	_ =	strace s3  }
0x96: {  	s3 =	sld [smem:$0x3FFC];
	_ =	sdelay $0x3  }
0x97: {  	_ =	strace s3  }
0x98: {  	s3 =	sld [smem:$0x3FFD];
	_ =	sdelay $0x3  }
0x99: {  	_ =	strace s3  }
0x9a: {  	_ =	strace $0x8FFFFFFF  }
0x9b: {  	s18 =	sld [smem:$0x3FDB];
	_ =	sdelay $0x1  }
0x9c: {  	s4 =	simm.s32 $_scs_section_size  }
0x9d: {  	s5 =	simm.s32 $_size__tile_overlayer_lowered;
	s6 =	simm.s32 $_tile_overlayer_lowered  }
0x9e: {  	s21 =	simm.s32 $0x1BFF;
	s20 =	sshll.u32 s6, $0x1;
	s3 =	sadd.s32 s4, s18  }
0x9f: {  	s7 =	simm.s32 $0x0;
	s19 =	sshll.u32 s5, $0x1;
	s5 =	sadd.s32 s20, s3  }
0xa0: {  	[timem:s7], [sflag:s21] =	dma.local [hbm:s5], s19  }
0xa1: {  	_ =	swait.ge [sflag:s21], s19  }
0xa2: {  	s4 =	ssub.s32 $0x0, s19;
	[sflag:s21] =	ssyncset.done $0x0  }
0xa3: {  	[sflag:s21] =	ssyncadd.s32 s4;
	_ =	sdelay $0x1  }
0xa4: {  	s22 =	simm.s32 $0x1B8B  }
0xa5: {  	_ =	swait.ge [sflag:s22], $0x1  }
0xa6: {  	[sflag:s22] =	ssyncset.done $0x0  }
0xa7: {  	s23 =	simm.s32 $0x1B8E;
	[sflag:s22] =	ssyncadd.s32 $0xFFFFFFFF  }
0xa8: {  	s24 =	simm.s32 $execute0_lowered;
	[smem:$0x3FD2] =	sst s23  }
0xa9: {  	s4 =	sshll.u32 s24, $0x1;
	_ =	strace $0x80000049;
	[dreg:$0x1] =	wrdreg $0xFFFFFFFF  }
0xaa: {  	s25 =	simm.s32 $_size_execute0_lowered;
	s3 =	sadd.s32 s3, s4;
	[dreg:$0x0] =	wrdreg $0x0  }
0xab: {  	s4 =	sshll.u32 s25, $0x1;
	[dreg:$0x2] =	wrdreg s3  }
0xac: {  	[dreg:$0x3] =	wrdreg s4  }
0xad: {  	[dreg:$0x4] =	wrdreg $0xC0  }
0xae: {  	_ =	task [dreg:s7], $0x5FFFF  }
0xaf: {  	[dreg:$0x1] =	wrdreg $0xFFFFFFFF  }
0xb0: {  	[dreg:$0x0] =	wrdreg $0x60  }
0xb1: {  	[dreg:$0x2] =	wrdreg s15  }
0xb2: {  	[dreg:$0x3] =	wrdreg s17  }
0xb3: {  	[dreg:$0x4] =	wrdreg s16  }
0xb4: {  	[dreg:$0x5] =	wrdreg $0x9  }
0xb5: {  	_ =	task.clear_ibuf [dreg:s7], $0x6FFFF;
	_ =	strace $0x90000049  }
0xb6: {  	s26 =	simm.s32 $0x9;
	_ =	strace $0x8000004B  }
0xb7: {  	_ =	swait.ge [sflag:s26], $0x1  }
0xb8: {  	[sflag:s26] =	ssyncadd.s32 $0xFFFFFFFF  }
0xb9: {  	_ =	strace $0x9000004B  }
0xba: {  	_ =	sfence  }
0xbb: {  	s28 =	sld [smem:$0x0];
	_ =	sdelay $0x1  }
0xbc: {  	s29 =	srdreg.scid  }
0xbd: {  	s30 =	sshll.u32 s29, $0xD;
	s31 =	sshrl.u32 s29, $0x2  }
0xbe: {  	s1 =	sand.u32 $0x1, s29;
	s2 =	sand.u32 $0x4000, s30;
	s0 =	sadd.s32 s31, s28  }
0xbf: {  	s1 =	sor.u32 s2, s1;
	s0 =	sshll.u32 s0, $0x11  }
0xc0: {  	s0 =	sor.u32 s0, s1  }
0xc1: {  	s0 =	sadd.s32 $0x8F2B, s0  }
0xc2: {  	[sflag:s0] =	ssyncadd.remote.s32 $0x1  }
0xc3: {  	_ =	sfence.sel $0xFFFF  }
0xc4: {  	[dreg:$0x0] =	wrdreg $0xFFFFFFFF;
	(pc) =	sbr.abs _section_cstart, $3  }
0xc5: {  	[dreg:$0x1] =	wrdreg $0xFFFFFFFF  }
0xc6: {  	_ =	task.clear_ibuf [dreg:s7], $0x2FFFF;
	_ =	strace $0x9FFFFFFF  }
0xc7: {  	(tm) =	ssettm $0x7FFFFFFF  }
tec
execute0_lowered:
.L_overlay_start_1:
0x0: {  	(tag) =	ssettag $0x1  }
0x1: {  	s2 =	rddreg [dreg:$0x0]  }
0x2: {  	s3 =	rddreg [dreg:$0x1]  }
0x3: {  	s4 =	rddreg [dreg:$0x2]  }
0x4: {  	s0 =	rddreg [dreg:$0x3];
	s1 =	stileid.u32  }
0x5: {  	_ =	strace $0x8000004A;
	s6 =	simm.s32 $0x1;
	s7 =	simm.s32 $0x500  }
0x6: {  	s9 =	simm.s32 $0x1;
	s10 =	simm.s32 $0x3;
	s5 =	smul.u32 $0x50, s1  }
0x7: {  	s13 =	simm.s32 $0x0;
	s12 =	simm.s32 $0x0;
	p0 =	slt.u32 s1, $0xA  }
.Ltmp0:
0x8: {  	s7 =	simm.s32 @!p0 $0x0;
	s8 =	ssub.s32 $0x7D0, s5;
	(pc) =	sbr.rel .LBB2_1-.Ltmp0, $4  }
0x9: {  	s9 =	simm.s32 @!p0 $0x0;
	p0 =	sne.s32 s8, s7;
	s8 =	simm.s32 $0x1  }
0xa: {  	[sflag:s6] =	ssyncpa.u1 $0x0;
	s7 =	simm.s32 $0x2;
	s8 =	simm.s32 @!p0 $0x0  }
0xb: {  	s11 =	smov.u32 s5;
	[sflag:s7] =	ssyncpa.u1 $0x0;
	s8 =	sadd.s32 s9, s8  }
0xc: {  	vm0 =	vmmov $0xffff;
	[sflag:s10] =	ssyncpa.u1 $0x0;
	s10 =	simm.s32 $0x0;
	s9 =	sadd.s32 $0x1, s8  }
.LBB2_4:
0xd: {  	v5 =	vld.msk [tilespmem:s18+$0x0 ss:$0x1], $0xffff  }
0xe: {  	v6 =	vand.u32 $0x3, v1;
	v7 =	vshrl.u32 v1, $0x2  }
0xf: {  	v3 =	vor.u32 v4, v3;
	vm1 =	veq.s32 v1, $0x80000000;
	v53 =	vand.u32 $0x3FF, v7  }
0x10: {  	v2 =	vor.u32 v2, v3;
	v54 =	vsel vm1, $0xFFFFFFFF, v6;
	v1 =	vsel vm1, $0xFFFFFFFF, v53  }
0x11: {  	v6 =	vshll.u32 v54, $0x7;
	v3 =	vand.u32 $0xFFFFF000, v54;
	v55 =	vand.u32 $0x7F, v1  }
0x12: {  	v1 =	vshll.u32 v1, $0x2;
	v6 =	vand.u32 $0x180, v6;
	v56 =	vshrl.u32 v5, $0x2  }
0x13: {  	v1 =	vand.u32 $0xFFFFFE00, v1;
	vm1 =	veq.s32 v5, $0x80000000;
	v57 =	vand.u32 $0x3FF, v56  }
0x14: {  	v1 =	vadd.s32 v3, v1;
	v5 =	vand.u32 $0x3, v5;
	v3 =	vsel vm1, $0xFFFFFFFF, v57  }
0x15: {  	v1 =	vor.u32 v6, v1;
	v5 =	vsel vm1, $0xFFFFFFFF, v5;
	v58 =	vshll.u32 v3, $0x2  }
0x16: {  	v59 =	vshll.u32 v5, $0x7;
	v5 =	vand.u32 $0xFFFFF000, v5;
	v6 =	vand.u32 $0xFFFFFE00, v58  }
0x17: {  	v1 =	vor.u32 v55, v1;
	v61 =	vand.u32 $0x180, v59;
	v60 =	vadd.s32 v5, v6  }
0x18: {  	[tilespmem:s16], [sflag:$0x1] =	stream.indirect_vreg.gather [hbm4b:s2+s10], $0x1, v0, vm0, $0x4038;
	v62 =	vand.u32 $0x7F, v3;
	v63 =	vor.u32 v61, v60;
	[tilespmem:$0x140] =	vst v63  }
0x19: {  	(ifvalue) =	ssetifvalue $0x7FFFFFFF;
	v0 =	vor.u32 v62, v63  }
0x1a: {  	[tilespmem:s15], [sflag:$0x1] =	stream.indirect_vreg.gather [hbm4b:s2+s10], $0x1, v2, vm0, $0x4038;
	[tilespmem:$0x140] =	vst v63  }
0x1b: {  	s29 =	sadd.s32 $0x10, s15;
	(ifvalue) =	ssetifvalue $0x7FFFFFFF  }
0x1c: {  	[tilespmem:s29], [sflag:$0x1] =	stream.indirect_vreg.gather [hbm4b:s2+s10], $0x1, v1, vm0, $0x4038;
	[tilespmem:$0x140] =	vst v63  }
0x1d: {  	s15 =	sadd.s32 $0x10, s29;
	(ifvalue) =	ssetifvalue $0x7FFFFFFF  }
0x1e: {  	[tilespmem:s15], [sflag:$0x1] =	stream.indirect_vreg.gather [hbm4b:s2+s10], $0x1, v0, vm0, $0x4038;
	[tilespmem:$0x140] =	vst v63  }
0x1f: {  	_ =	swait.ge [sflag:s6], $0x50  }
0x20: {  	s30 =	sshrl.u32 s13, $0x3;
	[sflag:s6] =	ssyncset.done $0x0  }
0x21: {  	s31 =	sand.u32 $0x7, s13;
	s15 =	sadd.s32 s4, s30;
	[sflag:s6] =	ssyncadd.s32 $0xFFFFFFB0  }
0x22: {  	[hbm4b:s15+s31] =	stream.linear.scatter [tilespmem:s14], [sflag:$0x3], $0x50, $0x38;
	[tilespmem:$0x140] =	vst v63  }
.LBB2_5:
0x23: {  	s15 =	sadd.s32 $0x500, s11  }
0x24: {  	p1 =	sgt.s32 s15, $0x7CF  }
0x25: {  	s15 =	smov.u32 @p1 s5;
	p1 =	sne.s32 s12, s9  }
.Ltmp1:
0x26: {  	p0 =	slt.u32 s12, $0x2;
	(pc) =	sbr.rel @!p1 .LBB2_6-.Ltmp1, $4  }
0x27: {  	s14 =	simm.s32 @!p0 $0x3  }
0x28: {  	_ =	swait.ge @!p0 [sflag:s14], $0x50  }
0x29: {  	s16 =	sadd.s32 $0x1, s12;
	s13 =	smov.u32 s11;
	[sflag:s14] =	ssyncset.done @!p0 $0x0  }
0x2a: {  	s12 =	smov.u32 s16;
	s11 =	smov.u32 s15;
	[sflag:s14] =	ssyncadd.s32 @!p0 $0xFFFFFFB0  }
.LBB2_1:
0x2b: {  	p0 =	sge.u32 s12, s8  }
0x2c: {  	s14 =	sxor.u32 @!p0 $0x1, s12  }
0x2d: {  	s14 =	smul.u32 @!p0 $0x140, s14  }
0x2e: {  	s31 =	sadd.s32 $0xFFFFFFFF, s12;
	s15 =	sshrl.u32 @!p0 s11, $0x3  }
0x2f: {  	s16 =	sand.u32 @!p0 $0x7, s11;
	s15 =	sadd.s32 @!p0 s3, s15;
	s14 =	sshra.s32 @!p0 s14, $0x2  }
0x30: {  	[tilespmem:s14], [sflag:$0x2] =	stream.linear.gather @!p0 [hbm4b:s15+s16], $0x50, $0x38;
	[tilespmem:$0x140] =	vst v63  }
0x31: {  	p0 =	sge.u32 s31, s8  }
.Ltmp2:
0x32: {  	_ = 	snop;
	(pc) =	sbr.rel @p0 .LBB2_5-.Ltmp2, $1  }
0x33: {  	_ =	sdelay $0x3  }
0x34: {  	s14 =	sand.u32 $0x1, s12  }
0x35: {  	_ =	swait.ge [sflag:s7], $0x50;
	p0 =	seq.s32 s14, $0x1;
	s14 =	simm.s32 $0x50  }
0x36: {  	[sflag:s7] =	ssyncset.done $0x0;
	s14 =	simm.s32 @!p0 $0x0  }
0x37: {  	[sflag:s7] =	ssyncadd.s32 $0xFFFFFFB0;
	(ifvalue) =	ssetifvalue $0x7FFFFFFF;
	v0 =	vld.msk [tilespmem:s14+$0x0 ss:$0x1], $0xffff;
	_ =	sdelay $0x4  }
0x38: {  	s15 =	sadd.s32 $0x10, s14;
	v2 =	vshrl.u32 v0, $0x2  }
0x39: {  	v1 =	vld.msk [tilespmem:s15+$0x0 ss:$0x1], $0xffff;
	vm1 =	veq.s32 v0, $0x80000000;
	v2 =	vand.u32 $0x3FF, v2  }
0x3a: {  	v0 =	vand.u32 $0x3, v0;
	v2 =	vsel vm1, $0xFFFFFFFF, v2  }
0x3b: {  	v0 =	vsel vm1, $0xFFFFFFFF, v0;
	v3 =	vshll.u32 v2, $0x2  }
0x3c: {  	v4 =	vand.u32 $0xFFFFF000, v0;
	v0 =	vshll.u32 v0, $0x7;
	v3 =	vand.u32 $0xFFFFFE00, v3  }
0x3d: {  	v0 =	vand.u32 $0x180, v0;
	v3 =	vadd.s32 v4, v3  }
0x3e: {  	v2 =	vand.u32 $0x7F, v2;
	v4 =	vshrl.u32 v1, $0x2;
	v0 =	vor.u32 v0, v3  }
0x3f: {  	vm1 =	veq.s32 v1, $0x80000000;
	v4 =	vand.u32 $0x3FF, v4;
	v0 =	vor.u32 v2, v0  }
0x40: {  	s15 =	sadd.s32 $0x10, s15;
	v1 =	vand.u32 $0x3, v1;
	v3 =	vsel vm1, $0xFFFFFFFF, v4  }
0x41: {  	s14 =	sor.u32 $0xA0, s14;
	v2 =	vsel vm1, $0xFFFFFFFF, v1;
	v1 =	vld.msk [tilespmem:s15+$0x0 ss:$0x1], $0xffff;
	v4 =	vshll.u32 v3, $0x2  }
0x42: {  	s17 =	simm.s32 $0x30;
	s16 =	smov.u32 s14;
	v5 =	vshll.u32 v2, $0x7;
	v6 =	vand.u32 $0xFFFFF000, v2;
	v4 =	vand.u32 $0xFFFFFE00, v4  }
0x43: {  	s18 =	sadd.s32 $0x10, s15;
	(ifvalue) =	ssetifvalue $0x7FFFFFFF;
	s15 =	sadd.s32 $0x10, s14;
	v2 =	vand.u32 $0x7F, v3;
	v3 =	vadd.s32 v6, v4;
	v4 =	vand.u32 $0x180, v5  }
.LBB2_3:
0x44: {  	[tilespmem:s16], [sflag:$0x1] =	stream.indirect_vreg.gather [hbm4b:s2+s10], $0x1, v0, vm0, $0x4038;
	[tilespmem:$0x140] =	vst v63  }
0x45: {  	s17 =	sadd.s32 $0x10, s17  }
0x46: {  	v5 =	vand.u32 $0x3, v1;
	v6 =	vshrl.u32 v1, $0x2;
	v3 =	vor.u32 v4, v3;
	v0 =	vmovc v1;
	v1 =	vld.msk [tilespmem:s18+$0x0 ss:$0x1], $0xffff;
	p0 =	slt.u32 s17, $0x40  }
.Ltmp3:
0x47: {  	s16 =	smov.u32 s15;
	vm1 =	veq.s32 v0, $0x80000000;
	v4 =	vand.u32 $0x3FF, v6;
	v0 =	vor.u32 v2, v3;
	(pc) =	sbr.rel @p0 .LBB2_3-.Ltmp3, $4  }
0x48: {  	v3 =	vsel vm1, $0xFFFFFFFF, v5;
	v4 =	vsel vm1, $0xFFFFFFFF, v4  }
0x49: {  	v2 =	vand.u32 $0x7F, v4;
	v4 =	vshll.u32 v4, $0x2;
	v5 =	vshll.u32 v3, $0x7  }
0x4a: {  	v3 =	vand.u32 $0xFFFFF000, v3;
	v4 =	vand.u32 $0xFFFFFE00, v4  }
0x4b: {  	s18 =	sadd.s32 $0x10, s18;
	s15 =	sadd.s32 $0x10, s15;
	v3 =	vadd.s32 v3, v4;
	v4 =	vand.u32 $0x180, v5;
	(ifvalue) =	ssetifvalue $0x7FFFFFFF  }
.Ltmp4:
0x4c: {  	_ = 	snop;
	(pc) =	sbr.rel .LBB2_4-.Ltmp4, $1  }
0x4d: {  	_ =	sdelay $0x3  }
.LBB2_6:
0x4e: {  	_ =	sfence.sel $0x180000  }
0x4f: {  	s2 =	simm.s32 $0x2;
	[bflag:$0x0] =	sbarrier.arrive $0xFFFF  }
0x50: {  	s30 =	simm.s32 $0x3;
	[sflag:s2] =	ssyncpa.u1 $0x1  }
0x51: {  	s31 =	simm.s32 $0x1;
	[sflag:s30] =	ssyncpa.u1 $0x1  }
0x52: {  	[sflag:s31] =	ssyncpa.u1 $0x1  }
0x53: {  	p0 =	sne.s32 s1, $0x0;
	_ =	strace $0x9000004A  }
0x54: {  	s0 =	sadd.s32 @!p0 $0x100000, s0;
	[bflag:$0x2] =	sbarrier.arrive $0xFFFF  }
0x55: {  	[sflag:s0] =	ssyncadd.tile.s32 @!p0 $0x1;
	_ =	shalt  }
.Lfunc_end2:
_tile_overlayer_lowered:
.L_overlay_start_2:
0x56: {  	(tag) =	ssettag $0x2  }
0x57: {  	s0 =	rddreg [dreg:$0x0];
	s2 =	stileid.u32  }
0x58: {  	s1 =	rddreg [dreg:$0x1];
	p0 =	sne.s32 s2, $0x0  }
0x59: {  	s3 =	rddreg [dreg:$0x2];
	[bflag:$0x3] =	sbarrier.arrive $0xFFFF;
	s2 =	simm.s32 @!p0 $0x1C01  }
0x5a: {  	[timem:s3], [sflag:s2] =	dma.local @!p0 [hbm:s0], s1  }
0x5b: {  	s0 =	simm.s32 @!p0 $0x1  }
0x5c: {  	_ =	swait.ge @!p0 [sflag:s0], s1  }
0x5d: {  	s1 =	ssub.s32 @!p0 $0x0, s1;
	[sflag:s0] =	ssyncset.done @!p0 $0x0  }
0x5e: {  	[sflag:s0] =	ssyncadd.s32 @!p0 s1  }
0x5f: {  	[bflag:$0x3] =	sbarrier.arrive $0xFFFF  }
0x60: {  	_ =	shalt  }

// kernel: gather_offload_async_start
scs
__scs_entry_jumppad:
0x0: {  	(pc) =	sbr.rel $0x88, $3  }
0x1: {  	(tag) =	ssettag $0x0;
	lr =	simm.s32 $0x1  }
0x2: {  	[smem:$0x3F4F] =	sst lr;
	_ =	strace $0xD0000000  }
0x3: {  	_ = 	snop  }
0x4: {  	_ = 	snop  }
0x5: {  	_ = 	snop  }
0x6: {  	_ = 	snop  }
0x7: {  	_ = 	snop  }
__scs_overlays_trampoline_lowered:
0x8: {  	[smem:$0x3F5E] =	sst s0  }
0x9: {  	[smem:$0x3F5F] =	sst s1  }
0xa: {  	[smem:$0x3F60] =	sst s2  }
0xb: {  	[smem:$0x3F61] =	sst s3  }
0xc: {  	[smem:$0x3F62] =	sst s4  }
0xd: {  	[smem:$0x3F63] =	sst s5  }
0xe: {  	[smem:$0x3F64] =	sst s6  }
0xf: {  	[smem:$0x3F65] =	sst s7  }
0x10: {  	[smem:$0x3F66] =	sst s8  }
0x11: {  	[smem:$0x3F67] =	sst s9;
	s0 =	simm.s32 @!p0 $0x0  }
0x12: {  	s1 =	sld [smem:$0x3F4D];
	s0 =	simm.s32 @p0 $0x1  }
0x13: {  	[smem:$0x3F68] =	sst s0;
	s0 =	simm.s32 @!p1 $0x0  }
0x14: {  	s2 =	sld [smem:$0x3F4C];
	s0 =	simm.s32 @p1 $0x1  }
0x15: {  	[smem:$0x3F69] =	sst s0;
	s0 =	simm.s32 @!p2 $0x0  }
0x16: {  	s3 =	sld [smem:$0x3FDB];
	s0 =	simm.s32 @p2 $0x1  }
0x17: {  	s4 =	simm.s32 $0x1BF5;
	[smem:$0x3F6B] =	sst s0  }
0x18: {  	s0 =	sld [smem:$0x3F4E];
	_ =	swait.ge [sflag:s4], $0x0  }
0x19: {  	s7 =	sld [smem:$0x3F4F]  }
0x1a: {  	s8 =	sadd.s32 $0xFFFFE003, lr  }
0x1b: {  	s9 =	sadd.s32 $0xFFFFFEF7, lr;
	s5 =	simm.s32 $0xFFFFFFFF;
	p2 =	slt.u32 s8, $0xFFFFF086  }
0x1c: {  	p1 =	slt.u32 s9, $0xF7A;
	s5 =	simm.s32 @!p2 $0x0  }
0x1d: {  	s5 =	simm.s32 @p1 $0x1;
	p0 =	seq.s32 s7, s2  }
0x1e: {  	s7 =	smul.u32 @!p0 $0xF7A, s2;
	p2 =	seq.s32 @!p0 s5, $0x0  }
0x1f: {  	s9 =	smul.u32 $0xF7A, s1;
	s8 =	simm.s32 @!p0 $0x1BF5;
	p2 =	por !p2, p0  }
0x20: {  	[sflag:s8] =	ssyncset.s32 @!p0 $0xFFFFF086;
	s6 =	sadd.s32 @!p0 s3, s7;
	s7 =	simm.s32 @!p0 $0x108  }
0x21: {  	s3 =	sadd.s32 s3, s9;
	s6 =	sadd.s32 @!p0 $0x88, s6;
	s7 =	simm.s32 @p2 $0x1082  }
0x22: {  	[simem:s7], [sflag:s8] =	dma.local @!p0 [hbm:s6], $0xF7A  }
0x23: {  	s9 =	sor.u32 $0xD0000000, s2;
	s6 =	simm.s32 $0x108;
	_ =	swait.ge @!p0 [sflag:s8], $0x0  }
0x24: {  	s3 =	sadd.s32 $0x88, s3;
	s6 =	simm.s32 @!p1 $0x1082;
	[sflag:s4] =	ssyncset.s32 $0xFFFFF086  }
0x25: {  	[simem:s6], [sflag:s4] =	dma.local [hbm:s3], $0xF7A  }
0x26: {  	[smem:$0x3F4F] =	sst s1;
	(tag) =	ssettag s2;
	_ =	strace s9  }
0x27: {  	s1 =	sld [smem:$0x3F5F]  }
0x28: {  	s2 =	sld [smem:$0x3F60]  }
0x29: {  	s4 =	sld [smem:$0x3F62]  }
0x2a: {  	p0 =	seq.s32 s5, $0x0;
	s5 =	sld [smem:$0x3F63]  }
0x2b: {  	s6 =	sld [smem:$0x3F64]  }
0x2c: {  	s7 =	sld [smem:$0x3F65]  }
0x2d: {  	s3 =	simm.s32 $0x108;
	s8 =	sld [smem:$0x3F66]  }
0x2e: {  	s3 =	simm.s32 @!p0 $0x1082;
	s9 =	sld [smem:$0x3F67]  }
0x2f: {  	lr =	sadd.s32 s0, s3;
	s0 =	sld [smem:$0x3F5E]  }
0x30: {  	s3 =	sld [smem:$0x3F61]  }
0x31: {  	[smem:$0x3F6A] =	sst s10  }
0x32: {  	s10 =	sld [smem:$0x3F68];
	_ =	sdelay $0x3  }
0x33: {  	p0 =	seq.s32 s10, $0x1;
	s10 =	sld [smem:$0x3F6A];
	_ =	sdelay $0x3  }
0x34: {  	[smem:$0x3F6A] =	sst s10  }
0x35: {  	s10 =	sld [smem:$0x3F69];
	_ =	sdelay $0x3  }
0x36: {  	p1 =	seq.s32 s10, $0x1;
	s10 =	sld [smem:$0x3F6A];
	_ =	sdelay $0x3  }
0x37: {  	[smem:$0x3F6A] =	sst s10  }
0x38: {  	s10 =	sld [smem:$0x3F6B]  }
0x39: {  	_ = 	snop;
	(pc) =	sbr.ind lr, $3  }
0x3a: {  	_ = 	snop  }
0x3b: {  	_ = 	snop  }
0x3c: {  	p2 =	seq.s32 s10, $0x1;
	s10 =	sld [smem:$0x3F6A]  }
0x3d: {  	_ =	shalt  }
0x3e: {  	_ =	shalt  }
0x3f: {  	_ =	shalt  }
0x40: {  	_ =	shalt  }
0x41: {  	_ =	shalt  }
0x42: {  	_ =	shalt  }
0x43: {  	_ =	shalt  }
0x44: {  	_ =	shalt  }
0x45: {  	_ =	shalt  }
0x46: {  	_ =	shalt  }
0x47: {  	_ =	shalt  }
0x48: {  	_ =	shalt  }
0x49: {  	_ =	shalt  }
0x4a: {  	_ =	shalt  }
0x4b: {  	_ =	shalt  }
0x4c: {  	_ =	shalt  }
0x4d: {  	_ =	shalt  }
0x4e: {  	_ =	shalt  }
0x4f: {  	_ =	shalt  }
0x50: {  	_ =	shalt  }
0x51: {  	_ =	shalt  }
0x52: {  	_ =	shalt  }
0x53: {  	_ =	shalt  }
0x54: {  	_ =	shalt  }
0x55: {  	_ =	shalt  }
0x56: {  	_ =	shalt  }
0x57: {  	_ =	shalt  }
0x58: {  	_ =	shalt  }
0x59: {  	_ =	shalt  }
0x5a: {  	_ =	shalt  }
0x5b: {  	_ =	shalt  }
0x5c: {  	_ =	shalt  }
0x5d: {  	_ =	shalt  }
0x5e: {  	_ =	shalt  }
0x5f: {  	_ =	shalt  }
0x60: {  	_ =	shalt  }
0x61: {  	_ =	shalt  }
0x62: {  	_ =	shalt  }
0x63: {  	_ =	shalt  }
0x64: {  	_ =	shalt  }
0x65: {  	_ =	shalt  }
0x66: {  	_ =	shalt  }
0x67: {  	_ =	shalt  }
0x68: {  	_ =	shalt  }
0x69: {  	_ =	shalt  }
0x6a: {  	_ =	shalt  }
0x6b: {  	_ =	shalt  }
0x6c: {  	_ =	shalt  }
0x6d: {  	_ =	shalt  }
0x6e: {  	_ =	shalt  }
0x6f: {  	_ =	shalt  }
0x70: {  	_ =	shalt  }
0x71: {  	_ =	shalt  }
0x72: {  	_ =	shalt  }
0x73: {  	_ =	shalt  }
0x74: {  	_ =	shalt  }
0x75: {  	_ =	shalt  }
0x76: {  	_ =	shalt  }
0x77: {  	_ =	shalt  }
0x78: {  	_ =	shalt  }
0x79: {  	_ =	shalt  }
0x7a: {  	_ =	shalt  }
0x7b: {  	_ =	shalt  }
0x7c: {  	_ =	shalt  }
0x7d: {  	_ =	shalt  }
0x7e: {  	_ =	shalt  }
0x7f: {  	_ =	shalt  }
0x80: {  	_ =	shalt  }
0x81: {  	_ =	shalt  }
0x82: {  	_ =	shalt  }
0x83: {  	_ =	shalt  }
0x84: {  	_ =	shalt  }
0x85: {  	_ =	shalt  }
0x86: {  	_ =	shalt  }
0x87: {  	_ =	shalt  }
.Lfunc_end0:
.L_simem_size_0:
called_computation_lowered:
.L_overlay_start_0:
0x88: {  	s2 =	sld [smem:$0x3FD9]  }
0x89: {  	s3 =	sld [smem:$0x3FFE];
	_ =	sdelay $0x1  }
0x8a: {  	s1 =	srdreg.scid  }
0x8b: {  	s0 =	sand.u32 $0x1, s1  }
0x8c: {  	s15 =	sshll.u32 s0, $0xA;
	s2 =	sadd.s32 s3, s2  }
0x8d: {  	s2 =	sadd.s32 s2, s15  }
0x8e: {  	[smem:$0x3F76] =	sst s2  }
0x8f: {  	_ = 	snop  }
0x90: {  	s16 =	sld [smem:$0x3FD0];
	_ =	sdelay $0x2  }
0x91: {  	s4 =	simm.s32 $0xC;
	s5 =	simm.s32 $0x10;
	s2 =	sld [smem:$0x3FC9]  }
0x92: {  	[smem:s5], [sflag:s4] =	dma.local [hbm:s16], $0x1  }
0x93: {  	_ =	swait.eq [sflag:s4], $0x1  }
0x94: {  	[sflag:s4] =	ssyncset.done $0x0  }
0x95: {  	[sflag:s4] =	ssyncadd.s32 $0xFFFFFFFF  }
0x96: {  	s17 =	sld [smem:$0x12];
	(tm) =	ssettm $0x1  }
0x97: {  	s18 =	sld [smem:$0x3FFB];
	_ =	sdelay $0x3  }
0x98: {  	_ =	strace s18  }
0x99: {  	s3 =	sld [smem:$0x3FFC];
	_ =	sdelay $0x3  }
0x9a: {  	_ =	strace s3  }
0x9b: {  	s3 =	sld [smem:$0x3FFD];
	_ =	sdelay $0x3  }
0x9c: {  	_ =	strace s3  }
0x9d: {  	_ =	strace $0x8FFFFFFF  }
0x9e: {  	s19 =	sld [smem:$0x3FDB];
	_ =	sdelay $0x1  }
0x9f: {  	s20 =	simm.s32 $_scs_section_size  }
0xa0: {  	s6 =	simm.s32 $_size__tile_overlayer_lowered;
	s7 =	simm.s32 $_tile_overlayer_lowered  }
0xa1: {  	s8 =	simm.s32 $0x1BFF;
	s21 =	sshll.u32 s7, $0x1;
	s5 =	sadd.s32 s20, s19  }
0xa2: {  	s22 =	simm.s32 $0x0;
	s6 =	sshll.u32 s6, $0x1;
	s7 =	sadd.s32 s21, s5  }
0xa3: {  	[timem:s22], [sflag:s8] =	dma.local [hbm:s7], s6  }
0xa4: {  	_ =	swait.ge [sflag:s8], s6  }
0xa5: {  	s6 =	ssub.s32 $0x0, s6;
	[sflag:s8] =	ssyncset.done $0x0  }
0xa6: {  	[sflag:s8] =	ssyncadd.s32 s6;
	_ =	sdelay $0x1  }
0xa7: {  	s23 =	simm.s32 $0x1B8B  }
0xa8: {  	_ =	swait.ge [sflag:s23], $0x1  }
0xa9: {  	[sflag:s23] =	ssyncset.done $0x0  }
0xaa: {  	[sflag:s23] =	ssyncadd.s32 $0xFFFFFFFF  }
0xab: {  	s6 =	sld [smem:$0x0]  }
0xac: {  	s7 =	sand.u32 $0xFFFFFFFE, s1  }
0xad: {  	p0 =	sne.s32 s1, s7  }
0xae: {  	s7 =	sshll.u32 @p0 s7, $0xE  }
0xaf: {  	s7 =	sadd.s32 @p0 $0x11B8D, s7;
	s8 =	sshll.u32 @p0 s6, $0x11  }
0xb0: {  	s7 =	sor.u32 @p0 s8, s7  }
0xb1: {  	[sflag:s7] =	ssyncadd.remote.s32 @p0 $0x1;
	_ =	sdelay $0x1  }
0xb2: {  	s7 =	simm.s32 @p0 $0x1B8D  }
0xb3: {  	_ =	swait.eq @p0 [sflag:s7], $0x1  }
0xb4: {  	[sflag:s7] =	ssyncadd.s32 @p0 $0xFFFFFFFF  }
0xb5: {  	s8 =	sshll.u32 @!p0 s1, $0xE  }
0xb6: {  	s8 =	sor.u32 @!p0 $0x4000, s8;
	s7 =	simm.s32 @!p0 $0x1B8D  }
0xb7: {  	s6 =	sshll.u32 @!p0 s6, $0x11;
	s8 =	sadd.s32 @!p0 $0x11B8D, s8;
	_ =	swait.eq @!p0 [sflag:s7], $0x1  }
0xb8: {  	s6 =	sor.u32 @!p0 s6, s8;
	[sflag:s7] =	ssyncadd.s32 @!p0 $0xFFFFFFFF  }
0xb9: {  	s25 =	simm.s32 $0x1B8E;
	s24 =	sld [smem:$0x3FFE];
	[sflag:s6] =	ssyncadd.remote.s32 @!p0 $0x1  }
0xba: {  	s26 =	simm.s32 $execute0_lowered;
	[smem:$0x3FD2] =	sst s25  }
0xbb: {  	s7 =	sshll.u32 s26, $0x1;
	_ =	strace $0x80000052;
	[dreg:$0x1] =	wrdreg $0xFFFFFFFF  }
0xbc: {  	s28 =	simm.s32 $_size_execute0_lowered;
	s5 =	sadd.s32 s5, s7;
	[dreg:$0x0] =	wrdreg $0x0  }
0xbd: {  	s7 =	sshll.u32 s28, $0x1;
	[dreg:$0x2] =	wrdreg s5  }
0xbe: {  	[dreg:$0x3] =	wrdreg s7  }
0xbf: {  	[dreg:$0x4] =	wrdreg $0xC0  }
0xc0: {  	_ =	task [dreg:s22], $0x5FFFF  }
0xc1: {  	[dreg:$0x1] =	wrdreg $0xFFFFFFFF  }
0xc2: {  	[dreg:$0x0] =	wrdreg $0x60  }
0xc3: {  	[dreg:$0x2] =	wrdreg s2  }
0xc4: {  	[dreg:$0x3] =	wrdreg s17  }
0xc5: {  	[dreg:$0x4] =	wrdreg s24  }
0xc6: {  	[dreg:$0x5] =	wrdreg $0x9  }
0xc7: {  	_ =	task.clear_ibuf [dreg:s22], $0x6FFFF;
	_ =	strace $0x90000052  }
0xc8: {  	s29 =	simm.s32 $0x9;
	_ =	strace $0x80000054  }
0xc9: {  	_ =	swait.ge [sflag:s29], $0x1  }
0xca: {  	[sflag:s29] =	ssyncadd.s32 $0xFFFFFFFF  }
0xcb: {  	_ =	strace $0x90000054  }
0xcc: {  	_ =	sfence  }
0xcd: {  	s30 =	sld [smem:$0x0];
	_ =	sdelay $0x2  }
0xce: {  	s31 =	sshll.u32 s1, $0xD;
	s1 =	sshrl.u32 s1, $0x2  }
0xcf: {  	s4 =	sand.u32 $0x4000, s31;
	s1 =	sadd.s32 s1, s30  }
0xd0: {  	s0 =	sor.u32 s4, s0;
	s1 =	sshll.u32 s1, $0x11  }
0xd1: {  	s0 =	sor.u32 s1, s0  }
0xd2: {  	s0 =	sadd.s32 $0x8F2B, s0  }
0xd3: {  	[sflag:s0] =	ssyncadd.remote.s32 $0x1  }
0xd4: {  	_ =	sfence.sel $0xFFFF  }
0xd5: {  	[dreg:$0x0] =	wrdreg $0xFFFFFFFF;
	(pc) =	sbr.abs _section_cstart, $3  }
0xd6: {  	[dreg:$0x1] =	wrdreg $0xFFFFFFFF  }
0xd7: {  	_ =	task.clear_ibuf [dreg:s22], $0x2FFFF;
	_ =	strace $0x9FFFFFFF  }
0xd8: {  	(tm) =	ssettm $0x7FFFFFFF  }
0xd9: {  	_ =	shalt  }
tec
execute0_lowered:
.L_overlay_start_1:
0x0: {  	(tag) =	ssettag $0x1  }
0x1: {  	s2 =	rddreg [dreg:$0x0]  }
0x2: {  	s3 =	rddreg [dreg:$0x1]  }
0x3: {  	s7 =	rddreg [dreg:$0x2]  }
0x4: {  	s0 =	rddreg [dreg:$0x3];
	s1 =	srdreg.scid;
	_ =	strace $0x80000053  }
0x5: {  	s4 =	simm.s32 $0x1;
	s9 =	simm.s32 $0x3;
	s5 =	sshll.u32 s1, $0x4  }
.Ltmp0:
0x6: {  	s1 =	stileid.u32;
	s5 =	sand.u32 $0x10, s5;
	(pc) =	sbr.rel .LBB2_1-.Ltmp0, $4  }
0x7: {  	s12 =	simm.s32 $0x0;
	s10 =	simm.s32 $0x0;
	s6 =	sor.u32 s1, s5  }
0x8: {  	[sflag:s4] =	ssyncpa.u1 $0x0;
	s5 =	simm.s32 $0x2;
	s6 =	sshll.u32 s6, $0x6  }
0x9: {  	s7 =	sadd.s32 $0x7C00, s7;
	[sflag:s5] =	ssyncpa.u1 $0x0;
	s8 =	sadd.s32 $0x40, s6  }
0xa: {  	vm0 =	vmmov $0xff;
	vm1 =	vcmask $0x3F20;
	[sflag:s9] =	ssyncpa.u1 $0x0;
	s9 =	simm.s32 $0x40;
	s11 =	smov.u32 s6  }
.LBB2_9:
0xb: {  	p0 =	seq.s32 s10, $0x2  }
.Ltmp1:
0xc: {  	_ = 	snop;
	(pc) =	sbr.rel @p0 .LBB2_11-.Ltmp1, $1  }
0xd: {  	_ =	sdelay $0x3  }
.LBB2_10:
0xe: {  	s12 =	sadd.s32 $0x40, s11  }
0xf: {  	s13 =	smov.u32 s6;
	p0 =	slt.s32 s12, s8  }
0x10: {  	s13 =	smov.u32 @p0 s12  }
0x11: {  	s10 =	sadd.s32 $0x1, s10;
	s12 =	smov.u32 s11;
	s11 =	smov.u32 s13  }
.LBB2_1:
0x12: {  	p0 =	sne.s32 s10, $0x0  }
.Ltmp2:
0x13: {  	_ = 	snop;
	(pc) =	sbr.rel @!p0 .LBB2_2-.Ltmp2, $1  }
0x14: {  	_ =	sdelay $0x3  }
0x15: {  	s13 =	sand.u32 $0x1, s10  }
0x16: {  	p0 =	seq.s32 s13, $0x0  }
.Ltmp3:
0x17: {  	_ = 	snop;
	(pc) =	sbr.rel @p0 .LBB2_9-.Ltmp3, $1  }
0x18: {  	_ =	sdelay $0x3  }
0x19: {  	_ =	swait.ge [sflag:s5], $0x40  }
0x1a: {  	[sflag:s5] =	ssyncset.done $0x0  }
0x1b: {  	s13 =	simm.s32 $0x0;
	[sflag:s5] =	ssyncadd.s32 $0xFFFFFFC0  }
0x1c: {  	v0 =	vld.msk [tilespmem:s13+$0x40 ss:$0x1], $0xffff;
	_ =	sdelay $0x4  }
0x1d: {  	vm2 =	vgt.s32 v0, $0x0  }
0x1e: {  	v0 =	vnsel vm2, $0x0, v0  }
0x1f: {  	v0 =	vmin.u32 v0, $0x4E1F  }
0x20: {  	v0 =	vshll.u32 v0, $0x4;
	_ =	sdelay $0x3  }
0x21: {  	s13 =	simm.s32 $0x2080  }
0x22: {  	[tilespmem:s13], [sflag:$0x1] =	stream.indirect_vreg.gather [hbm:s2], $0x80, v0, vm0, $0x38;
	[tilespmem:$0x4080] =	vst v63  }
0x23: {  	s14 =	simm.s32 $0x2480;
	s31 =	simm.s32 $0x10  }
0x24: {  	[tilespmem:s14], [sflag:$0x1] =	stream.indirect_vreg.gather [hbm:s2], $0x80, v0, vm1, $0x38;
	[tilespmem:$0x4080] =	vst v63  }
0x25: {  	s14 =	simm.s32 $0x80;
	v0 =	vld.msk [tilespmem:s31+$0x40 ss:$0x1], $0xffff  }
.LBB2_5:
0x26: {  	p0 =	sne.s32 s14, $0xC0;
	_ =	sdelay $0x4  }
0x27: {  	vm2 =	vgt.s32 v0, $0x0  }
0x28: {  	v0 =	vnsel vm2, $0x0, v0  }
0x29: {  	v0 =	vmin.u32 v0, $0x4E1F  }
0x2a: {  	v0 =	vshll.u32 v0, $0x4;
	_ =	sdelay $0x3  }
.Ltmp4:
0x2b: {  	s13 =	sadd.s32 $0x800, s13;
	(pc) =	sbr.rel @p0 .LBB2_5-.Ltmp4, $4  }
0x2c: {  	[tilespmem:s13], [sflag:$0x1] =	stream.indirect_vreg.gather [hbm:s2], $0x80, v0, vm0, $0x38;
	[tilespmem:$0x4080] =	vst v63  }
0x2d: {  	s15 =	sshra.s32 s14, $0x2;
	s16 =	sadd.s32 $0x400, s13  }
0x2e: {  	[tilespmem:s16], [sflag:$0x1] =	stream.indirect_vreg.gather [hbm:s2], $0x80, v0, vm1, $0x38;
	[tilespmem:$0x4080] =	vst v63  }
0x2f: {  	s14 =	sadd.s32 $0x40, s14;
	v0 =	vld.msk [tilespmem:s15+$0x40 ss:$0x1], $0xffff  }
0x30: {  	_ =	sdelay $0x3  }
0x31: {  	vm2 =	vgt.s32 v0, $0x0  }
0x32: {  	v0 =	vnsel vm2, $0x0, v0  }
0x33: {  	v0 =	vmin.u32 v0, $0x4E1F  }
0x34: {  	v0 =	vshll.u32 v0, $0x4;
	_ =	sdelay $0x3  }
0x35: {  	s13 =	sadd.s32 $0x800, s13  }
0x36: {  	[tilespmem:s13], [sflag:$0x1] =	stream.indirect_vreg.gather [hbm:s2], $0x80, v0, vm0, $0x38;
	[tilespmem:$0x4080] =	vst v63  }
0x37: {  	s13 =	sadd.s32 $0x400, s13  }
0x38: {  	[tilespmem:s13], [sflag:$0x1] =	stream.indirect_vreg.gather [hbm:s2], $0x80, v0, vm1, $0x38;
	[tilespmem:$0x4080] =	vst v63  }
0x39: {  	s12 =	sshll.u32 s12, $0x4;
	s14 =	simm.s32 $0x80;
	_ =	swait.ge [sflag:s4], $0x2000  }
0x3a: {  	s15 =	simm.s32 $0x2480;
	s12 =	sadd.s32 s12, s7;
	[sflag:s4] =	ssyncset.done $0x0  }
0x3b: {  	s16 =	sadd.s32 $0x0, s12;
	s13 =	simm.s32 $0x2080;
	[sflag:s4] =	ssyncadd.s32 $0xFFFFE000  }
.LBB2_7:
0x3c: {  	[hbm:s16] =	stream.linear.scatter [tilespmem:s13], [sflag:$0x3], $0x400, $0x38;
	[tilespmem:$0x4080] =	vst v63  }
0x3d: {  	s16 =	smov.u32 s14;
	s13 =	smov.u32 s15;
	p0 =	sne.s32 s14, $0x380  }
.Ltmp5:
0x3e: {  	s14 =	sadd.s32 $0x80, s14;
	(pc) =	sbr.rel @p0 .LBB2_7-.Ltmp5, $2  }
0x3f: {  	_ =	sdelay $0x2  }
0x40: {  	s15 =	sadd.s32 $0x400, s15;
	s16 =	sadd.s32 s16, s12  }
.Ltmp6:
0x41: {  	(pc) =	sbr.rel .LBB2_9-.Ltmp6, $2  }
0x42: {  	_ =	sdelay $0x2  }
0x43: {  	[hbm:s16] =	stream.linear.scatter [tilespmem:s13], [sflag:$0x3], $0x400, $0x38;
	[tilespmem:$0x4080] =	vst v63  }
.LBB2_2:
.Ltmp7:
0x44: {  	(pc) =	sbr.rel .LBB2_10-.Ltmp7, $4  }
0x45: {  	_ = 	snop  }
0x46: {  	s12 =	sshrl.u32 s11, $0x3  }
0x47: {  	s13 =	sand.u32 $0x7, s11;
	s12 =	sadd.s32 s3, s12  }
0x48: {  	[tilespmem:s9], [sflag:$0x2] =	stream.linear.gather [hbm4b:s12+s13], $0x40, $0x38;
	[tilespmem:$0x4080] =	vst v63  }
.LBB2_11:
0x49: {  	s2 =	simm.s32 $0x3  }
0x4a: {  	_ =	swait.ge [sflag:s2], $0x2000  }
0x4b: {  	[sflag:s2] =	ssyncset.done $0x0  }
0x4c: {  	[sflag:s2] =	ssyncadd.s32 $0xFFFFE000  }
0x4d: {  	_ =	sfence.sel $0x180000  }
0x4e: {  	s3 =	simm.s32 $0x2;
	[bflag:$0x0] =	sbarrier.arrive $0xFFFF  }
0x4f: {  	[sflag:s3] =	ssyncpa.u1 $0x1  }
0x50: {  	s31 =	simm.s32 $0x1;
	[sflag:s2] =	ssyncpa.u1 $0x1  }
0x51: {  	[sflag:s31] =	ssyncpa.u1 $0x1  }
0x52: {  	p0 =	sne.s32 s1, $0x0;
	_ =	strace $0x90000053  }
0x53: {  	s0 =	sadd.s32 @!p0 $0x100000, s0;
	[bflag:$0x2] =	sbarrier.arrive $0xFFFF  }
0x54: {  	[sflag:s0] =	ssyncadd.tile.s32 @!p0 $0x1;
	_ =	shalt  }
.Lfunc_end2:
_tile_overlayer_lowered:
.L_overlay_start_2:
0x55: {  	(tag) =	ssettag $0x2  }
0x56: {  	s0 =	rddreg [dreg:$0x0];
	s2 =	stileid.u32  }
0x57: {  	s1 =	rddreg [dreg:$0x1];
	p0 =	sne.s32 s2, $0x0  }
0x58: {  	s3 =	rddreg [dreg:$0x2];
	[bflag:$0x3] =	sbarrier.arrive $0xFFFF;
	s2 =	simm.s32 @!p0 $0x1C01  }
0x59: {  	[timem:s3], [sflag:s2] =	dma.local @!p0 [hbm:s0], s1  }
0x5a: {  	s0 =	simm.s32 @!p0 $0x1  }
0x5b: {  	_ =	swait.ge @!p0 [sflag:s0], s1  }
0x5c: {  	s1 =	ssub.s32 @!p0 $0x0, s1;
	[sflag:s0] =	ssyncset.done @!p0 $0x0  }
0x5d: {  	[sflag:s0] =	ssyncadd.s32 @!p0 s1  }
0x5e: {  	[bflag:$0x3] =	sbarrier.arrive $0xFFFF  }
0x5f: {  	_ =	shalt  }

// kernel: kernel.6.cloned.1.call-start
scs
__scs_entry_jumppad:
0x0: {  	(pc) =	sbr.rel $0x88, $3  }
0x1: {  	(tag) =	ssettag $0x0;
	lr =	simm.s32 $0x1  }
0x2: {  	[smem:$0x3F4F] =	sst lr;
	_ =	strace $0xD0000000  }
0x3: {  	_ = 	snop  }
0x4: {  	_ = 	snop  }
0x5: {  	_ = 	snop  }
0x6: {  	_ = 	snop  }
0x7: {  	_ = 	snop  }
__scs_overlays_trampoline_lowered:
0x8: {  	[smem:$0x3F5E] =	sst s0  }
0x9: {  	[smem:$0x3F5F] =	sst s1  }
0xa: {  	[smem:$0x3F60] =	sst s2  }
0xb: {  	[smem:$0x3F61] =	sst s3  }
0xc: {  	[smem:$0x3F62] =	sst s4  }
0xd: {  	[smem:$0x3F63] =	sst s5  }
0xe: {  	[smem:$0x3F64] =	sst s6  }
0xf: {  	[smem:$0x3F65] =	sst s7  }
0x10: {  	[smem:$0x3F66] =	sst s8  }
0x11: {  	[smem:$0x3F67] =	sst s9;
	s0 =	simm.s32 @!p0 $0x0  }
0x12: {  	s1 =	sld [smem:$0x3F4D];
	s0 =	simm.s32 @p0 $0x1  }
0x13: {  	[smem:$0x3F68] =	sst s0;
	s0 =	simm.s32 @!p1 $0x0  }
0x14: {  	s2 =	sld [smem:$0x3F4C];
	s0 =	simm.s32 @p1 $0x1  }
0x15: {  	[smem:$0x3F69] =	sst s0;
	s0 =	simm.s32 @!p2 $0x0  }
0x16: {  	s3 =	sld [smem:$0x3FDB];
	s0 =	simm.s32 @p2 $0x1  }
0x17: {  	s4 =	simm.s32 $0x1BF5;
	[smem:$0x3F6B] =	sst s0  }
0x18: {  	s0 =	sld [smem:$0x3F4E];
	_ =	swait.ge [sflag:s4], $0x0  }
0x19: {  	s7 =	sld [smem:$0x3F4F]  }
0x1a: {  	s8 =	sadd.s32 $0xFFFFE003, lr  }
0x1b: {  	s9 =	sadd.s32 $0xFFFFFEF7, lr;
	s5 =	simm.s32 $0xFFFFFFFF;
	p2 =	slt.u32 s8, $0xFFFFF086  }
0x1c: {  	p1 =	slt.u32 s9, $0xF7A;
	s5 =	simm.s32 @!p2 $0x0  }
0x1d: {  	s5 =	simm.s32 @p1 $0x1;
	p0 =	seq.s32 s7, s2  }
0x1e: {  	s7 =	smul.u32 @!p0 $0xF7A, s2;
	p2 =	seq.s32 @!p0 s5, $0x0  }
0x1f: {  	s9 =	smul.u32 $0xF7A, s1;
	s8 =	simm.s32 @!p0 $0x1BF5;
	p2 =	por !p2, p0  }
0x20: {  	[sflag:s8] =	ssyncset.s32 @!p0 $0xFFFFF086;
	s6 =	sadd.s32 @!p0 s3, s7;
	s7 =	simm.s32 @!p0 $0x108  }
0x21: {  	s3 =	sadd.s32 s3, s9;
	s6 =	sadd.s32 @!p0 $0x88, s6;
	s7 =	simm.s32 @p2 $0x1082  }
0x22: {  	[simem:s7], [sflag:s8] =	dma.local @!p0 [hbm:s6], $0xF7A  }
0x23: {  	s9 =	sor.u32 $0xD0000000, s2;
	s6 =	simm.s32 $0x108;
	_ =	swait.ge @!p0 [sflag:s8], $0x0  }
0x24: {  	s3 =	sadd.s32 $0x88, s3;
	s6 =	simm.s32 @!p1 $0x1082;
	[sflag:s4] =	ssyncset.s32 $0xFFFFF086  }
0x25: {  	[simem:s6], [sflag:s4] =	dma.local [hbm:s3], $0xF7A  }
0x26: {  	[smem:$0x3F4F] =	sst s1;
	(tag) =	ssettag s2;
	_ =	strace s9  }
0x27: {  	s1 =	sld [smem:$0x3F5F]  }
0x28: {  	s2 =	sld [smem:$0x3F60]  }
0x29: {  	s4 =	sld [smem:$0x3F62]  }
0x2a: {  	p0 =	seq.s32 s5, $0x0;
	s5 =	sld [smem:$0x3F63]  }
0x2b: {  	s6 =	sld [smem:$0x3F64]  }
0x2c: {  	s7 =	sld [smem:$0x3F65]  }
0x2d: {  	s3 =	simm.s32 $0x108;
	s8 =	sld [smem:$0x3F66]  }
0x2e: {  	s3 =	simm.s32 @!p0 $0x1082;
	s9 =	sld [smem:$0x3F67]  }
0x2f: {  	lr =	sadd.s32 s0, s3;
	s0 =	sld [smem:$0x3F5E]  }
0x30: {  	s3 =	sld [smem:$0x3F61]  }
0x31: {  	[smem:$0x3F6A] =	sst s10  }
0x32: {  	s10 =	sld [smem:$0x3F68];
	_ =	sdelay $0x3  }
0x33: {  	p0 =	seq.s32 s10, $0x1;
	s10 =	sld [smem:$0x3F6A];
	_ =	sdelay $0x3  }
0x34: {  	[smem:$0x3F6A] =	sst s10  }
0x35: {  	s10 =	sld [smem:$0x3F69];
	_ =	sdelay $0x3  }
0x36: {  	p1 =	seq.s32 s10, $0x1;
	s10 =	sld [smem:$0x3F6A];
	_ =	sdelay $0x3  }
0x37: {  	[smem:$0x3F6A] =	sst s10  }
0x38: {  	s10 =	sld [smem:$0x3F6B]  }
0x39: {  	_ = 	snop;
	(pc) =	sbr.ind lr, $3  }
0x3a: {  	_ = 	snop  }
0x3b: {  	_ = 	snop  }
0x3c: {  	p2 =	seq.s32 s10, $0x1;
	s10 =	sld [smem:$0x3F6A]  }
0x3d: {  	_ =	shalt  }
0x3e: {  	_ =	shalt  }
0x3f: {  	_ =	shalt  }
0x40: {  	_ =	shalt  }
0x41: {  	_ =	shalt  }
0x42: {  	_ =	shalt  }
0x43: {  	_ =	shalt  }
0x44: {  	_ =	shalt  }
0x45: {  	_ =	shalt  }
0x46: {  	_ =	shalt  }
0x47: {  	_ =	shalt  }
0x48: {  	_ =	shalt  }
0x49: {  	_ =	shalt  }
0x4a: {  	_ =	shalt  }
0x4b: {  	_ =	shalt  }
0x4c: {  	_ =	shalt  }
0x4d: {  	_ =	shalt  }
0x4e: {  	_ =	shalt  }
0x4f: {  	_ =	shalt  }
0x50: {  	_ =	shalt  }
0x51: {  	_ =	shalt  }
0x52: {  	_ =	shalt  }
0x53: {  	_ =	shalt  }
0x54: {  	_ =	shalt  }
0x55: {  	_ =	shalt  }
0x56: {  	_ =	shalt  }
0x57: {  	_ =	shalt  }
0x58: {  	_ =	shalt  }
0x59: {  	_ =	shalt  }
0x5a: {  	_ =	shalt  }
0x5b: {  	_ =	shalt  }
0x5c: {  	_ =	shalt  }
0x5d: {  	_ =	shalt  }
0x5e: {  	_ =	shalt  }
0x5f: {  	_ =	shalt  }
0x60: {  	_ =	shalt  }
0x61: {  	_ =	shalt  }
0x62: {  	_ =	shalt  }
0x63: {  	_ =	shalt  }
0x64: {  	_ =	shalt  }
0x65: {  	_ =	shalt  }
0x66: {  	_ =	shalt  }
0x67: {  	_ =	shalt  }
0x68: {  	_ =	shalt  }
0x69: {  	_ =	shalt  }
0x6a: {  	_ =	shalt  }
0x6b: {  	_ =	shalt  }
0x6c: {  	_ =	shalt  }
0x6d: {  	_ =	shalt  }
0x6e: {  	_ =	shalt  }
0x6f: {  	_ =	shalt  }
0x70: {  	_ =	shalt  }
0x71: {  	_ =	shalt  }
0x72: {  	_ =	shalt  }
0x73: {  	_ =	shalt  }
0x74: {  	_ =	shalt  }
0x75: {  	_ =	shalt  }
0x76: {  	_ =	shalt  }
0x77: {  	_ =	shalt  }
0x78: {  	_ =	shalt  }
0x79: {  	_ =	shalt  }
0x7a: {  	_ =	shalt  }
0x7b: {  	_ =	shalt  }
0x7c: {  	_ =	shalt  }
0x7d: {  	_ =	shalt  }
0x7e: {  	_ =	shalt  }
0x7f: {  	_ =	shalt  }
0x80: {  	_ =	shalt  }
0x81: {  	_ =	shalt  }
0x82: {  	_ =	shalt  }
0x83: {  	_ =	shalt  }
0x84: {  	_ =	shalt  }
0x85: {  	_ =	shalt  }
0x86: {  	_ =	shalt  }
0x87: {  	_ =	shalt  }
.Lfunc_end0:
.L_simem_size_0:
called_computation.4_lowered:
.L_overlay_start_0:
0x88: {  	s2 =	sld [smem:$0x3FD9]  }
0x89: {  	s3 =	sld [smem:$0x3FFE];
	_ =	sdelay $0x1  }
0x8a: {  	s1 =	srdreg.scid  }
0x8b: {  	s0 =	sand.u32 $0x1, s1  }
0x8c: {  	s14 =	sshll.u32 s0, $0xA;
	s2 =	sadd.s32 s3, s2  }
0x8d: {  	s2 =	sadd.s32 s2, s14  }
0x8e: {  	[smem:$0x3F76] =	sst s2  }
0x8f: {  	_ = 	snop  }
0x90: {  	s2 =	sld [smem:$0x3FD0];
	_ =	sdelay $0x2  }
0x91: {  	s15 =	simm.s32 $0xC;
	s4 =	simm.s32 $0x10  }
0x92: {  	[smem:s4], [sflag:s15] =	dma.local [hbm:s2], $0x1  }
0x93: {  	_ =	swait.eq [sflag:s15], $0x1  }
0x94: {  	[sflag:s15] =	ssyncset.done $0x0  }
0x95: {  	s16 =	sld [smem:$0x10];
	[sflag:s15] =	ssyncadd.s32 $0xFFFFFFFF  }
0x96: {  	s17 =	sld [smem:$0x12];
	(tm) =	ssettm $0x1  }
0x97: {  	s18 =	sld [smem:$0x3FFB];
	_ =	sdelay $0x3  }
0x98: {  	_ =	strace s18  }
0x99: {  	s4 =	sld [smem:$0x3FFC];
	_ =	sdelay $0x3  }
0x9a: {  	_ =	strace s4  }
0x9b: {  	s4 =	sld [smem:$0x3FFD];
	_ =	sdelay $0x3  }
0x9c: {  	_ =	strace s4  }
0x9d: {  	_ =	strace $0x8FFFFFFF  }
0x9e: {  	s19 =	sld [smem:$0x3FDB];
	_ =	sdelay $0x1  }
0x9f: {  	s5 =	simm.s32 $_scs_section_size  }
0xa0: {  	s6 =	simm.s32 $_size__tile_overlayer_lowered;
	s7 =	simm.s32 $_tile_overlayer_lowered  }
0xa1: {  	s22 =	simm.s32 $0x1BFF;
	s21 =	sshll.u32 s7, $0x1;
	s4 =	sadd.s32 s5, s19  }
0xa2: {  	s8 =	simm.s32 $0x0;
	s20 =	sshll.u32 s6, $0x1;
	s6 =	sadd.s32 s21, s4  }
0xa3: {  	[timem:s8], [sflag:s22] =	dma.local [hbm:s6], s20  }
0xa4: {  	_ =	swait.ge [sflag:s22], s20  }
0xa5: {  	s5 =	ssub.s32 $0x0, s20;
	[sflag:s22] =	ssyncset.done $0x0  }
0xa6: {  	[sflag:s22] =	ssyncadd.s32 s5;
	_ =	sdelay $0x1  }
0xa7: {  	s23 =	simm.s32 $0x1B8B  }
0xa8: {  	_ =	swait.ge [sflag:s23], $0x1  }
0xa9: {  	[sflag:s23] =	ssyncset.done $0x0  }
0xaa: {  	s25 =	simm.s32 $0x1B8E;
	s24 =	sld [smem:$0x3FFE];
	[sflag:s23] =	ssyncadd.s32 $0xFFFFFFFF  }
0xab: {  	s26 =	simm.s32 $execute0_lowered;
	[smem:$0x3FD2] =	sst s25  }
0xac: {  	s6 =	sshll.u32 s26, $0x1;
	_ =	strace $0x80000046;
	[dreg:$0x1] =	wrdreg $0xFFFFFFFF  }
0xad: {  	s28 =	simm.s32 $_size_execute0_lowered;
	s4 =	sadd.s32 s4, s6;
	[dreg:$0x0] =	wrdreg $0x0  }
0xae: {  	s6 =	sshll.u32 s28, $0x1;
	[dreg:$0x2] =	wrdreg s4  }
0xaf: {  	[dreg:$0x3] =	wrdreg s6  }
0xb0: {  	[dreg:$0x4] =	wrdreg $0xC0  }
0xb1: {  	_ =	task [dreg:s8], $0x5FFFF  }
0xb2: {  	[dreg:$0x1] =	wrdreg $0xFFFFFFFF  }
0xb3: {  	[dreg:$0x0] =	wrdreg $0x60  }
0xb4: {  	[dreg:$0x2] =	wrdreg s24  }
0xb5: {  	[dreg:$0x3] =	wrdreg s17  }
0xb6: {  	[dreg:$0x4] =	wrdreg s16  }
0xb7: {  	[dreg:$0x5] =	wrdreg $0x29200  }
0xb8: {  	[dreg:$0x6] =	wrdreg $0x9  }
0xb9: {  	_ =	task.clear_ibuf [dreg:s8], $0x7FFFF;
	_ =	strace $0x90000046  }
0xba: {  	s29 =	simm.s32 $0x9;
	_ =	strace $0x80000048  }
0xbb: {  	_ =	swait.ge [sflag:s29], $0x1  }
0xbc: {  	[sflag:s29] =	ssyncadd.s32 $0xFFFFFFFF  }
0xbd: {  	_ =	strace $0x90000048  }
0xbe: {  	_ =	sfence  }
0xbf: {  	s30 =	sld [smem:$0x0];
	_ =	sdelay $0x2  }
0xc0: {  	s31 =	sshll.u32 s1, $0xD;
	s1 =	sshrl.u32 s1, $0x2  }
0xc1: {  	s3 =	sand.u32 $0x4000, s31;
	s1 =	sadd.s32 s1, s30  }
0xc2: {  	s0 =	sor.u32 s3, s0;
	s1 =	sshll.u32 s1, $0x11  }
0xc3: {  	s0 =	sor.u32 s1, s0  }
0xc4: {  	s0 =	sadd.s32 $0x8F2B, s0  }
0xc5: {  	[sflag:s0] =	ssyncadd.remote.s32 $0x1  }
0xc6: {  	_ =	sfence.sel $0xFFFF  }
0xc7: {  	[dreg:$0x0] =	wrdreg $0xFFFFFFFF;
	(pc) =	sbr.abs _section_cstart, $3  }
0xc8: {  	[dreg:$0x1] =	wrdreg $0xFFFFFFFF  }
0xc9: {  	_ =	task.clear_ibuf [dreg:s8], $0x2FFFF;
	_ =	strace $0x9FFFFFFF  }
0xca: {  	(tm) =	ssettm $0x7FFFFFFF  }
0xcb: {  	_ =	shalt  }
tec
execute0_lowered:
.L_overlay_start_1:
0x0: {  	(tag) =	ssettag $0x1  }
0x1: {  	s4 =	rddreg [dreg:$0x0]  }
0x2: {  	s1 =	srdreg.scid;
	s6 =	rddreg [dreg:$0x1]  }
0x3: {  	s0 =	stileid.u32;
	s8 =	rddreg [dreg:$0x2]  }
0x4: {  	s10 =	rddreg [dreg:$0x3];
	s3 =	simm.s32 $0x0;
	s16 =	simm.s32 $0x2820  }
0x5: {  	s17 =	simm.s32 $0x1F00;
	s18 =	simm.s32 $0x2300;
	s19 =	simm.s32 $0x2000  }
0x6: {  	s20 =	simm.s32 $0x2400;
	s21 =	simm.s32 $0x2100;
	s22 =	simm.s32 $0x2500  }
0x7: {  	s23 =	simm.s32 $0x0;
	s5 =	sand.u32 $0x1, s1;
	s7 =	sshrl.u32 s0, $0x3  }
0x8: {  	s24 =	sand.u32 $0x7, s0;
	[smem:$0x7FF] =	sst s3;
	s1 =	sshll.u32 s5, $0x1  }
0x9: {  	s2 =	smul.u32 $0x1E00, s24;
	s5 =	ssub.s32 $0x2, s5;
	_ =	strace $0x80000047  }
0xa: {  	s29 =	sshll.u32 s7, $0x8;
	s31 =	sshll.u32 s24, $0x4;
	p0 =	sne.s32 s24, $0x7  }
0xb: {  	p1 =	seq.s32 s24, $0x7;
	p3 =	sgt.u32 s24, $0x4;
	p4 =	sgt.u32 s24, $0x3  }
0xc: {  	p5 =	sgt.u32 s24, $0x2;
	p6 =	sgt.u32 s24, $0x1;
	s9 =	sor.u32 s7, s1  }
0xd: {  	s13 =	sshrl.u32 s5, $0x1;
	s0 =	simm.s32 @!p1 $0x0;
	s11 =	smul.u32 $0xF000, s9  }
0xe: {  	s12 =	smul.u32 $0xA0, s9;
	s13 =	ssub.s32 s5, s13;
	s30 =	sshll.u32 s9, $0x1  }
0xf: {  	s0 =	simm.s32 @p1 $0x1;
	p1 =	sgt.u32 s24, $0x5;
	s6 =	sadd.s32 s6, s30  }
0x10: {  	[smem:$0x7FC] =	sst s0;
	s0 =	simm.s32 @!p1 $0x0;
	s11 =	sadd.s32 s2, s11  }
0x11: {  	s14 =	sadd.s32 s12, s4;
	s8 =	sadd.s32 s8, s12;
	s0 =	simm.s32 @p1 $0x1  }
0x12: {  	p1 =	seq.s32 s24, $0x0;
	s11 =	sshrl.u32 s11, $0x3;
	s9 =	sadd.s32 $0x5400, s14  }
0x13: {  	v0 =	vimm.f32 $0.0e+00;
	v1 =	vimm.s32 $0x0;
	v2 =	vlaneseq.u32;
	s14 =	simm.s32 $0x2200;
	[smem:$0x7FD] =	sst s0;
	s11 =	sadd.s32 s11, s4  }
0x14: {  	vm0 =	vmmov $0xffff;
	v3 =	vor.u32 $0x40, v2;
	v4 =	vor.u32 $0x10, v2;
	s4 =	sadd.s32 s29, s10;
	s10 =	smax.u32 s13, $0x1;
	s13 =	simm.s32 $0x1E00  }
0x15: {  	v5 =	vor.u32 $0x20, v2;
	v6 =	vor.u32 $0x30, v2;
	vm1 =	vmmov @!p0 $0xffff;
	s5 =	sadd.s32 $0x7C00, s11;
	s7 =	sadd.s32 s31, s4;
	s11 =	simm.s32 $0x1  }
.LBB2_1:
0x16: {  	[tilespmem:s3], [sflag:$0x1] =	stream.linear.gather [hbm4b:s5+s3], $0x1E00, $0x38;
	[tilespmem:$0x2940] =	vst v63  }
0x17: {  	_ =	swait.ge [sflag:s11], $0x1E00  }
0x18: {  	[sflag:s11] =	ssyncset.done $0x0  }
0x19: {  	s0 =	simm.s32 $0x2800;
	[sflag:s11] =	ssyncadd.s32 $0xFFFFE200  }
0x1a: {  	[tilespmem:s0], [sflag:$0x1] =	stream.linear.gather [hbm4b:s6+s3], $0x10, $0x38;
	[tilespmem:$0x2940] =	vst v63  }
0x1b: {  	_ =	swait.ge [sflag:s11], $0x10  }
0x1c: {  	[sflag:s11] =	ssyncset.done $0x0  }
0x1d: {  	[sflag:s11] =	ssyncadd.s32 $0xFFFFFFF0  }
0x1e: {  	s24 =	simm.s32 $0x0;
	s25 =	simm.s32 $0x40;
	v7 =	vld [tilespmem:$0x2800]  }
.LBB2_2:
0x1f: {  	p2 =	seq.s32 s25, $0x3C0;
	[tilespmem:s24+$0x2700] =	vst v1  }
0x20: {  	[tilespmem:s24+$0x1E00] =	vst v0  }
0x21: {  	[tilespmem:s24+$0x2200] =	vst v1  }
0x22: {  	[tilespmem:s24+$0x1F00] =	vst v0  }
0x23: {  	[tilespmem:s24+$0x2300] =	vst v1  }
.Ltmp0:
0x24: {  	[tilespmem:s24+$0x2000] =	vst v0;
	(pc) =	sbr.rel @!p2 .LBB2_2-.Ltmp0, $4  }
0x25: {  	[tilespmem:s24+$0x2400] =	vst v1  }
0x26: {  	[tilespmem:s24+$0x2100] =	vst v0  }
0x27: {  	[tilespmem:s24+$0x2500] =	vst v1  }
0x28: {  	[tilespmem:s24+$0x2600] =	vst v0;
	s24 =	sshra.s32 s25, $0x2;
	s25 =	sadd.s32 $0x40, s25  }
0x29: {  	[tilespmem:s24+$0x2700] =	vst v1  }
0x2a: {  	[tilespmem:s24+$0x1E00] =	vst v0  }
0x2b: {  	[tilespmem:s24+$0x2200] =	vst v1  }
0x2c: {  	[tilespmem:s24+$0x1F00] =	vst v0  }
0x2d: {  	[tilespmem:s24+$0x2300] =	vst v1  }
0x2e: {  	[tilespmem:s24+$0x2000] =	vst v0  }
0x2f: {  	[tilespmem:s24+$0x2400] =	vst v1  }
0x30: {  	[tilespmem:s24+$0x2100] =	vst v0  }
0x31: {  	[tilespmem:s24+$0x2500] =	vst v1  }
0x32: {  	[tilespmem:s24+$0x2600] =	vst v0;
	s30 =	simm.s32 $0x0  }
0x33: {  	v9 =	vld [tilespmem:s30+$0x0];
	_ =	sdelay $0x2  }
0x34: {  	v7 =	vbroadcast v7, $0x0;
	_ =	sdelay $0x1  }
0x35: {  	vm2 =	vge.s32 v9, v7  }
0x36: {  	v10 =	vsel vm2, $0x1, v1  }
0x37: {  	(xrf0) =	vadd.scan.msk.s32 $0xffff, v10;
	_ =	sdelay $0x4  }
0x38: {  	v8 =	vimm.s32 $0x0;
	v10 =	vsel vm2, $0xFFFFFFFF, v1  }
0x39: {  	v10 =	vadd.s32 v10, v8;
	v11, _, _ =	vpop (xrf0)  }
0x3a: {  	v10 =	vadd.s32 v11, v10  }
0x3b: {  	vm3 =	vlt.s32 v10, $0x3FF  }
0x3c: {  	v11 =	vnsel vm3, $0x3FF, v10;
	_ =	sdelay $0x4  }
0x3d: {  	v10 =	vmpcnt.ones.xlane vm2;
	[tilespmem:v11+s13+$0x0] =	vst.idx.msk vm2, v9;
	v9 =	vor.u32 s2, v2;
	_ =	sdelay $0x1  }
0x3e: {  	s31 =	simm.s32 $0x10;
	v10 =	vadd.s32 v8, v10;
	[tilespmem:v11+s14+$0x0] =	vst.idx.msk vm2, v9  }
0x3f: {  	s25 =	simm.s32 $0x80;
	s24 =	smov.u32 s2;
	v8 =	vld [tilespmem:s31+$0x0];
	v9 =	vmov v10  }
.LBB2_4:
0x40: {  	p2 =	sne.s32 s25, $0x77C0;
	_ =	sdelay $0x3  }
0x41: {  	vm2 =	vge.s32 v8, v7  }
0x42: {  	v11 =	vsel vm2, $0x1, v1;
	v12 =	vmpcnt.ones.xlane vm2  }
0x43: {  	(xrf0) =	vadd.scan.msk.s32 $0xffff, v11  }
0x44: {  	v10 =	vadd.s32 v10, v12;
	_ =	sdelay $0x3  }
0x45: {  	v11 =	vsel vm2, $0xFFFFFFFF, v1  }
0x46: {  	v11 =	vadd.s32 v11, v9;
	v9 =	vmov v10;
	v12, _, _ =	vpop (xrf0)  }
0x47: {  	v11 =	vadd.s32 v12, v11  }
0x48: {  	vm3 =	vlt.s32 v11, $0x3FF  }
0x49: {  	v11 =	vnsel vm3, $0x3FF, v11;
	_ =	sdelay $0x2  }
.Ltmp1:
0x4a: {  	(pc) =	sbr.rel @p2 .LBB2_4-.Ltmp1, $4  }
0x4b: {  	s24 =	sadd.s32 $0x10, s24  }
0x4c: {  	[tilespmem:v11+s13+$0x0] =	vst.idx.msk vm2, v8;
	v8 =	vor.u32 s24, v2  }
0x4d: {  	s26 =	sshra.s32 s25, $0x2;
	[tilespmem:v11+s14+$0x0] =	vst.idx.msk vm2, v8  }
0x4e: {  	s25 =	sadd.s32 $0x40, s25;
	v8 =	vld [tilespmem:s26+$0x0]  }
0x4f: {  	_ =	sdelay $0x3  }
0x50: {  	vm2 =	vge.s32 v8, v7  }
0x51: {  	v7 =	vmpcnt.ones.xlane vm2;
	_ =	sdelay $0x1  }
0x52: {  	v7 =	vadd.s32 v10, v7  }
0x53: {  	v7 =	vadd.s32 $0xF, v7  }
0x54: {  	v55 =	vsel vm2, $0x1, v1;
	v7 =	vshra.s32 v7, $0x4  }
0x55: {  	(xrf0) =	vadd.scan.msk.s32 $0xffff, v55;
	v56 =	vxor.u32 $0x80000000, v7  }
0x56: {  	(xrf0) =	vmax.scan.msk.u32 $0xffff, v56;
	_ =	sdelay $0x4  }
0x57: {  	v57, _, _ =	vpop (xrf0)  }
0x58: {  	v11, _, _ =	vpop (xrf0)  }
0x59: {  	(v2sf) =	vpush v11, $0xF;
	_ =	sdelay $0x1  }
0x5a: {  	v58 =	vsel vm2, $0xFFFFFFFF, v1  }
0x5b: {  	v9 =	vadd.s32 v58, v9  }
0x5c: {  	v9 =	vadd.s32 v57, v9  }
0x5d: {  	vm3 =	vlt.s32 v9, $0x3FF  }
0x5e: {  	v9 =	vnsel vm3, $0x3FF, v9;
	_ =	sdelay $0x3  }
0x5f: {  	s24 =	sadd.s32 $0x10, s24  }
0x60: {  	[tilespmem:v9+s13+$0x0] =	vst.idx.msk vm2, v8;
	v8 =	vor.u32 s24, v2  }
0x61: {  	[tilespmem:v9+s14+$0x0] =	vst.idx.msk vm2, v8  }
0x62: {  	s0 =	simm.s32 $0x2810;
	[tilespmem:$0x2810] =	vst v7  }
0x63: {  	[spmem:s7] =	stream.linear.scatter [tilespmem:s0], [sflag:$0x1], $0x10, $0x38;
	[tilespmem:$0x2940] =	vst v63  }
0x64: {  	s1 =	spop (v2sf)  }
0x65: {  	_ =	swait.ge [sflag:s11], $0x10  }
0x66: {  	[sflag:s11] =	ssyncset.done $0x0  }
0x67: {  	[sflag:s11] =	ssyncadd.s32 $0xFFFFFFF0  }
0x68: {  	[bflag:$0x0] =	sbarrier.arrive $0xFFFF  }
0x69: {  	[tilespmem:s16], [sflag:$0x1] =	stream.linear.gather [spmem:s4], $0x100, $0x38;
	[tilespmem:$0x2940] =	vst v63  }
0x6a: {  	_ =	swait.ge [sflag:s11], $0x100  }
0x6b: {  	[sflag:s11] =	ssyncset.done $0x0  }
0x6c: {  	[sflag:s11] =	ssyncadd.s32 $0xFFFFFF00  }
0x6d: {  	v7 =	vld [tilespmem:$0x2820]  }
0x6e: {  	v8 =	vld [tilespmem:$0x2830];
	_ =	sdelay $0x1  }
0x6f: {  	v59 =	vld [tilespmem:$0x2840]  }
0x70: {  	v60 =	vld [tilespmem:$0x2850]  }
0x71: {  	(v2sf) =	vpush v7, $0x0;
	v7 =	vld [tilespmem:$0x2860]  }
0x72: {  	(v2sf) =	vpush v8, $0x0;
	_ =	sdelay $0x1  }
0x73: {  	(v2sf) =	vpush v59, $0x0  }
0x74: {  	(v2sf) =	vpush v60, $0x0  }
0x75: {  	v8 =	vld [tilespmem:$0x2870];
	(v2sf) =	vpush v7, $0x0;
	_ =	sdelay $0x4  }
0x76: {  	v61 =	vld [tilespmem:$0x2880];
	(v2sf) =	vpush v8, $0x0;
	_ =	sdelay $0x4  }
0x77: {  	(v2sf) =	vpush v61, $0x0;
	s24 =	spop (v2sf)  }
0x78: {  	s25 =	spop (v2sf)  }
0x79: {  	s30 =	smov.u32 s24;
	s31 =	smov.u32 s25  }
0x7a: {  	s0 =	spop (v2sf);
	s30 =	simm.s32 @p1 $0x0;
	s31 =	simm.s32 @!p6 $0x0  }
0x7b: {  	s12 =	spop (v2sf);
	s26 =	smov.u32 s0;
	s31 =	sadd.s32 s30, s31  }
0x7c: {  	s26 =	simm.s32 @!p5 $0x0;
	s28 =	smov.u32 s12;
	s15 =	spop (v2sf)  }
0x7d: {  	s26 =	sadd.s32 s26, s31;
	s28 =	simm.s32 @!p4 $0x0;
	s29 =	smov.u32 s15  }
0x7e: {  	s26 =	sadd.s32 s28, s26;
	s29 =	simm.s32 @!p3 $0x0  }
0x7f: {  	s26 =	sadd.s32 s29, s26;
	s29 =	sld [smem:$0x7FD];
	_ =	sdelay $0x1  }
0x80: {  	s30 =	spop (v2sf)  }
0x81: {  	s28 =	smov.u32 s30;
	p2 =	seq.s32 s29, $0x1  }
0x82: {  	s28 =	simm.s32 @!p2 $0x0  }
0x83: {  	s26 =	sadd.s32 s28, s26;
	s28 =	sld [smem:$0x7FC];
	_ =	sdelay $0x1  }
0x84: {  	s31 =	spop (v2sf)  }
0x85: {  	s29 =	smov.u32 s31;
	p2 =	seq.s32 s28, $0x1  }
0x86: {  	s29 =	simm.s32 @!p2 $0x0  }
0x87: {  	s26 =	sadd.s32 s29, s26  }
0x88: {  	s1 =	sxor.u32 $0x80000000, s1;
	v7 =	vadd.s32 s26, v2  }
0x89: {  	v8 =	vmov s1;
	vm2 =	vlt.s32 v7, $0x3F  }
0x8a: {  	vm3 =	vgt.s32 v8, v2;
	v7 =	vnsel vm2, $0x3F, v7  }
0x8b: {  	v7 =	vsel vm3, v7, v3;
	_ =	sdelay $0x4  }
0x8c: {  	v9 =	vld [tilespmem:$0x2890];
	v62 =	vadd.s32 s26, v4;
	[hbm4b:s8+s3] =	stream.indirect_vreg.scatter [tilespmem:s13], [sflag:$0x1], $0x10, v7, vm0, $0xb8  }
0x8d: {  	vm2 =	vlt.s32 v62, $0x3F;
	_ =	swait.ge [sflag:s11], $0x100  }
0x8e: {  	vm3 =	vgt.s32 v8, v4;
	v10 =	vnsel vm2, $0x3F, v62;
	[sflag:s11] =	ssyncset.done $0x0  }
0x8f: {  	v10 =	vsel vm3, v10, v3;
	[sflag:s11] =	ssyncadd.s32 $0xFFFFFF00  }
0x90: {  	[hbm4b:s9+s3] =	stream.indirect_vreg.scatter [tilespmem:s14], [sflag:$0x1], $0x10, v7, vm0, $0xb8;
	[tilespmem:$0x2940] =	vst v63  }
0x91: {  	_ =	swait.ge [sflag:s11], $0x100  }
0x92: {  	[sflag:s11] =	ssyncset.done $0x0  }
0x93: {  	[sflag:s11] =	ssyncadd.s32 $0xFFFFFF00  }
0x94: {  	v7 =	vadd.s32 s26, v5;
	[hbm4b:s8+s3] =	stream.indirect_vreg.scatter [tilespmem:s17], [sflag:$0x1], $0x10, v10, vm0, $0xb8;
	[tilespmem:$0x2940] =	vst v63  }
0x95: {  	vm2 =	vlt.s32 v7, $0x3F;
	_ =	swait.ge [sflag:s11], $0x100  }
0x96: {  	vm3 =	vgt.s32 v8, v5;
	v7 =	vnsel vm2, $0x3F, v7;
	[sflag:s11] =	ssyncset.done $0x0  }
0x97: {  	v7 =	vsel vm3, v7, v3;
	[sflag:s11] =	ssyncadd.s32 $0xFFFFFF00  }
0x98: {  	[hbm4b:s9+s3] =	stream.indirect_vreg.scatter [tilespmem:s18], [sflag:$0x1], $0x10, v10, vm0, $0xb8;
	[tilespmem:$0x2940] =	vst v63  }
0x99: {  	_ =	swait.ge [sflag:s11], $0x100  }
0x9a: {  	[sflag:s11] =	ssyncset.done $0x0  }
0x9b: {  	[sflag:s11] =	ssyncadd.s32 $0xFFFFFF00  }
0x9c: {  	v63 =	vadd.s32 s26, v6;
	[hbm4b:s8+s3] =	stream.indirect_vreg.scatter [tilespmem:s19], [sflag:$0x1], $0x10, v7, vm0, $0xb8;
	[tilespmem:$0x2940] =	vst v63  }
0x9d: {  	vm2 =	vlt.s32 v63, $0x3F;
	_ =	swait.ge [sflag:s11], $0x100  }
0x9e: {  	vm3 =	vgt.s32 v8, v6;
	v8 =	vnsel vm2, $0x3F, v63;
	[sflag:s11] =	ssyncset.done $0x0  }
0x9f: {  	v8 =	vsel vm3, v8, v3;
	[sflag:s11] =	ssyncadd.s32 $0xFFFFFF00  }
0xa0: {  	[hbm4b:s9+s3] =	stream.indirect_vreg.scatter [tilespmem:s20], [sflag:$0x1], $0x10, v7, vm0, $0xb8;
	[tilespmem:$0x2940] =	vst v63  }
0xa1: {  	_ =	swait.ge [sflag:s11], $0x100  }
0xa2: {  	[sflag:s11] =	ssyncset.done $0x0  }
0xa3: {  	[sflag:s11] =	ssyncadd.s32 $0xFFFFFF00  }
0xa4: {  	[hbm4b:s8+s3] =	stream.indirect_vreg.scatter [tilespmem:s21], [sflag:$0x1], $0x10, v8, vm0, $0xb8;
	[tilespmem:$0x2940] =	vst v63  }
0xa5: {  	_ =	swait.ge [sflag:s11], $0x100  }
0xa6: {  	[sflag:s11] =	ssyncset.done $0x0  }
0xa7: {  	[sflag:s11] =	ssyncadd.s32 $0xFFFFFF00  }
0xa8: {  	[hbm4b:s9+s3] =	stream.indirect_vreg.scatter [tilespmem:s22], [sflag:$0x1], $0x10, v8, vm0, $0xb8;
	[tilespmem:$0x2940] =	vst v63  }
0xa9: {  	_ =	swait.ge [sflag:s11], $0x100  }
0xaa: {  	(v2sf) =	vpush @!p0 v9, $0x0;
	_ =	sdelay $0x9  }
0xab: {  	s1 =	sadd.s32 @!p0 s24, s25  }
0xac: {  	s0 =	sadd.s32 @!p0 s0, s1  }
0xad: {  	s0 =	sadd.s32 @!p0 s12, s0  }
0xae: {  	s0 =	sadd.s32 @!p0 s15, s0  }
0xaf: {  	s0 =	sadd.s32 @!p0 s30, s0  }
0xb0: {  	s0 =	sadd.s32 @!p0 s31, s0;
	s1 =	spop @!p0 (v2sf)  }
0xb1: {  	v7 =	vlaneseq.u32 @!p0;
	s0 =	sadd.s32 @!p0 s1, s0  }
0xb2: {  	v8 =	vadd.s32 @!p0 s0, v7  }
0xb3: {  	vm2 =	vlt.s32 @!p0 v8, $0x4F  }
0xb4: {  	v8 =	vnsel @!p0 vm2, $0x4F, v8;
	_ =	sdelay $0x2  }
0xb5: {  	s12 =	simm.s32 @!p0 $0x2600;
	s15 =	simm.s32 @!p0 $0x1;
	[sflag:s11] =	ssyncset.done $0x0  }
0xb6: {  	[sflag:s11] =	ssyncadd.s32 $0xFFFFFF00;
	s1 =	simm.s32 @!p0 $0x0;
	s24 =	sadd.s32 @!p0 $0x10, s0  }
0xb7: {  	[hbm4b:s8+s1] =	stream.indirect_vreg.scatter @!p0 [tilespmem:s12], [sflag:$0x1], $0x10, v8, vm1, $0xb8;
	[tilespmem:$0x2940] =	vst v63  }
0xb8: {  	v9 =	vadd.s32 @!p0 s24, v7;
	_ =	swait.ge @!p0 [sflag:s15], $0x100  }
0xb9: {  	vm2 =	vlt.s32 @!p0 v9, $0x4F;
	[sflag:s15] =	ssyncset.done @!p0 $0x0  }
0xba: {  	s24 =	simm.s32 @!p0 $0x2700;
	v9 =	vnsel @!p0 vm2, $0x4F, v9;
	[sflag:s15] =	ssyncadd.s32 @!p0 $0xFFFFFF00  }
0xbb: {  	[hbm4b:s9+s1] =	stream.indirect_vreg.scatter @!p0 [tilespmem:s24], [sflag:$0x1], $0x10, v8, vm1, $0xb8;
	[tilespmem:$0x2940] =	vst v63  }
0xbc: {  	_ =	swait.ge @!p0 [sflag:s15], $0x100  }
0xbd: {  	[sflag:s15] =	ssyncset.done @!p0 $0x0  }
0xbe: {  	s25 =	sadd.s32 @!p0 $0x20, s0;
	[sflag:s15] =	ssyncadd.s32 @!p0 $0xFFFFFF00  }
0xbf: {  	[hbm4b:s8+s1] =	stream.indirect_vreg.scatter @!p0 [tilespmem:s12], [sflag:$0x1], $0x10, v9, vm1, $0xb8;
	[tilespmem:$0x2940] =	vst v63  }
0xc0: {  	v8 =	vadd.s32 @!p0 s25, v7;
	_ =	swait.ge @!p0 [sflag:s15], $0x100  }
0xc1: {  	vm2 =	vlt.s32 @!p0 v8, $0x4F;
	[sflag:s15] =	ssyncset.done @!p0 $0x0  }
0xc2: {  	v8 =	vnsel @!p0 vm2, $0x4F, v8;
	[sflag:s15] =	ssyncadd.s32 @!p0 $0xFFFFFF00  }
0xc3: {  	[hbm4b:s9+s1] =	stream.indirect_vreg.scatter @!p0 [tilespmem:s24], [sflag:$0x1], $0x10, v9, vm1, $0xb8;
	[tilespmem:$0x2940] =	vst v63  }
0xc4: {  	_ =	swait.ge @!p0 [sflag:s15], $0x100  }
0xc5: {  	[sflag:s15] =	ssyncset.done @!p0 $0x0  }
0xc6: {  	s0 =	sadd.s32 @!p0 $0x30, s0;
	[sflag:s15] =	ssyncadd.s32 @!p0 $0xFFFFFF00  }
0xc7: {  	[hbm4b:s8+s1] =	stream.indirect_vreg.scatter @!p0 [tilespmem:s12], [sflag:$0x1], $0x10, v8, vm1, $0xb8;
	[tilespmem:$0x2940] =	vst v63  }
0xc8: {  	v7 =	vadd.s32 @!p0 s0, v7;
	_ =	swait.ge @!p0 [sflag:s15], $0x100  }
0xc9: {  	vm2 =	vlt.s32 @!p0 v7, $0x4F;
	[sflag:s15] =	ssyncset.done @!p0 $0x0  }
0xca: {  	v7 =	vnsel @!p0 vm2, $0x4F, v7;
	[sflag:s15] =	ssyncadd.s32 @!p0 $0xFFFFFF00  }
0xcb: {  	[hbm4b:s9+s1] =	stream.indirect_vreg.scatter @!p0 [tilespmem:s24], [sflag:$0x1], $0x10, v8, vm1, $0xb8;
	[tilespmem:$0x2940] =	vst v63  }
0xcc: {  	_ =	swait.ge @!p0 [sflag:s15], $0x100  }
0xcd: {  	[sflag:s15] =	ssyncset.done @!p0 $0x0  }
0xce: {  	[sflag:s15] =	ssyncadd.s32 @!p0 $0xFFFFFF00  }
0xcf: {  	[hbm4b:s8+s1] =	stream.indirect_vreg.scatter @!p0 [tilespmem:s12], [sflag:$0x1], $0x10, v7, vm1, $0xb8;
	[tilespmem:$0x2940] =	vst v63  }
0xd0: {  	s23 =	sadd.s32 $0x1, s23;
	_ =	swait.ge @!p0 [sflag:s15], $0x100  }
0xd1: {  	p2 =	sne.s32 s23, s10;
	[sflag:s15] =	ssyncset.done @!p0 $0x0  }
.Ltmp2:
0xd2: {  	[sflag:s15] =	ssyncadd.s32 @!p0 $0xFFFFFF00;
	(pc) =	sbr.rel @p2 .LBB2_1-.Ltmp2, $4  }
0xd3: {  	[hbm4b:s9+s1] =	stream.indirect_vreg.scatter @!p0 [tilespmem:s24], [sflag:$0x1], $0x10, v7, vm1, $0xb8;
	[tilespmem:$0x2940] =	vst v63  }
0xd4: {  	_ =	swait.ge @!p0 [sflag:s15], $0x100  }
0xd5: {  	[sflag:s15] =	ssyncset.done @!p0 $0x0  }
0xd6: {  	[sflag:s15] =	ssyncadd.s32 @!p0 $0xFFFFFF00  }
0xd7: {  	_ =	sfence.sel $0x180000  }
0xd8: {  	[bflag:$0x0] =	sbarrier.arrive $0xFFFF  }
0xd9: {  	_ =	strace $0x90000047  }
0xda: {  	s0 =	stileid.u32;
	[bflag:$0x2] =	sbarrier.arrive $0xFFFF  }
0xdb: {  	p0 =	sne.s32 s0, $0x0;
	s0 =	rddreg [dreg:$0x4]  }
0xdc: {  	s0 =	sadd.s32 @!p0 $0x100000, s0  }
0xdd: {  	[sflag:s0] =	ssyncadd.tile.s32 @!p0 $0x1;
	_ =	shalt  }
.Lfunc_end2:
_tile_overlayer_lowered:
.L_overlay_start_2:
0xde: {  	(tag) =	ssettag $0x2  }
0xdf: {  	s0 =	rddreg [dreg:$0x0];
	s2 =	stileid.u32  }
0xe0: {  	s1 =	rddreg [dreg:$0x1];
	p0 =	sne.s32 s2, $0x0  }
0xe1: {  	s3 =	rddreg [dreg:$0x2];
	[bflag:$0x3] =	sbarrier.arrive $0xFFFF;
	s2 =	simm.s32 @!p0 $0x1C01  }
0xe2: {  	[timem:s3], [sflag:s2] =	dma.local @!p0 [hbm:s0], s1  }
0xe3: {  	s0 =	simm.s32 @!p0 $0x1  }
0xe4: {  	_ =	swait.ge @!p0 [sflag:s0], s1  }
0xe5: {  	s1 =	ssub.s32 @!p0 $0x0, s1;
	[sflag:s0] =	ssyncset.done @!p0 $0x0  }
0xe6: {  	[sflag:s0] =	ssyncadd.s32 @!p0 s1  }
0xe7: {  	[bflag:$0x3] =	sbarrier.arrive $0xFFFF  }
0xe8: {  	_ =	shalt  }

</sc_bundles>
